<compile_context>
chip_gen: v7x
topology: tpu7x:2x2x1
jax: 0.10.2.dev20260603
libtpu: 0.0.44.dev20260713+nightly
codegen_flags: <defaults>
</compile_context>

<pallas_src>
import functools

import jax
import jax.numpy as jnp
from jax import lax
from jax.experimental import pallas as pl
from jax.experimental.pallas import tpu as pltpu
from jax.experimental.pallas import tpu_sc as plsc

H = 64
MAXF = 20
NTOK = 4096 * 50
NW = 32
TPW = NTOK // NW
C = 128
NCH = TPW // C


def _sc_embed(stk, w_key, w_query, w_value, w_comb):
    mesh = plsc.VectorSubcoreMesh(core_axis_name="c", subcore_axis_name="s")

    @functools.partial(
        pl.kernel,
        out_type=(jax.ShapeDtypeStruct((NTOK, H), jnp.float32),) * 3,
        mesh=mesh,
        scratch_types=[
            [pltpu.VMEM((3, C), jnp.int32)] * 2,
            [pltpu.VMEM((C,), jnp.int32)] * 2,
            [pltpu.VMEM((C,), jnp.int32)] * 2,
            [pltpu.VMEM((C, H), jnp.float32)] * 2,
            [pltpu.VMEM((C, H), jnp.float32)] * 2,
            [pltpu.VMEM((C, H), jnp.float32)] * 2,
            [pltpu.VMEM((C, H), jnp.float32)] * 2,
            [pltpu.VMEM((C, H), jnp.float32)] * 2,
            [pltpu.VMEM((C, H), jnp.float32)] * 2,
            [pltpu.VMEM((C, H), jnp.float32)] * 2,
            [pltpu.SemaphoreType.DMA] * 2,
            [pltpu.SemaphoreType.DMA] * 2,
            [pltpu.SemaphoreType.DMA] * 2,
        ],
        compiler_params=pltpu.CompilerParams(use_tc_tiling_on_sc=False),
    )
    def body(stk_hbm, wk_hbm, wq_hbm, wv_hbm, wc_hbm,
             hk_hbm, hq_hbm, hv_hbm,
             sidx, tidx, cidx, kb, qb, vb, tb, ko, qo, vo, ssem, gsem, osem):
        wid = lax.axis_index("s") * 2 + lax.axis_index("c")
        base0 = wid * TPW

        def stage(g, s):
            pltpu.async_copy(
                stk_hbm.at[:, pl.ds(base0 + g * C, C)], sidx[s], ssem[s])

        def wait_stage(s):
            pltpu.make_async_copy(
                stk_hbm.at[:, pl.ds(0, C)], sidx[s], ssem[s]).wait()

        def fire(g, s):
            wait_stage(s)
            for i in range(C // 16):
                sl = pl.ds(i * 16, 16)
                tidx[s][sl] = sidx[s][0, sl]
                cidx[s][sl] = (jnp.minimum(sidx[s][1, sl], MAXF - 1) * MAXF
                               + jnp.minimum(sidx[s][2, sl], MAXF - 1))
            pltpu.async_copy(wk_hbm.at[tidx[s]], kb[s], gsem[s])
            pltpu.async_copy(wq_hbm.at[tidx[s]], qb[s], gsem[s])
            pltpu.async_copy(wv_hbm.at[tidx[s]], vb[s], gsem[s])
            pltpu.async_copy(wc_hbm.at[cidx[s]], tb[s], gsem[s])

        def wait_gathers(s):
            pltpu.make_async_copy(wk_hbm.at[tidx[s]], kb[s], gsem[s]).wait()
            pltpu.make_async_copy(wq_hbm.at[tidx[s]], qb[s], gsem[s]).wait()
            pltpu.make_async_copy(wv_hbm.at[tidx[s]], vb[s], gsem[s]).wait()
            pltpu.make_async_copy(wc_hbm.at[cidx[s]], tb[s], gsem[s]).wait()

        def compute(s):
            def row(r, carry):
                for j in range(H // 16):
                    sl = pl.ds(j * 16, 16)
                    t = tb[s][r, sl]
                    k = kb[s][r, sl] + t
                    q = qb[s][r, sl] + t
                    vo[s][r, sl] = vb[s][r, sl] + t
                    ek = jnp.exp(k + k)
                    ko[s][r, sl] = 1.0 - 2.0 / (ek + 1.0)
                    eq = jnp.exp(q + q)
                    qo[s][r, sl] = 1.0 - 2.0 / (eq + 1.0)
                return carry

            lax.fori_loop(0, C, row, None, unroll=False)

        def fire_outs(g, s):
            base = base0 + g * C
            pltpu.async_copy(ko[s], hk_hbm.at[pl.ds(base, C)], osem[s])
            pltpu.async_copy(qo[s], hq_hbm.at[pl.ds(base, C)], osem[s])
            pltpu.async_copy(vo[s], hv_hbm.at[pl.ds(base, C)], osem[s])

        def drain_outs(s):
            pltpu.make_async_copy(
                ko[s], hk_hbm.at[pl.ds(0, C)], osem[s]).wait()
            pltpu.make_async_copy(
                qo[s], hq_hbm.at[pl.ds(0, C)], osem[s]).wait()
            pltpu.make_async_copy(
                vo[s], hv_hbm.at[pl.ds(0, C)], osem[s]).wait()

        stage(0, 0)
        stage(1, 1)
        fire(0, 0)

        def step(gg, carry):
            g0 = 2 * gg
            wait_gathers(0)

            @pl.when(gg < NCH // 2 - 1)
            def _():
                stage(g0 + 2, 0)

            @pl.when(gg > 0)
            def _():
                drain_outs(1)

            fire(g0 + 1, 1)
            compute(0)
            fire_outs(g0, 0)
            wait_gathers(1)

            @pl.when(gg < NCH // 2 - 1)
            def _():
                stage(g0 + 3, 1)

            drain_outs(0)

            @pl.when(gg < NCH // 2 - 1)
            def _():
                fire(g0 + 2, 0)

            compute(1)
            fire_outs(g0 + 1, 1)
            return carry

        lax.fori_loop(0, NCH // 2, step, None, unroll=False)
        drain_outs(1)

    return body(stk, w_key, w_query, w_value, w_comb)


def _mask_body(tids_ref, ta_ref, tb_ref, bx_ref, sizes_ref, pm_ref):
    t = tids_ref[...]
    bx = t == 0
    bx_ref[...] = bx
    nz = jnp.logical_not(bx)
    sizes_ref[...] = jnp.sum(nz.astype(jnp.int32), axis=0, keepdims=True)
    L, BB = t.shape
    nza = ta_ref[...] != 0
    nzb = tb_ref[...] != 0
    pm_ref[...] = jnp.logical_and(
        jnp.broadcast_to(nza, (L, L, BB)),
        jnp.broadcast_to(nzb, (L, L, BB)))


def _tc_masks(doc_tids):
    B, L = doc_tids.shape
    BB = 1024
    tT = doc_tids.T
    bxT, sizesT, pmT = pl.pallas_call(
        _mask_body,
        grid=(B // BB,),
        in_specs=[
            pl.BlockSpec((L, BB), lambda i: (0, i)),
            pl.BlockSpec((L, 1, BB), lambda i: (0, 0, i)),
            pl.BlockSpec((1, L, BB), lambda i: (0, 0, i)),
        ],
        out_specs=(
            pl.BlockSpec((L, BB), lambda i: (0, i)),
            pl.BlockSpec((1, BB), lambda i: (0, i)),
            pl.BlockSpec((L, L, BB), lambda i: (0, 0, i)),
        ),
        out_shape=(
            jax.ShapeDtypeStruct((L, B), jnp.bool_),
            jax.ShapeDtypeStruct((1, B), jnp.int32),
            jax.ShapeDtypeStruct((L, L, B), jnp.bool_),
        ),
    )(tT, tT.reshape(L, 1, B), tT.reshape(1, L, B))
    return bxT.T, sizesT.T, jnp.transpose(pmT, (2, 0, 1))


def kernel(doc_tids, TFs, DFs, W_key, W_query, W_value, W_tf, W_df):
    B, L = doc_tids.shape
    tids = doc_tids.astype(jnp.int32)
    w_comb = (W_tf[:, None, :] + W_df[None, :, :]).reshape(MAXF * MAXF, H)
    bx_packed, doc_sizes, pad_mask = _tc_masks(tids)
    stk = jnp.stack([tids.reshape(-1),
                     TFs.astype(jnp.int32).reshape(-1),
                     DFs.astype(jnp.int32).reshape(-1)])
    hk, hq, hv = _sc_embed(stk, W_key, W_query, W_value, w_comb)
    shape3 = (B, L, H)
    return (hk.reshape(shape3), hq.reshape(shape3), hv.reshape(shape3),
            bx_packed, doc_sizes, pad_mask)

# --- scband reference (transcript-rebuilt; emitter-appended) ---
"""Pipeline reference for scband-etcembedding-48490180772016 (READ-ONLY COPY).

The authoritative reference and input builder live on the scoring server;
editing this copy changes nothing except your own understanding.
"""

import jax, jax.numpy as jnp
import numpy as np

VOCAB = 100000
H = 64
MAXF = 20
B = 4096
L = 50


def _xavier_emb(key, shape):
    # torch xavier_normal_: std = sqrt(2 / (fan_in + fan_out)) with fan_in=shape[1], fan_out=shape[0]
    std = (2.0 / (shape[0] + shape[1])) ** 0.5
    w = jax.random.normal(key, shape, dtype=jnp.float32) * std
    # padding_idx=0 -> row 0 is zero
    return w.at[0].set(0.0)


def setup_inputs(seed: int = 0) -> dict:
    key = jax.random.key(seed)
    ks = jax.random.split(key, 8)
    doc_tids = jax.random.randint(ks[0], (B, L), 0, VOCAB, dtype=jnp.int64 if jax.config.jax_enable_x64 else jnp.int32)
    TFs = jax.random.randint(ks[1], (B, L), 0, MAXF, dtype=doc_tids.dtype)
    DFs = jax.random.randint(ks[2], (B, L), 0, MAXF, dtype=doc_tids.dtype)
    W_key = _xavier_emb(ks[3], (VOCAB, H))
    W_query = _xavier_emb(ks[4], (VOCAB, H))
    W_value = _xavier_emb(ks[5], (VOCAB, H))
    W_tf = _xavier_emb(ks[6], (MAXF, H))
    W_df = _xavier_emb(ks[7], (MAXF, H))
    return {"doc_tids": doc_tids, "TFs": TFs, "DFs": DFs,
            "W_key": W_key, "W_query": W_query, "W_value": W_value,
            "W_tf": W_tf, "W_df": W_df}


def reference(doc_tids, TFs, DFs, W_key, W_query, W_value, W_tf, W_df):
    # dropout is identity in eval mode
    bx_packed = doc_tids == 0
    pad_mask_1d = jnp.logical_not(bx_packed)
    doc_sizes = pad_mask_1d.sum(axis=1).reshape(doc_tids.shape[0], 1)
    pm = pad_mask_1d[:, :, None]
    pad_mask = jnp.logical_and(pm, jnp.transpose(pm, (0, 2, 1)))

    h_key = jnp.take(W_key, doc_tids, axis=0)
    h_query = jnp.take(W_query, doc_tids, axis=0)
    h_value = jnp.take(W_value, doc_tids, axis=0)

    TFc = jnp.clip(TFs, None, MAXF - 1)
    h_TFs = jnp.take(W_tf, TFc, axis=0)
    h_value = h_value + h_TFs
    h_query = h_query + h_TFs
    h_key = h_key + h_TFs

    DFc = jnp.clip(DFs, None, MAXF - 1)
    h_DFs = jnp.take(W_df, DFc, axis=0)
    h_value = h_value + h_DFs
    h_query = h_query + h_DFs
    h_key = h_key + h_DFs

    h_key = jnp.tanh(h_key)
    h_query = jnp.tanh(h_query)

    return (h_key, h_query, h_value, bx_packed, doc_sizes, pad_mask)

if __name__ == "__main__":
    import jax
    _d = setup_inputs()
    print(jax.jit(kernel)(*tuple(_d.values())))

</pallas_src>

<mosaic_0001>
#map = affine_map<(d0, d1) -> (0, 0)>
module attributes {stable_mosaic.version = 14 : i64} {
  func.func @body(%arg0: i32, %arg1: i32, %arg2: memref<3x204800xi32, #tpu.memory_space<hbm>>, %arg3: memref<100000x64xf32, #tpu.memory_space<hbm>>, %arg4: memref<100000x64xf32, #tpu.memory_space<hbm>>, %arg5: memref<100000x64xf32, #tpu.memory_space<hbm>>, %arg6: memref<400x64xf32, #tpu.memory_space<hbm>>, %arg7: memref<204800x64xf32, #tpu.memory_space<hbm>>, %arg8: memref<204800x64xf32, #tpu.memory_space<hbm>>, %arg9: memref<204800x64xf32, #tpu.memory_space<hbm>>, %arg10: memref<3x128xi32, #tpu.memory_space<vmem>>, %arg11: memref<3x128xi32, #tpu.memory_space<vmem>>, %arg12: memref<128xi32, #tpu.memory_space<vmem>>, %arg13: memref<128xi32, #tpu.memory_space<vmem>>, %arg14: memref<128xi32, #tpu.memory_space<vmem>>, %arg15: memref<128xi32, #tpu.memory_space<vmem>>, %arg16: memref<128x64xf32, #tpu.memory_space<vmem>>, %arg17: memref<128x64xf32, #tpu.memory_space<vmem>>, %arg18: memref<128x64xf32, #tpu.memory_space<vmem>>, %arg19: memref<128x64xf32, #tpu.memory_space<vmem>>, %arg20: memref<128x64xf32, #tpu.memory_space<vmem>>, %arg21: memref<128x64xf32, #tpu.memory_space<vmem>>, %arg22: memref<128x64xf32, #tpu.memory_space<vmem>>, %arg23: memref<128x64xf32, #tpu.memory_space<vmem>>, %arg24: memref<128x64xf32, #tpu.memory_space<vmem>>, %arg25: memref<128x64xf32, #tpu.memory_space<vmem>>, %arg26: memref<128x64xf32, #tpu.memory_space<vmem>>, %arg27: memref<128x64xf32, #tpu.memory_space<vmem>>, %arg28: memref<128x64xf32, #tpu.memory_space<vmem>>, %arg29: memref<128x64xf32, #tpu.memory_space<vmem>>, %arg30: memref<!tpu.dma_semaphore, #tpu.memory_space<semaphore_mem>>, %arg31: memref<!tpu.dma_semaphore, #tpu.memory_space<semaphore_mem>>, %arg32: memref<!tpu.dma_semaphore, #tpu.memory_space<semaphore_mem>>, %arg33: memref<!tpu.dma_semaphore, #tpu.memory_space<semaphore_mem>>, %arg34: memref<!tpu.dma_semaphore, #tpu.memory_space<semaphore_mem>>, %arg35: memref<!tpu.dma_semaphore, #tpu.memory_space<semaphore_mem>>) attributes {dimension_semantics = [#tpu.dimension_semantics<core_parallel>, #tpu.dimension_semantics<subcore_parallel>], iteration_bounds = array<i64: 2, 16>, scalar_prefetch = 0 : i64, scratch_operands = 26 : i64, tpu.core_type = #tpu.core_type<sc_vector_subcore>, window_params = [{transform_indices = #map}, {transform_indices = #map}, {transform_indices = #map}, {transform_indices = #map}, {transform_indices = #map}, {transform_indices = #map}, {transform_indices = #map}, {transform_indices = #map}]} {
    %mul3A = arith.constant 2 : i32
    %mul3A_0 = arith.muli %arg1, %mul3A : i32
    %add3A = arith.addi %mul3A_0, %arg0 : i32
    %mul3A_1 = arith.constant 6400 : i32
    %mul3A_2 = arith.muli %add3A, %mul3A_1 : i32
    %add3A_3 = arith.constant 0 : i32
    %add3A_4 = arith.addi %mul3A_2, %add3A_3 : i32
    %dma_start3A = arith.constant 0 : i32
    %dma_start3A_5 = tpu.memref_slice %arg2[%dma_start3A, %add3A_4] : memref<3x204800xi32, #tpu.memory_space<hbm>> -> memref<3x128xi32, #tpu.memory_space<hbm>>
    %dma_start3A_6 = arith.constant 0 : i32
    %dma_start3A_7 = tpu.memref_slice %arg2[%dma_start3A_6, %add3A_4] : memref<3x204800xi32, #tpu.memory_space<hbm>> -> memref<3x128xi32, #tpu.memory_space<hbm>>
    tpu.enqueue_dma source(%dma_start3A_7 : memref<3x128xi32, #tpu.memory_space<hbm>>) target(%arg10 : memref<3x128xi32, #tpu.memory_space<vmem>>) target_semaphore(%arg30 : memref<!tpu.dma_semaphore, #tpu.memory_space<semaphore_mem>>)
    %add3A_8 = arith.constant 128 : i32
    %add3A_9 = arith.addi %mul3A_2, %add3A_8 : i32
    %dma_start3A_10 = arith.constant 0 : i32
    %dma_start3A_11 = tpu.memref_slice %arg2[%dma_start3A_10, %add3A_9] : memref<3x204800xi32, #tpu.memory_space<hbm>> -> memref<3x128xi32, #tpu.memory_space<hbm>>
    %dma_start3A_12 = arith.constant 0 : i32
    %dma_start3A_13 = tpu.memref_slice %arg2[%dma_start3A_12, %add3A_9] : memref<3x204800xi32, #tpu.memory_space<hbm>> -> memref<3x128xi32, #tpu.memory_space<hbm>>
    tpu.enqueue_dma source(%dma_start3A_13 : memref<3x128xi32, #tpu.memory_space<hbm>>) target(%arg11 : memref<3x128xi32, #tpu.memory_space<vmem>>) target_semaphore(%arg31 : memref<!tpu.dma_semaphore, #tpu.memory_space<semaphore_mem>>)
    %dma_wait3A = arith.constant 0 : i32
    %dma_wait3A_14 = arith.constant 0 : i32
    %dma_wait3A_15 = tpu.memref_slice %arg2[%dma_wait3A, %dma_wait3A_14] : memref<3x204800xi32, #tpu.memory_space<hbm>> -> memref<3x128xi32, #tpu.memory_space<hbm>>
    %dma_wait3A_16 = arith.constant 0 : i32
    %dma_wait3A_17 = arith.constant 0 : i32
    %dma_wait3A_18 = tpu.memref_slice %arg2[%dma_wait3A_16, %dma_wait3A_17] : memref<3x204800xi32, #tpu.memory_space<hbm>> -> memref<3x128xi32, #tpu.memory_space<hbm>>
    tpu.wait_dma2 semaphore(%arg30 : memref<!tpu.dma_semaphore, #tpu.memory_space<semaphore_mem>>) src(%dma_wait3A_18 : memref<3x128xi32, #tpu.memory_space<hbm>>) dst(%arg10 : memref<3x128xi32, #tpu.memory_space<vmem>>)
    %get3A = arith.constant 0 : i32
    %get3A_19 = arith.index_cast %get3A : i32 to index
    %get3A_20 = arith.constant 0 : index
    %get3A_21 = tpu.vector_load %arg10[%get3A_19, %get3A_20] {strides = array<i32>} : memref<3x128xi32, #tpu.memory_space<vmem>>, vector<1x16xi32>,
    %get3A_22 = vector.shape_cast %get3A_21 : vector<1x16xi32> to vector<16xi32>
    %swap3A = arith.constant 0 : index
    %swap3A_23 = tpu.vector_load %arg12[%swap3A] {strides = array<i32>} : memref<128xi32, #tpu.memory_space<vmem>>, vector<16xi32>,
    %swap3A_24 = vector.shape_cast %swap3A_23 : vector<16xi32> to vector<16xi32>
    %swap3A_25 = vector.shape_cast %get3A_22 : vector<16xi32> to vector<16xi32>
    tpu.vector_store %arg12[%swap3A], %swap3A_25 {strides = array<i32>} : memref<128xi32, #tpu.memory_space<vmem>>, vector<16xi32>,
    %get3A_26 = arith.constant 1 : i32
    %get3A_27 = arith.index_cast %get3A_26 : i32 to index
    %get3A_28 = arith.constant 0 : index
    %get3A_29 = tpu.vector_load %arg10[%get3A_27, %get3A_28] {strides = array<i32>} : memref<3x128xi32, #tpu.memory_space<vmem>>, vector<1x16xi32>,
    %get3A_30 = vector.shape_cast %get3A_29 : vector<1x16xi32> to vector<16xi32>
    %min3A = arith.constant 19 : i32
    %min3A_31 = vector.broadcast %min3A : i32 to vector<16xi32>
    %min3A_32 = arith.minsi %get3A_30, %min3A_31 : vector<16xi32>
    %mul3A_33 = arith.constant 20 : i32
    %mul3A_34 = vector.broadcast %mul3A_33 : i32 to vector<16xi32>
    %mul3A_35 = arith.muli %min3A_32, %mul3A_34 : vector<16xi32>
    %get3A_36 = arith.constant 2 : i32
    %get3A_37 = arith.index_cast %get3A_36 : i32 to index
    %get3A_38 = arith.constant 0 : index
    %get3A_39 = tpu.vector_load %arg10[%get3A_37, %get3A_38] {strides = array<i32>} : memref<3x128xi32, #tpu.memory_space<vmem>>, vector<1x16xi32>,
    %get3A_40 = vector.shape_cast %get3A_39 : vector<1x16xi32> to vector<16xi32>
    %min3A_41 = arith.constant 19 : i32
    %min3A_42 = vector.broadcast %min3A_41 : i32 to vector<16xi32>
    %min3A_43 = arith.minsi %get3A_40, %min3A_42 : vector<16xi32>
    %add3A_44 = arith.addi %mul3A_35, %min3A_43 : vector<16xi32>
    %swap3A_45 = arith.constant 0 : index
    %swap3A_46 = tpu.vector_load %arg14[%swap3A_45] {strides = array<i32>} : memref<128xi32, #tpu.memory_space<vmem>>, vector<16xi32>,
    %swap3A_47 = vector.shape_cast %swap3A_46 : vector<16xi32> to vector<16xi32>
    %swap3A_48 = vector.shape_cast %add3A_44 : vector<16xi32> to vector<16xi32>
    tpu.vector_store %arg14[%swap3A_45], %swap3A_48 {strides = array<i32>} : memref<128xi32, #tpu.memory_space<vmem>>, vector<16xi32>,
    %get3A_49 = arith.constant 0 : i32
    %get3A_50 = arith.index_cast %get3A_49 : i32 to index
    %get3A_51 = arith.constant 16 : index
    %get3A_52 = tpu.vector_load %arg10[%get3A_50, %get3A_51] {strides = array<i32>} : memref<3x128xi32, #tpu.memory_space<vmem>>, vector<1x16xi32>,
    %get3A_53 = vector.shape_cast %get3A_52 : vector<1x16xi32> to vector<16xi32>
    %swap3A_54 = arith.constant 16 : index
    %swap3A_55 = tpu.vector_load %arg12[%swap3A_54] {strides = array<i32>} : memref<128xi32, #tpu.memory_space<vmem>>, vector<16xi32>,
    %swap3A_56 = vector.shape_cast %swap3A_55 : vector<16xi32> to vector<16xi32>
    %swap3A_57 = vector.shape_cast %get3A_53 : vector<16xi32> to vector<16xi32>
    tpu.vector_store %arg12[%swap3A_54], %swap3A_57 {strides = array<i32>} : memref<128xi32, #tpu.memory_space<vmem>>, vector<16xi32>,
    %get3A_58 = arith.constant 1 : i32
    %get3A_59 = arith.index_cast %get3A_58 : i32 to index
    %get3A_60 = arith.constant 16 : index
    %get3A_61 = tpu.vector_load %arg10[%get3A_59, %get3A_60] {strides = array<i32>} : memref<3x128xi32, #tpu.memory_space<vmem>>, vector<1x16xi32>,
    %get3A_62 = vector.shape_cast %get3A_61 : vector<1x16xi32> to vector<16xi32>
    %min3A_63 = arith.constant 19 : i32
    %min3A_64 = vector.broadcast %min3A_63 : i32 to vector<16xi32>
    %min3A_65 = arith.minsi %get3A_62, %min3A_64 : vector<16xi32>
    %mul3A_66 = arith.constant 20 : i32
    %mul3A_67 = vector.broadcast %mul3A_66 : i32 to vector<16xi32>
    %mul3A_68 = arith.muli %min3A_65, %mul3A_67 : vector<16xi32>
    %get3A_69 = arith.constant 2 : i32
    %get3A_70 = arith.index_cast %get3A_69 : i32 to index
    %get3A_71 = arith.constant 16 : index
    %get3A_72 = tpu.vector_load %arg10[%get3A_70, %get3A_71] {strides = array<i32>} : memref<3x128xi32, #tpu.memory_space<vmem>>, vector<1x16xi32>,
    %get3A_73 = vector.shape_cast %get3A_72 : vector<1x16xi32> to vector<16xi32>
    %min3A_74 = arith.constant 19 : i32
    %min3A_75 = vector.broadcast %min3A_74 : i32 to vector<16xi32>
    %min3A_76 = arith.minsi %get3A_73, %min3A_75 : vector<16xi32>
    %add3A_77 = arith.addi %mul3A_68, %min3A_76 : vector<16xi32>
    %swap3A_78 = arith.constant 16 : index
    %swap3A_79 = tpu.vector_load %arg14[%swap3A_78] {strides = array<i32>} : memref<128xi32, #tpu.memory_space<vmem>>, vector<16xi32>,
    %swap3A_80 = vector.shape_cast %swap3A_79 : vector<16xi32> to vector<16xi32>
    %swap3A_81 = vector.shape_cast %add3A_77 : vector<16xi32> to vector<16xi32>
    tpu.vector_store %arg14[%swap3A_78], %swap3A_81 {strides = array<i32>} : memref<128xi32, #tpu.memory_space<vmem>>, vector<16xi32>,
    %get3A_82 = arith.constant 0 : i32
    %get3A_83 = arith.index_cast %get3A_82 : i32 to index
    %get3A_84 = arith.constant 32 : index
    %get3A_85 = tpu.vector_load %arg10[%get3A_83, %get3A_84] {strides = array<i32>} : memref<3x128xi32, #tpu.memory_space<vmem>>, vector<1x16xi32>,
    %get3A_86 = vector.shape_cast %get3A_85 : vector<1x16xi32> to vector<16xi32>
    %swap3A_87 = arith.constant 32 : index
    %swap3A_88 = tpu.vector_load %arg12[%swap3A_87] {strides = array<i32>} : memref<128xi32, #tpu.memory_space<vmem>>, vector<16xi32>,
    %swap3A_89 = vector.shape_cast %swap3A_88 : vector<16xi32> to vector<16xi32>
    %swap3A_90 = vector.shape_cast %get3A_86 : vector<16xi32> to vector<16xi32>
    tpu.vector_store %arg12[%swap3A_87], %swap3A_90 {strides = array<i32>} : memref<128xi32, #tpu.memory_space<vmem>>, vector<16xi32>,
    %get3A_91 = arith.constant 1 : i32
    %get3A_92 = arith.index_cast %get3A_91 : i32 to index
    %get3A_93 = arith.constant 32 : index
    %get3A_94 = tpu.vector_load %arg10[%get3A_92, %get3A_93] {strides = array<i32>} : memref<3x128xi32, #tpu.memory_space<vmem>>, vector<1x16xi32>,
    %get3A_95 = vector.shape_cast %get3A_94 : vector<1x16xi32> to vector<16xi32>
    %min3A_96 = arith.constant 19 : i32
    %min3A_97 = vector.broadcast %min3A_96 : i32 to vector<16xi32>
    %min3A_98 = arith.minsi %get3A_95, %min3A_97 : vector<16xi32>
    %mul3A_99 = arith.constant 20 : i32
    %mul3A_100 = vector.broadcast %mul3A_99 : i32 to vector<16xi32>
    %mul3A_101 = arith.muli %min3A_98, %mul3A_100 : vector<16xi32>
    %get3A_102 = arith.constant 2 : i32
    %get3A_103 = arith.index_cast %get3A_102 : i32 to index
    %get3A_104 = arith.constant 32 : index
    %get3A_105 = tpu.vector_load %arg10[%get3A_103, %get3A_104] {strides = array<i32>} : memref<3x128xi32, #tpu.memory_space<vmem>>, vector<1x16xi32>,
    %get3A_106 = vector.shape_cast %get3A_105 : vector<1x16xi32> to vector<16xi32>
    %min3A_107 = arith.constant 19 : i32
    %min3A_108 = vector.broadcast %min3A_107 : i32 to vector<16xi32>
    %min3A_109 = arith.minsi %get3A_106, %min3A_108 : vector<16xi32>
    %add3A_110 = arith.addi %mul3A_101, %min3A_109 : vector<16xi32>
    %swap3A_111 = arith.constant 32 : index
    %swap3A_112 = tpu.vector_load %arg14[%swap3A_111] {strides = array<i32>} : memref<128xi32, #tpu.memory_space<vmem>>, vector<16xi32>,
    %swap3A_113 = vector.shape_cast %swap3A_112 : vector<16xi32> to vector<16xi32>
    %swap3A_114 = vector.shape_cast %add3A_110 : vector<16xi32> to vector<16xi32>
    tpu.vector_store %arg14[%swap3A_111], %swap3A_114 {strides = array<i32>} : memref<128xi32, #tpu.memory_space<vmem>>, vector<16xi32>,
    %get3A_115 = arith.constant 0 : i32
    %get3A_116 = arith.index_cast %get3A_115 : i32 to index
    %get3A_117 = arith.constant 48 : index
    %get3A_118 = tpu.vector_load %arg10[%get3A_116, %get3A_117] {strides = array<i32>} : memref<3x128xi32, #tpu.memory_space<vmem>>, vector<1x16xi32>,
    %get3A_119 = vector.shape_cast %get3A_118 : vector<1x16xi32> to vector<16xi32>
    %swap3A_120 = arith.constant 48 : index
    %swap3A_121 = tpu.vector_load %arg12[%swap3A_120] {strides = array<i32>} : memref<128xi32, #tpu.memory_space<vmem>>, vector<16xi32>,
    %swap3A_122 = vector.shape_cast %swap3A_121 : vector<16xi32> to vector<16xi32>
    %swap3A_123 = vector.shape_cast %get3A_119 : vector<16xi32> to vector<16xi32>
    tpu.vector_store %arg12[%swap3A_120], %swap3A_123 {strides = array<i32>} : memref<128xi32, #tpu.memory_space<vmem>>, vector<16xi32>,
    %get3A_124 = arith.constant 1 : i32
    %get3A_125 = arith.index_cast %get3A_124 : i32 to index
    %get3A_126 = arith.constant 48 : index
    %get3A_127 = tpu.vector_load %arg10[%get3A_125, %get3A_126] {strides = array<i32>} : memref<3x128xi32, #tpu.memory_space<vmem>>, vector<1x16xi32>,
    %get3A_128 = vector.shape_cast %get3A_127 : vector<1x16xi32> to vector<16xi32>
    %min3A_129 = arith.constant 19 : i32
    %min3A_130 = vector.broadcast %min3A_129 : i32 to vector<16xi32>
    %min3A_131 = arith.minsi %get3A_128, %min3A_130 : vector<16xi32>
    %mul3A_132 = arith.constant 20 : i32
    %mul3A_133 = vector.broadcast %mul3A_132 : i32 to vector<16xi32>
    %mul3A_134 = arith.muli %min3A_131, %mul3A_133 : vector<16xi32>
    %get3A_135 = arith.constant 2 : i32
    %get3A_136 = arith.index_cast %get3A_135 : i32 to index
    %get3A_137 = arith.constant 48 : index
    %get3A_138 = tpu.vector_load %arg10[%get3A_136, %get3A_137] {strides = array<i32>} : memref<3x128xi32, #tpu.memory_space<vmem>>, vector<1x16xi32>,
    %get3A_139 = vector.shape_cast %get3A_138 : vector<1x16xi32> to vector<16xi32>
    %min3A_140 = arith.constant 19 : i32
    %min3A_141 = vector.broadcast %min3A_140 : i32 to vector<16xi32>
    %min3A_142 = arith.minsi %get3A_139, %min3A_141 : vector<16xi32>
    %add3A_143 = arith.addi %mul3A_134, %min3A_142 : vector<16xi32>
    %swap3A_144 = arith.constant 48 : index
    %swap3A_145 = tpu.vector_load %arg14[%swap3A_144] {strides = array<i32>} : memref<128xi32, #tpu.memory_space<vmem>>, vector<16xi32>,
    %swap3A_146 = vector.shape_cast %swap3A_145 : vector<16xi32> to vector<16xi32>
    %swap3A_147 = vector.shape_cast %add3A_143 : vector<16xi32> to vector<16xi32>
    tpu.vector_store %arg14[%swap3A_144], %swap3A_147 {strides = array<i32>} : memref<128xi32, #tpu.memory_space<vmem>>, vector<16xi32>,
    %get3A_148 = arith.constant 0 : i32
    %get3A_149 = arith.index_cast %get3A_148 : i32 to index
    %get3A_150 = arith.constant 64 : index
    %get3A_151 = tpu.vector_load %arg10[%get3A_149, %get3A_150] {strides = array<i32>} : memref<3x128xi32, #tpu.memory_space<vmem>>, vector<1x16xi32>,
    %get3A_152 = vector.shape_cast %get3A_151 : vector<1x16xi32> to vector<16xi32>
    %swap3A_153 = arith.constant 64 : index
    %swap3A_154 = tpu.vector_load %arg12[%swap3A_153] {strides = array<i32>} : memref<128xi32, #tpu.memory_space<vmem>>, vector<16xi32>,
    %swap3A_155 = vector.shape_cast %swap3A_154 : vector<16xi32> to vector<16xi32>
    %swap3A_156 = vector.shape_cast %get3A_152 : vector<16xi32> to vector<16xi32>
    tpu.vector_store %arg12[%swap3A_153], %swap3A_156 {strides = array<i32>} : memref<128xi32, #tpu.memory_space<vmem>>, vector<16xi32>,
    %get3A_157 = arith.constant 1 : i32
    %get3A_158 = arith.index_cast %get3A_157 : i32 to index
    %get3A_159 = arith.constant 64 : index
    %get3A_160 = tpu.vector_load %arg10[%get3A_158, %get3A_159] {strides = array<i32>} : memref<3x128xi32, #tpu.memory_space<vmem>>, vector<1x16xi32>,
    %get3A_161 = vector.shape_cast %get3A_160 : vector<1x16xi32> to vector<16xi32>
    %min3A_162 = arith.constant 19 : i32
    %min3A_163 = vector.broadcast %min3A_162 : i32 to vector<16xi32>
    %min3A_164 = arith.minsi %get3A_161, %min3A_163 : vector<16xi32>
    %mul3A_165 = arith.constant 20 : i32
    %mul3A_166 = vector.broadcast %mul3A_165 : i32 to vector<16xi32>
    %mul3A_167 = arith.muli %min3A_164, %mul3A_166 : vector<16xi32>
    %get3A_168 = arith.constant 2 : i32
    %get3A_169 = arith.index_cast %get3A_168 : i32 to index
    %get3A_170 = arith.constant 64 : index
    %get3A_171 = tpu.vector_load %arg10[%get3A_169, %get3A_170] {strides = array<i32>} : memref<3x128xi32, #tpu.memory_space<vmem>>, vector<1x16xi32>,
    %get3A_172 = vector.shape_cast %get3A_171 : vector<1x16xi32> to vector<16xi32>
    %min3A_173 = arith.constant 19 : i32
    %min3A_174 = vector.broadcast %min3A_173 : i32 to vector<16xi32>
    %min3A_175 = arith.minsi %get3A_172, %min3A_174 : vector<16xi32>
    %add3A_176 = arith.addi %mul3A_167, %min3A_175 : vector<16xi32>
    %swap3A_177 = arith.constant 64 : index
    %swap3A_178 = tpu.vector_load %arg14[%swap3A_177] {strides = array<i32>} : memref<128xi32, #tpu.memory_space<vmem>>, vector<16xi32>,
    %swap3A_179 = vector.shape_cast %swap3A_178 : vector<16xi32> to vector<16xi32>
    %swap3A_180 = vector.shape_cast %add3A_176 : vector<16xi32> to vector<16xi32>
    tpu.vector_store %arg14[%swap3A_177], %swap3A_180 {strides = array<i32>} : memref<128xi32, #tpu.memory_space<vmem>>, vector<16xi32>,
    %get3A_181 = arith.constant 0 : i32
    %get3A_182 = arith.index_cast %get3A_181 : i32 to index
    %get3A_183 = arith.constant 80 : index
    %get3A_184 = tpu.vector_load %arg10[%get3A_182, %get3A_183] {strides = array<i32>} : memref<3x128xi32, #tpu.memory_space<vmem>>, vector<1x16xi32>,
    %get3A_185 = vector.shape_cast %get3A_184 : vector<1x16xi32> to vector<16xi32>
    %swap3A_186 = arith.constant 80 : index
    %swap3A_187 = tpu.vector_load %arg12[%swap3A_186] {strides = array<i32>} : memref<128xi32, #tpu.memory_space<vmem>>, vector<16xi32>,
    %swap3A_188 = vector.shape_cast %swap3A_187 : vector<16xi32> to vector<16xi32>
    %swap3A_189 = vector.shape_cast %get3A_185 : vector<16xi32> to vector<16xi32>
    tpu.vector_store %arg12[%swap3A_186], %swap3A_189 {strides = array<i32>} : memref<128xi32, #tpu.memory_space<vmem>>, vector<16xi32>,
    %get3A_190 = arith.constant 1 : i32
    %get3A_191 = arith.index_cast %get3A_190 : i32 to index
    %get3A_192 = arith.constant 80 : index
    %get3A_193 = tpu.vector_load %arg10[%get3A_191, %get3A_192] {strides = array<i32>} : memref<3x128xi32, #tpu.memory_space<vmem>>, vector<1x16xi32>,
    %get3A_194 = vector.shape_cast %get3A_193 : vector<1x16xi32> to vector<16xi32>
    %min3A_195 = arith.constant 19 : i32
    %min3A_196 = vector.broadcast %min3A_195 : i32 to vector<16xi32>
    %min3A_197 = arith.minsi %get3A_194, %min3A_196 : vector<16xi32>
    %mul3A_198 = arith.constant 20 : i32
    %mul3A_199 = vector.broadcast %mul3A_198 : i32 to vector<16xi32>
    %mul3A_200 = arith.muli %min3A_197, %mul3A_199 : vector<16xi32>
    %get3A_201 = arith.constant 2 : i32
    %get3A_202 = arith.index_cast %get3A_201 : i32 to index
    %get3A_203 = arith.constant 80 : index
    %get3A_204 = tpu.vector_load %arg10[%get3A_202, %get3A_203] {strides = array<i32>} : memref<3x128xi32, #tpu.memory_space<vmem>>, vector<1x16xi32>,
    %get3A_205 = vector.shape_cast %get3A_204 : vector<1x16xi32> to vector<16xi32>
    %min3A_206 = arith.constant 19 : i32
    %min3A_207 = vector.broadcast %min3A_206 : i32 to vector<16xi32>
    %min3A_208 = arith.minsi %get3A_205, %min3A_207 : vector<16xi32>
    %add3A_209 = arith.addi %mul3A_200, %min3A_208 : vector<16xi32>
    %swap3A_210 = arith.constant 80 : index
    %swap3A_211 = tpu.vector_load %arg14[%swap3A_210] {strides = array<i32>} : memref<128xi32, #tpu.memory_space<vmem>>, vector<16xi32>,
    %swap3A_212 = vector.shape_cast %swap3A_211 : vector<16xi32> to vector<16xi32>
    %swap3A_213 = vector.shape_cast %add3A_209 : vector<16xi32> to vector<16xi32>
    tpu.vector_store %arg14[%swap3A_210], %swap3A_213 {strides = array<i32>} : memref<128xi32, #tpu.memory_space<vmem>>, vector<16xi32>,
    %get3A_214 = arith.constant 0 : i32
    %get3A_215 = arith.index_cast %get3A_214 : i32 to index
    %get3A_216 = arith.constant 96 : index
    %get3A_217 = tpu.vector_load %arg10[%get3A_215, %get3A_216] {strides = array<i32>} : memref<3x128xi32, #tpu.memory_space<vmem>>, vector<1x16xi32>,
    %get3A_218 = vector.shape_cast %get3A_217 : vector<1x16xi32> to vector<16xi32>
    %swap3A_219 = arith.constant 96 : index
    %swap3A_220 = tpu.vector_load %arg12[%swap3A_219] {strides = array<i32>} : memref<128xi32, #tpu.memory_space<vmem>>, vector<16xi32>,
    %swap3A_221 = vector.shape_cast %swap3A_220 : vector<16xi32> to vector<16xi32>
    %swap3A_222 = vector.shape_cast %get3A_218 : vector<16xi32> to vector<16xi32>
    tpu.vector_store %arg12[%swap3A_219], %swap3A_222 {strides = array<i32>} : memref<128xi32, #tpu.memory_space<vmem>>, vector<16xi32>,
    %get3A_223 = arith.constant 1 : i32
    %get3A_224 = arith.index_cast %get3A_223 : i32 to index
    %get3A_225 = arith.constant 96 : index
    %get3A_226 = tpu.vector_load %arg10[%get3A_224, %get3A_225] {strides = array<i32>} : memref<3x128xi32, #tpu.memory_space<vmem>>, vector<1x16xi32>,
    %get3A_227 = vector.shape_cast %get3A_226 : vector<1x16xi32> to vector<16xi32>
    %min3A_228 = arith.constant 19 : i32
    %min3A_229 = vector.broadcast %min3A_228 : i32 to vector<16xi32>
    %min3A_230 = arith.minsi %get3A_227, %min3A_229 : vector<16xi32>
    %mul3A_231 = arith.constant 20 : i32
    %mul3A_232 = vector.broadcast %mul3A_231 : i32 to vector<16xi32>
    %mul3A_233 = arith.muli %min3A_230, %mul3A_232 : vector<16xi32>
    %get3A_234 = arith.constant 2 : i32
    %get3A_235 = arith.index_cast %get3A_234 : i32 to index
    %get3A_236 = arith.constant 96 : index
    %get3A_237 = tpu.vector_load %arg10[%get3A_235, %get3A_236] {strides = array<i32>} : memref<3x128xi32, #tpu.memory_space<vmem>>, vector<1x16xi32>,
    %get3A_238 = vector.shape_cast %get3A_237 : vector<1x16xi32> to vector<16xi32>
    %min3A_239 = arith.constant 19 : i32
    %min3A_240 = vector.broadcast %min3A_239 : i32 to vector<16xi32>
    %min3A_241 = arith.minsi %get3A_238, %min3A_240 : vector<16xi32>
    %add3A_242 = arith.addi %mul3A_233, %min3A_241 : vector<16xi32>
    %swap3A_243 = arith.constant 96 : index
    %swap3A_244 = tpu.vector_load %arg14[%swap3A_243] {strides = array<i32>} : memref<128xi32, #tpu.memory_space<vmem>>, vector<16xi32>,
    %swap3A_245 = vector.shape_cast %swap3A_244 : vector<16xi32> to vector<16xi32>
    %swap3A_246 = vector.shape_cast %add3A_242 : vector<16xi32> to vector<16xi32>
    tpu.vector_store %arg14[%swap3A_243], %swap3A_246 {strides = array<i32>} : memref<128xi32, #tpu.memory_space<vmem>>, vector<16xi32>,
    %get3A_247 = arith.constant 0 : i32
    %get3A_248 = arith.index_cast %get3A_247 : i32 to index
    %get3A_249 = arith.constant 112 : index
    %get3A_250 = tpu.vector_load %arg10[%get3A_248, %get3A_249] {strides = array<i32>} : memref<3x128xi32, #tpu.memory_space<vmem>>, vector<1x16xi32>,
    %get3A_251 = vector.shape_cast %get3A_250 : vector<1x16xi32> to vector<16xi32>
    %swap3A_252 = arith.constant 112 : index
    %swap3A_253 = tpu.vector_load %arg12[%swap3A_252] {strides = array<i32>} : memref<128xi32, #tpu.memory_space<vmem>>, vector<16xi32>,
    %swap3A_254 = vector.shape_cast %swap3A_253 : vector<16xi32> to vector<16xi32>
    %swap3A_255 = vector.shape_cast %get3A_251 : vector<16xi32> to vector<16xi32>
    tpu.vector_store %arg12[%swap3A_252], %swap3A_255 {strides = array<i32>} : memref<128xi32, #tpu.memory_space<vmem>>, vector<16xi32>,
    %get3A_256 = arith.constant 1 : i32
    %get3A_257 = arith.index_cast %get3A_256 : i32 to index
    %get3A_258 = arith.constant 112 : index
    %get3A_259 = tpu.vector_load %arg10[%get3A_257, %get3A_258] {strides = array<i32>} : memref<3x128xi32, #tpu.memory_space<vmem>>, vector<1x16xi32>,
    %get3A_260 = vector.shape_cast %get3A_259 : vector<1x16xi32> to vector<16xi32>
    %min3A_261 = arith.constant 19 : i32
    %min3A_262 = vector.broadcast %min3A_261 : i32 to vector<16xi32>
    %min3A_263 = arith.minsi %get3A_260, %min3A_262 : vector<16xi32>
    %mul3A_264 = arith.constant 20 : i32
    %mul3A_265 = vector.broadcast %mul3A_264 : i32 to vector<16xi32>
    %mul3A_266 = arith.muli %min3A_263, %mul3A_265 : vector<16xi32>
    %get3A_267 = arith.constant 2 : i32
    %get3A_268 = arith.index_cast %get3A_267 : i32 to index
    %get3A_269 = arith.constant 112 : index
    %get3A_270 = tpu.vector_load %arg10[%get3A_268, %get3A_269] {strides = array<i32>} : memref<3x128xi32, #tpu.memory_space<vmem>>, vector<1x16xi32>,
    %get3A_271 = vector.shape_cast %get3A_270 : vector<1x16xi32> to vector<16xi32>
    %min3A_272 = arith.constant 19 : i32
    %min3A_273 = vector.broadcast %min3A_272 : i32 to vector<16xi32>
    %min3A_274 = arith.minsi %get3A_271, %min3A_273 : vector<16xi32>
    %add3A_275 = arith.addi %mul3A_266, %min3A_274 : vector<16xi32>
    %swap3A_276 = arith.constant 112 : index
    %swap3A_277 = tpu.vector_load %arg14[%swap3A_276] {strides = array<i32>} : memref<128xi32, #tpu.memory_space<vmem>>, vector<16xi32>,
    %swap3A_278 = vector.shape_cast %swap3A_277 : vector<16xi32> to vector<16xi32>
    %swap3A_279 = vector.shape_cast %add3A_275 : vector<16xi32> to vector<16xi32>
    tpu.vector_store %arg14[%swap3A_276], %swap3A_279 {strides = array<i32>} : memref<128xi32, #tpu.memory_space<vmem>>, vector<16xi32>,
    %dma_start3A_280 = arith.constant 0 : i32
    %dma_start3A_281 = arith.constant 0 : i32
    %dma_start3A_282 = tpu.memref_slice %arg3[%dma_start3A_280, %dma_start3A_281] : memref<100000x64xf32, #tpu.memory_space<hbm>> -> memref<100000x64xf32, #tpu.memory_space<hbm>>
    tpu.enqueue_indirect_dma source(%dma_start3A_282 : memref<100000x64xf32, #tpu.memory_space<hbm>>) target(%arg16 : memref<128x64xf32, #tpu.memory_space<vmem>>) offsets(%arg12 : memref<128xi32, #tpu.memory_space<vmem>>) semaphore(%arg32 : memref<!tpu.dma_semaphore, #tpu.memory_space<semaphore_mem>>)
    %dma_start3A_283 = arith.constant 0 : i32
    %dma_start3A_284 = arith.constant 0 : i32
    %dma_start3A_285 = tpu.memref_slice %arg4[%dma_start3A_283, %dma_start3A_284] : memref<100000x64xf32, #tpu.memory_space<hbm>> -> memref<100000x64xf32, #tpu.memory_space<hbm>>
    tpu.enqueue_indirect_dma source(%dma_start3A_285 : memref<100000x64xf32, #tpu.memory_space<hbm>>) target(%arg18 : memref<128x64xf32, #tpu.memory_space<vmem>>) offsets(%arg12 : memref<128xi32, #tpu.memory_space<vmem>>) semaphore(%arg32 : memref<!tpu.dma_semaphore, #tpu.memory_space<semaphore_mem>>)
    %dma_start3A_286 = arith.constant 0 : i32
    %dma_start3A_287 = arith.constant 0 : i32
    %dma_start3A_288 = tpu.memref_slice %arg5[%dma_start3A_286, %dma_start3A_287] : memref<100000x64xf32, #tpu.memory_space<hbm>> -> memref<100000x64xf32, #tpu.memory_space<hbm>>
    tpu.enqueue_indirect_dma source(%dma_start3A_288 : memref<100000x64xf32, #tpu.memory_space<hbm>>) target(%arg20 : memref<128x64xf32, #tpu.memory_space<vmem>>) offsets(%arg12 : memref<128xi32, #tpu.memory_space<vmem>>) semaphore(%arg32 : memref<!tpu.dma_semaphore, #tpu.memory_space<semaphore_mem>>)
    %dma_start3A_289 = arith.constant 0 : i32
    %dma_start3A_290 = arith.constant 0 : i32
    %dma_start3A_291 = tpu.memref_slice %arg6[%dma_start3A_289, %dma_start3A_290] : memref<400x64xf32, #tpu.memory_space<hbm>> -> memref<400x64xf32, #tpu.memory_space<hbm>>
    tpu.enqueue_indirect_dma source(%dma_start3A_291 : memref<400x64xf32, #tpu.memory_space<hbm>>) target(%arg22 : memref<128x64xf32, #tpu.memory_space<vmem>>) offsets(%arg14 : memref<128xi32, #tpu.memory_space<vmem>>) semaphore(%arg32 : memref<!tpu.dma_semaphore, #tpu.memory_space<semaphore_mem>>)
    %scan3A = arith.constant 0 : i32
    %scan3A_292 = arith.constant 25 : i32
    %scan3A_293 = arith.addi %scan3A, %scan3A_292 : i32
    %scan3A_294 = arith.constant 1 : i32
    scf.for %scan3A_314 = %scan3A to %scan3A_293 step %scan3A_294  : i32 {
      %mul3A_315 = arith.constant 2 : i32
      %mul3A_316 = arith.muli %mul3A_315, %scan3A_314 : i32
      %dma_wait3A_317 = arith.constant 0 : i32
      %dma_wait3A_318 = arith.constant 0 : i32
      %dma_wait3A_319 = tpu.memref_slice %arg3[%dma_wait3A_317, %dma_wait3A_318] : memref<100000x64xf32, #tpu.memory_space<hbm>> -> memref<100000x64xf32, #tpu.memory_space<hbm>>
      tpu.wait_indirect_dma semaphore(%arg32 : memref<!tpu.dma_semaphore, #tpu.memory_space<semaphore_mem>>) src(%dma_wait3A_319 : memref<100000x64xf32, #tpu.memory_space<hbm>>) dst(%arg16 : memref<128x64xf32, #tpu.memory_space<vmem>>)
      %dma_wait3A_320 = arith.constant 0 : i32
      %dma_wait3A_321 = arith.constant 0 : i32
      %dma_wait3A_322 = tpu.memref_slice %arg4[%dma_wait3A_320, %dma_wait3A_321] : memref<100000x64xf32, #tpu.memory_space<hbm>> -> memref<100000x64xf32, #tpu.memory_space<hbm>>
      tpu.wait_indirect_dma semaphore(%arg32 : memref<!tpu.dma_semaphore, #tpu.memory_space<semaphore_mem>>) src(%dma_wait3A_322 : memref<100000x64xf32, #tpu.memory_space<hbm>>) dst(%arg18 : memref<128x64xf32, #tpu.memory_space<vmem>>)
      %dma_wait3A_323 = arith.constant 0 : i32
      %dma_wait3A_324 = arith.constant 0 : i32
      %dma_wait3A_325 = tpu.memref_slice %arg5[%dma_wait3A_323, %dma_wait3A_324] : memref<100000x64xf32, #tpu.memory_space<hbm>> -> memref<100000x64xf32, #tpu.memory_space<hbm>>
      tpu.wait_indirect_dma semaphore(%arg32 : memref<!tpu.dma_semaphore, #tpu.memory_space<semaphore_mem>>) src(%dma_wait3A_325 : memref<100000x64xf32, #tpu.memory_space<hbm>>) dst(%arg20 : memref<128x64xf32, #tpu.memory_space<vmem>>)
      %dma_wait3A_326 = arith.constant 0 : i32
      %dma_wait3A_327 = arith.constant 0 : i32
      %dma_wait3A_328 = tpu.memref_slice %arg6[%dma_wait3A_326, %dma_wait3A_327] : memref<400x64xf32, #tpu.memory_space<hbm>> -> memref<400x64xf32, #tpu.memory_space<hbm>>
      tpu.wait_indirect_dma semaphore(%arg32 : memref<!tpu.dma_semaphore, #tpu.memory_space<semaphore_mem>>) src(%dma_wait3A_328 : memref<400x64xf32, #tpu.memory_space<hbm>>) dst(%arg22 : memref<128x64xf32, #tpu.memory_space<vmem>>)
      %lt3A = arith.constant 24 : i32
      %lt3A_329 = arith.cmpi slt, %scan3A_314, %lt3A : i32
      %convert_element_type3A = arith.extui %lt3A_329 : i1 to i32
      %cond3A = arith.constant 0 : i32
      %cond3A_330 = arith.cmpi ne, %convert_element_type3A, %cond3A : i32
      scf.if %cond3A_330 {
        %add3A_701 = arith.constant 2 : i32
        %add3A_702 = arith.addi %mul3A_316, %add3A_701 : i32
        %mul3A_703 = arith.constant 128 : i32
        %mul3A_704 = arith.muli %add3A_702, %mul3A_703 : i32
        %add3A_705 = arith.addi %mul3A_2, %mul3A_704 : i32
        %dma_start3A_706 = arith.constant 0 : i32
        %dma_start3A_707 = tpu.memref_slice %arg2[%dma_start3A_706, %add3A_705] : memref<3x204800xi32, #tpu.memory_space<hbm>> -> memref<3x128xi32, #tpu.memory_space<hbm>>
        %dma_start3A_708 = arith.constant 0 : i32
        %dma_start3A_709 = tpu.memref_slice %arg2[%dma_start3A_708, %add3A_705] : memref<3x204800xi32, #tpu.memory_space<hbm>> -> memref<3x128xi32, #tpu.memory_space<hbm>>
        tpu.enqueue_dma source(%dma_start3A_709 : memref<3x128xi32, #tpu.memory_space<hbm>>) target(%arg10 : memref<3x128xi32, #tpu.memory_space<vmem>>) target_semaphore(%arg30 : memref<!tpu.dma_semaphore, #tpu.memory_space<semaphore_mem>>)
      } else {
      }
      %gt3A = arith.constant 0 : i32
      %gt3A_331 = arith.cmpi sgt, %scan3A_314, %gt3A : i32
      %convert_element_type3A_332 = arith.extui %gt3A_331 : i1 to i32
      %cond3A_333 = arith.constant 0 : i32
      %cond3A_334 = arith.cmpi ne, %convert_element_type3A_332, %cond3A_333 : i32
      scf.if %cond3A_334 {
        %dma_wait3A_701 = arith.constant 0 : i32
        %dma_wait3A_702 = arith.constant 0 : i32
        %dma_wait3A_703 = tpu.memref_slice %arg7[%dma_wait3A_701, %dma_wait3A_702] : memref<204800x64xf32, #tpu.memory_space<hbm>> -> memref<128x64xf32, #tpu.memory_space<hbm>>
        %dma_wait3A_704 = arith.constant 0 : i32
        %dma_wait3A_705 = arith.constant 0 : i32
        %dma_wait3A_706 = tpu.memref_slice %arg7[%dma_wait3A_704, %dma_wait3A_705] : memref<204800x64xf32, #tpu.memory_space<hbm>> -> memref<128x64xf32, #tpu.memory_space<hbm>>
        tpu.wait_dma2 semaphore(%arg35 : memref<!tpu.dma_semaphore, #tpu.memory_space<semaphore_mem>>) src(%arg25 : memref<128x64xf32, #tpu.memory_space<vmem>>) dst(%dma_wait3A_706 : memref<128x64xf32, #tpu.memory_space<hbm>>)
        %dma_wait3A_707 = arith.constant 0 : i32
        %dma_wait3A_708 = arith.constant 0 : i32
        %dma_wait3A_709 = tpu.memref_slice %arg8[%dma_wait3A_707, %dma_wait3A_708] : memref<204800x64xf32, #tpu.memory_space<hbm>> -> memref<128x64xf32, #tpu.memory_space<hbm>>
        %dma_wait3A_710 = arith.constant 0 : i32
        %dma_wait3A_711 = arith.constant 0 : i32
        %dma_wait3A_712 = tpu.memref_slice %arg8[%dma_wait3A_710, %dma_wait3A_711] : memref<204800x64xf32, #tpu.memory_space<hbm>> -> memref<128x64xf32, #tpu.memory_space<hbm>>
        tpu.wait_dma2 semaphore(%arg35 : memref<!tpu.dma_semaphore, #tpu.memory_space<semaphore_mem>>) src(%arg27 : memref<128x64xf32, #tpu.memory_space<vmem>>) dst(%dma_wait3A_712 : memref<128x64xf32, #tpu.memory_space<hbm>>)
        %dma_wait3A_713 = arith.constant 0 : i32
        %dma_wait3A_714 = arith.constant 0 : i32
        %dma_wait3A_715 = tpu.memref_slice %arg9[%dma_wait3A_713, %dma_wait3A_714] : memref<204800x64xf32, #tpu.memory_space<hbm>> -> memref<128x64xf32, #tpu.memory_space<hbm>>
        %dma_wait3A_716 = arith.constant 0 : i32
        %dma_wait3A_717 = arith.constant 0 : i32
        %dma_wait3A_718 = tpu.memref_slice %arg9[%dma_wait3A_716, %dma_wait3A_717] : memref<204800x64xf32, #tpu.memory_space<hbm>> -> memref<128x64xf32, #tpu.memory_space<hbm>>
        tpu.wait_dma2 semaphore(%arg35 : memref<!tpu.dma_semaphore, #tpu.memory_space<semaphore_mem>>) src(%arg29 : memref<128x64xf32, #tpu.memory_space<vmem>>) dst(%dma_wait3A_718 : memref<128x64xf32, #tpu.memory_space<hbm>>)
      } else {
      }
      %add3A_335 = arith.constant 1 : i32
      %add3A_336 = arith.addi %mul3A_316, %add3A_335 : i32
      %dma_wait3A_337 = arith.constant 0 : i32
      %dma_wait3A_338 = arith.constant 0 : i32
      %dma_wait3A_339 = tpu.memref_slice %arg2[%dma_wait3A_337, %dma_wait3A_338] : memref<3x204800xi32, #tpu.memory_space<hbm>> -> memref<3x128xi32, #tpu.memory_space<hbm>>
      %dma_wait3A_340 = arith.constant 0 : i32
      %dma_wait3A_341 = arith.constant 0 : i32
      %dma_wait3A_342 = tpu.memref_slice %arg2[%dma_wait3A_340, %dma_wait3A_341] : memref<3x204800xi32, #tpu.memory_space<hbm>> -> memref<3x128xi32, #tpu.memory_space<hbm>>
      tpu.wait_dma2 semaphore(%arg31 : memref<!tpu.dma_semaphore, #tpu.memory_space<semaphore_mem>>) src(%dma_wait3A_342 : memref<3x128xi32, #tpu.memory_space<hbm>>) dst(%arg11 : memref<3x128xi32, #tpu.memory_space<vmem>>)
      %get3A_343 = arith.constant 0 : i32
      %get3A_344 = arith.index_cast %get3A_343 : i32 to index
      %get3A_345 = arith.constant 0 : index
      %get3A_346 = tpu.vector_load %arg11[%get3A_344, %get3A_345] {strides = array<i32>} : memref<3x128xi32, #tpu.memory_space<vmem>>, vector<1x16xi32>,
      %get3A_347 = vector.shape_cast %get3A_346 : vector<1x16xi32> to vector<16xi32>
      %swap3A_348 = arith.constant 0 : index
      %swap3A_349 = tpu.vector_load %arg13[%swap3A_348] {strides = array<i32>} : memref<128xi32, #tpu.memory_space<vmem>>, vector<16xi32>,
      %swap3A_350 = vector.shape_cast %swap3A_349 : vector<16xi32> to vector<16xi32>
      %swap3A_351 = vector.shape_cast %get3A_347 : vector<16xi32> to vector<16xi32>
      tpu.vector_store %arg13[%swap3A_348], %swap3A_351 {strides = array<i32>} : memref<128xi32, #tpu.memory_space<vmem>>, vector<16xi32>,
      %get3A_352 = arith.constant 1 : i32
      %get3A_353 = arith.index_cast %get3A_352 : i32 to index
      %get3A_354 = arith.constant 0 : index
      %get3A_355 = tpu.vector_load %arg11[%get3A_353, %get3A_354] {strides = array<i32>} : memref<3x128xi32, #tpu.memory_space<vmem>>, vector<1x16xi32>,
      %get3A_356 = vector.shape_cast %get3A_355 : vector<1x16xi32> to vector<16xi32>
      %min3A_357 = arith.constant 19 : i32
      %min3A_358 = vector.broadcast %min3A_357 : i32 to vector<16xi32>
      %min3A_359 = arith.minsi %get3A_356, %min3A_358 : vector<16xi32>
      %mul3A_360 = arith.constant 20 : i32
      %mul3A_361 = vector.broadcast %mul3A_360 : i32 to vector<16xi32>
      %mul3A_362 = arith.muli %min3A_359, %mul3A_361 : vector<16xi32>
      %get3A_363 = arith.constant 2 : i32
      %get3A_364 = arith.index_cast %get3A_363 : i32 to index
      %get3A_365 = arith.constant 0 : index
      %get3A_366 = tpu.vector_load %arg11[%get3A_364, %get3A_365] {strides = array<i32>} : memref<3x128xi32, #tpu.memory_space<vmem>>, vector<1x16xi32>,
      %get3A_367 = vector.shape_cast %get3A_366 : vector<1x16xi32> to vector<16xi32>
      %min3A_368 = arith.constant 19 : i32
      %min3A_369 = vector.broadcast %min3A_368 : i32 to vector<16xi32>
      %min3A_370 = arith.minsi %get3A_367, %min3A_369 : vector<16xi32>
      %add3A_371 = arith.addi %mul3A_362, %min3A_370 : vector<16xi32>
      %swap3A_372 = arith.constant 0 : index
      %swap3A_373 = tpu.vector_load %arg15[%swap3A_372] {strides = array<i32>} : memref<128xi32, #tpu.memory_space<vmem>>, vector<16xi32>,
      %swap3A_374 = vector.shape_cast %swap3A_373 : vector<16xi32> to vector<16xi32>
      %swap3A_375 = vector.shape_cast %add3A_371 : vector<16xi32> to vector<16xi32>
      tpu.vector_store %arg15[%swap3A_372], %swap3A_375 {strides = array<i32>} : memref<128xi32, #tpu.memory_space<vmem>>, vector<16xi32>,
      %get3A_376 = arith.constant 0 : i32
      %get3A_377 = arith.index_cast %get3A_376 : i32 to index
      %get3A_378 = arith.constant 16 : index
      %get3A_379 = tpu.vector_load %arg11[%get3A_377, %get3A_378] {strides = array<i32>} : memref<3x128xi32, #tpu.memory_space<vmem>>, vector<1x16xi32>,
      %get3A_380 = vector.shape_cast %get3A_379 : vector<1x16xi32> to vector<16xi32>
      %swap3A_381 = arith.constant 16 : index
      %swap3A_382 = tpu.vector_load %arg13[%swap3A_381] {strides = array<i32>} : memref<128xi32, #tpu.memory_space<vmem>>, vector<16xi32>,
      %swap3A_383 = vector.shape_cast %swap3A_382 : vector<16xi32> to vector<16xi32>
      %swap3A_384 = vector.shape_cast %get3A_380 : vector<16xi32> to vector<16xi32>
      tpu.vector_store %arg13[%swap3A_381], %swap3A_384 {strides = array<i32>} : memref<128xi32, #tpu.memory_space<vmem>>, vector<16xi32>,
      %get3A_385 = arith.constant 1 : i32
      %get3A_386 = arith.index_cast %get3A_385 : i32 to index
      %get3A_387 = arith.constant 16 : index
      %get3A_388 = tpu.vector_load %arg11[%get3A_386, %get3A_387] {strides = array<i32>} : memref<3x128xi32, #tpu.memory_space<vmem>>, vector<1x16xi32>,
      %get3A_389 = vector.shape_cast %get3A_388 : vector<1x16xi32> to vector<16xi32>
      %min3A_390 = arith.constant 19 : i32
      %min3A_391 = vector.broadcast %min3A_390 : i32 to vector<16xi32>
      %min3A_392 = arith.minsi %get3A_389, %min3A_391 : vector<16xi32>
      %mul3A_393 = arith.constant 20 : i32
      %mul3A_394 = vector.broadcast %mul3A_393 : i32 to vector<16xi32>
      %mul3A_395 = arith.muli %min3A_392, %mul3A_394 : vector<16xi32>
      %get3A_396 = arith.constant 2 : i32
      %get3A_397 = arith.index_cast %get3A_396 : i32 to index
      %get3A_398 = arith.constant 16 : index
      %get3A_399 = tpu.vector_load %arg11[%get3A_397, %get3A_398] {strides = array<i32>} : memref<3x128xi32, #tpu.memory_space<vmem>>, vector<1x16xi32>,
      %get3A_400 = vector.shape_cast %get3A_399 : vector<1x16xi32> to vector<16xi32>
      %min3A_401 = arith.constant 19 : i32
      %min3A_402 = vector.broadcast %min3A_401 : i32 to vector<16xi32>
      %min3A_403 = arith.minsi %get3A_400, %min3A_402 : vector<16xi32>
      %add3A_404 = arith.addi %mul3A_395, %min3A_403 : vector<16xi32>
      %swap3A_405 = arith.constant 16 : index
      %swap3A_406 = tpu.vector_load %arg15[%swap3A_405] {strides = array<i32>} : memref<128xi32, #tpu.memory_space<vmem>>, vector<16xi32>,
      %swap3A_407 = vector.shape_cast %swap3A_406 : vector<16xi32> to vector<16xi32>
      %swap3A_408 = vector.shape_cast %add3A_404 : vector<16xi32> to vector<16xi32>
      tpu.vector_store %arg15[%swap3A_405], %swap3A_408 {strides = array<i32>} : memref<128xi32, #tpu.memory_space<vmem>>, vector<16xi32>,
      %get3A_409 = arith.constant 0 : i32
      %get3A_410 = arith.index_cast %get3A_409 : i32 to index
      %get3A_411 = arith.constant 32 : index
      %get3A_412 = tpu.vector_load %arg11[%get3A_410, %get3A_411] {strides = array<i32>} : memref<3x128xi32, #tpu.memory_space<vmem>>, vector<1x16xi32>,
      %get3A_413 = vector.shape_cast %get3A_412 : vector<1x16xi32> to vector<16xi32>
      %swap3A_414 = arith.constant 32 : index
      %swap3A_415 = tpu.vector_load %arg13[%swap3A_414] {strides = array<i32>} : memref<128xi32, #tpu.memory_space<vmem>>, vector<16xi32>,
      %swap3A_416 = vector.shape_cast %swap3A_415 : vector<16xi32> to vector<16xi32>
      %swap3A_417 = vector.shape_cast %get3A_413 : vector<16xi32> to vector<16xi32>
      tpu.vector_store %arg13[%swap3A_414], %swap3A_417 {strides = array<i32>} : memref<128xi32, #tpu.memory_space<vmem>>, vector<16xi32>,
      %get3A_418 = arith.constant 1 : i32
      %get3A_419 = arith.index_cast %get3A_418 : i32 to index
      %get3A_420 = arith.constant 32 : index
      %get3A_421 = tpu.vector_load %arg11[%get3A_419, %get3A_420] {strides = array<i32>} : memref<3x128xi32, #tpu.memory_space<vmem>>, vector<1x16xi32>,
      %get3A_422 = vector.shape_cast %get3A_421 : vector<1x16xi32> to vector<16xi32>
      %min3A_423 = arith.constant 19 : i32
      %min3A_424 = vector.broadcast %min3A_423 : i32 to vector<16xi32>
      %min3A_425 = arith.minsi %get3A_422, %min3A_424 : vector<16xi32>
      %mul3A_426 = arith.constant 20 : i32
      %mul3A_427 = vector.broadcast %mul3A_426 : i32 to vector<16xi32>
      %mul3A_428 = arith.muli %min3A_425, %mul3A_427 : vector<16xi32>
      %get3A_429 = arith.constant 2 : i32
      %get3A_430 = arith.index_cast %get3A_429 : i32 to index
      %get3A_431 = arith.constant 32 : index
      %get3A_432 = tpu.vector_load %arg11[%get3A_430, %get3A_431] {strides = array<i32>} : memref<3x128xi32, #tpu.memory_space<vmem>>, vector<1x16xi32>,
      %get3A_433 = vector.shape_cast %get3A_432 : vector<1x16xi32> to vector<16xi32>
      %min3A_434 = arith.constant 19 : i32
      %min3A_435 = vector.broadcast %min3A_434 : i32 to vector<16xi32>
      %min3A_436 = arith.minsi %get3A_433, %min3A_435 : vector<16xi32>
      %add3A_437 = arith.addi %mul3A_428, %min3A_436 : vector<16xi32>
      %swap3A_438 = arith.constant 32 : index
      %swap3A_439 = tpu.vector_load %arg15[%swap3A_438] {strides = array<i32>} : memref<128xi32, #tpu.memory_space<vmem>>, vector<16xi32>,
      %swap3A_440 = vector.shape_cast %swap3A_439 : vector<16xi32> to vector<16xi32>
      %swap3A_441 = vector.shape_cast %add3A_437 : vector<16xi32> to vector<16xi32>
      tpu.vector_store %arg15[%swap3A_438], %swap3A_441 {strides = array<i32>} : memref<128xi32, #tpu.memory_space<vmem>>, vector<16xi32>,
      %get3A_442 = arith.constant 0 : i32
      %get3A_443 = arith.index_cast %get3A_442 : i32 to index
      %get3A_444 = arith.constant 48 : index
      %get3A_445 = tpu.vector_load %arg11[%get3A_443, %get3A_444] {strides = array<i32>} : memref<3x128xi32, #tpu.memory_space<vmem>>, vector<1x16xi32>,
      %get3A_446 = vector.shape_cast %get3A_445 : vector<1x16xi32> to vector<16xi32>
      %swap3A_447 = arith.constant 48 : index
      %swap3A_448 = tpu.vector_load %arg13[%swap3A_447] {strides = array<i32>} : memref<128xi32, #tpu.memory_space<vmem>>, vector<16xi32>,
      %swap3A_449 = vector.shape_cast %swap3A_448 : vector<16xi32> to vector<16xi32>
      %swap3A_450 = vector.shape_cast %get3A_446 : vector<16xi32> to vector<16xi32>
      tpu.vector_store %arg13[%swap3A_447], %swap3A_450 {strides = array<i32>} : memref<128xi32, #tpu.memory_space<vmem>>, vector<16xi32>,
      %get3A_451 = arith.constant 1 : i32
      %get3A_452 = arith.index_cast %get3A_451 : i32 to index
      %get3A_453 = arith.constant 48 : index
      %get3A_454 = tpu.vector_load %arg11[%get3A_452, %get3A_453] {strides = array<i32>} : memref<3x128xi32, #tpu.memory_space<vmem>>, vector<1x16xi32>,
      %get3A_455 = vector.shape_cast %get3A_454 : vector<1x16xi32> to vector<16xi32>
      %min3A_456 = arith.constant 19 : i32
      %min3A_457 = vector.broadcast %min3A_456 : i32 to vector<16xi32>
      %min3A_458 = arith.minsi %get3A_455, %min3A_457 : vector<16xi32>
      %mul3A_459 = arith.constant 20 : i32
      %mul3A_460 = vector.broadcast %mul3A_459 : i32 to vector<16xi32>
      %mul3A_461 = arith.muli %min3A_458, %mul3A_460 : vector<16xi32>
      %get3A_462 = arith.constant 2 : i32
      %get3A_463 = arith.index_cast %get3A_462 : i32 to index
      %get3A_464 = arith.constant 48 : index
      %get3A_465 = tpu.vector_load %arg11[%get3A_463, %get3A_464] {strides = array<i32>} : memref<3x128xi32, #tpu.memory_space<vmem>>, vector<1x16xi32>,
      %get3A_466 = vector.shape_cast %get3A_465 : vector<1x16xi32> to vector<16xi32>
      %min3A_467 = arith.constant 19 : i32
      %min3A_468 = vector.broadcast %min3A_467 : i32 to vector<16xi32>
      %min3A_469 = arith.minsi %get3A_466, %min3A_468 : vector<16xi32>
      %add3A_470 = arith.addi %mul3A_461, %min3A_469 : vector<16xi32>
      %swap3A_471 = arith.constant 48 : index
      %swap3A_472 = tpu.vector_load %arg15[%swap3A_471] {strides = array<i32>} : memref<128xi32, #tpu.memory_space<vmem>>, vector<16xi32>,
      %swap3A_473 = vector.shape_cast %swap3A_472 : vector<16xi32> to vector<16xi32>
      %swap3A_474 = vector.shape_cast %add3A_470 : vector<16xi32> to vector<16xi32>
      tpu.vector_store %arg15[%swap3A_471], %swap3A_474 {strides = array<i32>} : memref<128xi32, #tpu.memory_space<vmem>>, vector<16xi32>,
      %get3A_475 = arith.constant 0 : i32
      %get3A_476 = arith.index_cast %get3A_475 : i32 to index
      %get3A_477 = arith.constant 64 : index
      %get3A_478 = tpu.vector_load %arg11[%get3A_476, %get3A_477] {strides = array<i32>} : memref<3x128xi32, #tpu.memory_space<vmem>>, vector<1x16xi32>,
      %get3A_479 = vector.shape_cast %get3A_478 : vector<1x16xi32> to vector<16xi32>
      %swap3A_480 = arith.constant 64 : index
      %swap3A_481 = tpu.vector_load %arg13[%swap3A_480] {strides = array<i32>} : memref<128xi32, #tpu.memory_space<vmem>>, vector<16xi32>,
      %swap3A_482 = vector.shape_cast %swap3A_481 : vector<16xi32> to vector<16xi32>
      %swap3A_483 = vector.shape_cast %get3A_479 : vector<16xi32> to vector<16xi32>
      tpu.vector_store %arg13[%swap3A_480], %swap3A_483 {strides = array<i32>} : memref<128xi32, #tpu.memory_space<vmem>>, vector<16xi32>,
      %get3A_484 = arith.constant 1 : i32
      %get3A_485 = arith.index_cast %get3A_484 : i32 to index
      %get3A_486 = arith.constant 64 : index
      %get3A_487 = tpu.vector_load %arg11[%get3A_485, %get3A_486] {strides = array<i32>} : memref<3x128xi32, #tpu.memory_space<vmem>>, vector<1x16xi32>,
      %get3A_488 = vector.shape_cast %get3A_487 : vector<1x16xi32> to vector<16xi32>
      %min3A_489 = arith.constant 19 : i32
      %min3A_490 = vector.broadcast %min3A_489 : i32 to vector<16xi32>
      %min3A_491 = arith.minsi %get3A_488, %min3A_490 : vector<16xi32>
      %mul3A_492 = arith.constant 20 : i32
      %mul3A_493 = vector.broadcast %mul3A_492 : i32 to vector<16xi32>
      %mul3A_494 = arith.muli %min3A_491, %mul3A_493 : vector<16xi32>
      %get3A_495 = arith.constant 2 : i32
      %get3A_496 = arith.index_cast %get3A_495 : i32 to index
      %get3A_497 = arith.constant 64 : index
      %get3A_498 = tpu.vector_load %arg11[%get3A_496, %get3A_497] {strides = array<i32>} : memref<3x128xi32, #tpu.memory_space<vmem>>, vector<1x16xi32>,
      %get3A_499 = vector.shape_cast %get3A_498 : vector<1x16xi32> to vector<16xi32>
      %min3A_500 = arith.constant 19 : i32
      %min3A_501 = vector.broadcast %min3A_500 : i32 to vector<16xi32>
      %min3A_502 = arith.minsi %get3A_499, %min3A_501 : vector<16xi32>
      %add3A_503 = arith.addi %mul3A_494, %min3A_502 : vector<16xi32>
      %swap3A_504 = arith.constant 64 : index
      %swap3A_505 = tpu.vector_load %arg15[%swap3A_504] {strides = array<i32>} : memref<128xi32, #tpu.memory_space<vmem>>, vector<16xi32>,
      %swap3A_506 = vector.shape_cast %swap3A_505 : vector<16xi32> to vector<16xi32>
      %swap3A_507 = vector.shape_cast %add3A_503 : vector<16xi32> to vector<16xi32>
      tpu.vector_store %arg15[%swap3A_504], %swap3A_507 {strides = array<i32>} : memref<128xi32, #tpu.memory_space<vmem>>, vector<16xi32>,
      %get3A_508 = arith.constant 0 : i32
      %get3A_509 = arith.index_cast %get3A_508 : i32 to index
      %get3A_510 = arith.constant 80 : index
      %get3A_511 = tpu.vector_load %arg11[%get3A_509, %get3A_510] {strides = array<i32>} : memref<3x128xi32, #tpu.memory_space<vmem>>, vector<1x16xi32>,
      %get3A_512 = vector.shape_cast %get3A_511 : vector<1x16xi32> to vector<16xi32>
      %swap3A_513 = arith.constant 80 : index
      %swap3A_514 = tpu.vector_load %arg13[%swap3A_513] {strides = array<i32>} : memref<128xi32, #tpu.memory_space<vmem>>, vector<16xi32>,
      %swap3A_515 = vector.shape_cast %swap3A_514 : vector<16xi32> to vector<16xi32>
      %swap3A_516 = vector.shape_cast %get3A_512 : vector<16xi32> to vector<16xi32>
      tpu.vector_store %arg13[%swap3A_513], %swap3A_516 {strides = array<i32>} : memref<128xi32, #tpu.memory_space<vmem>>, vector<16xi32>,
      %get3A_517 = arith.constant 1 : i32
      %get3A_518 = arith.index_cast %get3A_517 : i32 to index
      %get3A_519 = arith.constant 80 : index
      %get3A_520 = tpu.vector_load %arg11[%get3A_518, %get3A_519] {strides = array<i32>} : memref<3x128xi32, #tpu.memory_space<vmem>>, vector<1x16xi32>,
      %get3A_521 = vector.shape_cast %get3A_520 : vector<1x16xi32> to vector<16xi32>
      %min3A_522 = arith.constant 19 : i32
      %min3A_523 = vector.broadcast %min3A_522 : i32 to vector<16xi32>
      %min3A_524 = arith.minsi %get3A_521, %min3A_523 : vector<16xi32>
      %mul3A_525 = arith.constant 20 : i32
      %mul3A_526 = vector.broadcast %mul3A_525 : i32 to vector<16xi32>
      %mul3A_527 = arith.muli %min3A_524, %mul3A_526 : vector<16xi32>
      %get3A_528 = arith.constant 2 : i32
      %get3A_529 = arith.index_cast %get3A_528 : i32 to index
      %get3A_530 = arith.constant 80 : index
      %get3A_531 = tpu.vector_load %arg11[%get3A_529, %get3A_530] {strides = array<i32>} : memref<3x128xi32, #tpu.memory_space<vmem>>, vector<1x16xi32>,
      %get3A_532 = vector.shape_cast %get3A_531 : vector<1x16xi32> to vector<16xi32>
      %min3A_533 = arith.constant 19 : i32
      %min3A_534 = vector.broadcast %min3A_533 : i32 to vector<16xi32>
      %min3A_535 = arith.minsi %get3A_532, %min3A_534 : vector<16xi32>
      %add3A_536 = arith.addi %mul3A_527, %min3A_535 : vector<16xi32>
      %swap3A_537 = arith.constant 80 : index
      %swap3A_538 = tpu.vector_load %arg15[%swap3A_537] {strides = array<i32>} : memref<128xi32, #tpu.memory_space<vmem>>, vector<16xi32>,
      %swap3A_539 = vector.shape_cast %swap3A_538 : vector<16xi32> to vector<16xi32>
      %swap3A_540 = vector.shape_cast %add3A_536 : vector<16xi32> to vector<16xi32>
      tpu.vector_store %arg15[%swap3A_537], %swap3A_540 {strides = array<i32>} : memref<128xi32, #tpu.memory_space<vmem>>, vector<16xi32>,
      %get3A_541 = arith.constant 0 : i32
      %get3A_542 = arith.index_cast %get3A_541 : i32 to index
      %get3A_543 = arith.constant 96 : index
      %get3A_544 = tpu.vector_load %arg11[%get3A_542, %get3A_543] {strides = array<i32>} : memref<3x128xi32, #tpu.memory_space<vmem>>, vector<1x16xi32>,
      %get3A_545 = vector.shape_cast %get3A_544 : vector<1x16xi32> to vector<16xi32>
      %swap3A_546 = arith.constant 96 : index
      %swap3A_547 = tpu.vector_load %arg13[%swap3A_546] {strides = array<i32>} : memref<128xi32, #tpu.memory_space<vmem>>, vector<16xi32>,
      %swap3A_548 = vector.shape_cast %swap3A_547 : vector<16xi32> to vector<16xi32>
      %swap3A_549 = vector.shape_cast %get3A_545 : vector<16xi32> to vector<16xi32>
      tpu.vector_store %arg13[%swap3A_546], %swap3A_549 {strides = array<i32>} : memref<128xi32, #tpu.memory_space<vmem>>, vector<16xi32>,
      %get3A_550 = arith.constant 1 : i32
      %get3A_551 = arith.index_cast %get3A_550 : i32 to index
      %get3A_552 = arith.constant 96 : index
      %get3A_553 = tpu.vector_load %arg11[%get3A_551, %get3A_552] {strides = array<i32>} : memref<3x128xi32, #tpu.memory_space<vmem>>, vector<1x16xi32>,
      %get3A_554 = vector.shape_cast %get3A_553 : vector<1x16xi32> to vector<16xi32>
      %min3A_555 = arith.constant 19 : i32
      %min3A_556 = vector.broadcast %min3A_555 : i32 to vector<16xi32>
      %min3A_557 = arith.minsi %get3A_554, %min3A_556 : vector<16xi32>
      %mul3A_558 = arith.constant 20 : i32
      %mul3A_559 = vector.broadcast %mul3A_558 : i32 to vector<16xi32>
      %mul3A_560 = arith.muli %min3A_557, %mul3A_559 : vector<16xi32>
      %get3A_561 = arith.constant 2 : i32
      %get3A_562 = arith.index_cast %get3A_561 : i32 to index
      %get3A_563 = arith.constant 96 : index
      %get3A_564 = tpu.vector_load %arg11[%get3A_562, %get3A_563] {strides = array<i32>} : memref<3x128xi32, #tpu.memory_space<vmem>>, vector<1x16xi32>,
      %get3A_565 = vector.shape_cast %get3A_564 : vector<1x16xi32> to vector<16xi32>
      %min3A_566 = arith.constant 19 : i32
      %min3A_567 = vector.broadcast %min3A_566 : i32 to vector<16xi32>
      %min3A_568 = arith.minsi %get3A_565, %min3A_567 : vector<16xi32>
      %add3A_569 = arith.addi %mul3A_560, %min3A_568 : vector<16xi32>
      %swap3A_570 = arith.constant 96 : index
      %swap3A_571 = tpu.vector_load %arg15[%swap3A_570] {strides = array<i32>} : memref<128xi32, #tpu.memory_space<vmem>>, vector<16xi32>,
      %swap3A_572 = vector.shape_cast %swap3A_571 : vector<16xi32> to vector<16xi32>
      %swap3A_573 = vector.shape_cast %add3A_569 : vector<16xi32> to vector<16xi32>
      tpu.vector_store %arg15[%swap3A_570], %swap3A_573 {strides = array<i32>} : memref<128xi32, #tpu.memory_space<vmem>>, vector<16xi32>,
      %get3A_574 = arith.constant 0 : i32
      %get3A_575 = arith.index_cast %get3A_574 : i32 to index
      %get3A_576 = arith.constant 112 : index
      %get3A_577 = tpu.vector_load %arg11[%get3A_575, %get3A_576] {strides = array<i32>} : memref<3x128xi32, #tpu.memory_space<vmem>>, vector<1x16xi32>,
      %get3A_578 = vector.shape_cast %get3A_577 : vector<1x16xi32> to vector<16xi32>
      %swap3A_579 = arith.constant 112 : index
      %swap3A_580 = tpu.vector_load %arg13[%swap3A_579] {strides = array<i32>} : memref<128xi32, #tpu.memory_space<vmem>>, vector<16xi32>,
      %swap3A_581 = vector.shape_cast %swap3A_580 : vector<16xi32> to vector<16xi32>
      %swap3A_582 = vector.shape_cast %get3A_578 : vector<16xi32> to vector<16xi32>
      tpu.vector_store %arg13[%swap3A_579], %swap3A_582 {strides = array<i32>} : memref<128xi32, #tpu.memory_space<vmem>>, vector<16xi32>,
      %get3A_583 = arith.constant 1 : i32
      %get3A_584 = arith.index_cast %get3A_583 : i32 to index
      %get3A_585 = arith.constant 112 : index
      %get3A_586 = tpu.vector_load %arg11[%get3A_584, %get3A_585] {strides = array<i32>} : memref<3x128xi32, #tpu.memory_space<vmem>>, vector<1x16xi32>,
      %get3A_587 = vector.shape_cast %get3A_586 : vector<1x16xi32> to vector<16xi32>
      %min3A_588 = arith.constant 19 : i32
      %min3A_589 = vector.broadcast %min3A_588 : i32 to vector<16xi32>
      %min3A_590 = arith.minsi %get3A_587, %min3A_589 : vector<16xi32>
      %mul3A_591 = arith.constant 20 : i32
      %mul3A_592 = vector.broadcast %mul3A_591 : i32 to vector<16xi32>
      %mul3A_593 = arith.muli %min3A_590, %mul3A_592 : vector<16xi32>
      %get3A_594 = arith.constant 2 : i32
      %get3A_595 = arith.index_cast %get3A_594 : i32 to index
      %get3A_596 = arith.constant 112 : index
      %get3A_597 = tpu.vector_load %arg11[%get3A_595, %get3A_596] {strides = array<i32>} : memref<3x128xi32, #tpu.memory_space<vmem>>, vector<1x16xi32>,
      %get3A_598 = vector.shape_cast %get3A_597 : vector<1x16xi32> to vector<16xi32>
      %min3A_599 = arith.constant 19 : i32
      %min3A_600 = vector.broadcast %min3A_599 : i32 to vector<16xi32>
      %min3A_601 = arith.minsi %get3A_598, %min3A_600 : vector<16xi32>
      %add3A_602 = arith.addi %mul3A_593, %min3A_601 : vector<16xi32>
      %swap3A_603 = arith.constant 112 : index
      %swap3A_604 = tpu.vector_load %arg15[%swap3A_603] {strides = array<i32>} : memref<128xi32, #tpu.memory_space<vmem>>, vector<16xi32>,
      %swap3A_605 = vector.shape_cast %swap3A_604 : vector<16xi32> to vector<16xi32>
      %swap3A_606 = vector.shape_cast %add3A_602 : vector<16xi32> to vector<16xi32>
      tpu.vector_store %arg15[%swap3A_603], %swap3A_606 {strides = array<i32>} : memref<128xi32, #tpu.memory_space<vmem>>, vector<16xi32>,
      %dma_start3A_607 = arith.constant 0 : i32
      %dma_start3A_608 = arith.constant 0 : i32
      %dma_start3A_609 = tpu.memref_slice %arg3[%dma_start3A_607, %dma_start3A_608] : memref<100000x64xf32, #tpu.memory_space<hbm>> -> memref<100000x64xf32, #tpu.memory_space<hbm>>
      tpu.enqueue_indirect_dma source(%dma_start3A_609 : memref<100000x64xf32, #tpu.memory_space<hbm>>) target(%arg17 : memref<128x64xf32, #tpu.memory_space<vmem>>) offsets(%arg13 : memref<128xi32, #tpu.memory_space<vmem>>) semaphore(%arg33 : memref<!tpu.dma_semaphore, #tpu.memory_space<semaphore_mem>>)
      %dma_start3A_610 = arith.constant 0 : i32
      %dma_start3A_611 = arith.constant 0 : i32
      %dma_start3A_612 = tpu.memref_slice %arg4[%dma_start3A_610, %dma_start3A_611] : memref<100000x64xf32, #tpu.memory_space<hbm>> -> memref<100000x64xf32, #tpu.memory_space<hbm>>
      tpu.enqueue_indirect_dma source(%dma_start3A_612 : memref<100000x64xf32, #tpu.memory_space<hbm>>) target(%arg19 : memref<128x64xf32, #tpu.memory_space<vmem>>) offsets(%arg13 : memref<128xi32, #tpu.memory_space<vmem>>) semaphore(%arg33 : memref<!tpu.dma_semaphore, #tpu.memory_space<semaphore_mem>>)
      %dma_start3A_613 = arith.constant 0 : i32
      %dma_start3A_614 = arith.constant 0 : i32
      %dma_start3A_615 = tpu.memref_slice %arg5[%dma_start3A_613, %dma_start3A_614] : memref<100000x64xf32, #tpu.memory_space<hbm>> -> memref<100000x64xf32, #tpu.memory_space<hbm>>
      tpu.enqueue_indirect_dma source(%dma_start3A_615 : memref<100000x64xf32, #tpu.memory_space<hbm>>) target(%arg21 : memref<128x64xf32, #tpu.memory_space<vmem>>) offsets(%arg13 : memref<128xi32, #tpu.memory_space<vmem>>) semaphore(%arg33 : memref<!tpu.dma_semaphore, #tpu.memory_space<semaphore_mem>>)
      %dma_start3A_616 = arith.constant 0 : i32
      %dma_start3A_617 = arith.constant 0 : i32
      %dma_start3A_618 = tpu.memref_slice %arg6[%dma_start3A_616, %dma_start3A_617] : memref<400x64xf32, #tpu.memory_space<hbm>> -> memref<400x64xf32, #tpu.memory_space<hbm>>
      tpu.enqueue_indirect_dma source(%dma_start3A_618 : memref<400x64xf32, #tpu.memory_space<hbm>>) target(%arg23 : memref<128x64xf32, #tpu.memory_space<vmem>>) offsets(%arg15 : memref<128xi32, #tpu.memory_space<vmem>>) semaphore(%arg33 : memref<!tpu.dma_semaphore, #tpu.memory_space<semaphore_mem>>)
      %scan3A_619 = arith.constant 0 : i32
      %scan3A_620 = arith.constant 128 : i32
      %scan3A_621 = arith.addi %scan3A_619, %scan3A_620 : i32
      %scan3A_622 = arith.constant 1 : i32
      scf.for %scan3A_701 = %scan3A_619 to %scan3A_621 step %scan3A_622  : i32 {
        %get3A_702 = arith.index_cast %scan3A_701 : i32 to index
        %get3A_703 = arith.constant 0 : index
        %get3A_704 = tpu.vector_load %arg22[%get3A_702, %get3A_703] {strides = array<i32>} : memref<128x64xf32, #tpu.memory_space<vmem>>, vector<1x16xf32>,
        %get3A_705 = vector.shape_cast %get3A_704 : vector<1x16xf32> to vector<16xf32>
        %get3A_706 = arith.index_cast %scan3A_701 : i32 to index
        %get3A_707 = arith.constant 0 : index
        %get3A_708 = tpu.vector_load %arg16[%get3A_706, %get3A_707] {strides = array<i32>} : memref<128x64xf32, #tpu.memory_space<vmem>>, vector<1x16xf32>,
        %get3A_709 = vector.shape_cast %get3A_708 : vector<1x16xf32> to vector<16xf32>
        %add3A_710 = arith.addf %get3A_709, %get3A_705 : vector<16xf32>
        %get3A_711 = arith.index_cast %scan3A_701 : i32 to index
        %get3A_712 = arith.constant 0 : index
        %get3A_713 = tpu.vector_load %arg18[%get3A_711, %get3A_712] {strides = array<i32>} : memref<128x64xf32, #tpu.memory_space<vmem>>, vector<1x16xf32>,
        %get3A_714 = vector.shape_cast %get3A_713 : vector<1x16xf32> to vector<16xf32>
        %add3A_715 = arith.addf %get3A_714, %get3A_705 : vector<16xf32>
        %get3A_716 = arith.index_cast %scan3A_701 : i32 to index
        %get3A_717 = arith.constant 0 : index
        %get3A_718 = tpu.vector_load %arg20[%get3A_716, %get3A_717] {strides = array<i32>} : memref<128x64xf32, #tpu.memory_space<vmem>>, vector<1x16xf32>,
        %get3A_719 = vector.shape_cast %get3A_718 : vector<1x16xf32> to vector<16xf32>
        %add3A_720 = arith.addf %get3A_719, %get3A_705 : vector<16xf32>
        %swap3A_721 = arith.index_cast %scan3A_701 : i32 to index
        %swap3A_722 = arith.constant 0 : index
        %swap3A_723 = tpu.vector_load %arg28[%swap3A_721, %swap3A_722] {strides = array<i32>} : memref<128x64xf32, #tpu.memory_space<vmem>>, vector<1x16xf32>,
        %swap3A_724 = vector.shape_cast %swap3A_723 : vector<1x16xf32> to vector<16xf32>
        %swap3A_725 = vector.shape_cast %add3A_720 : vector<16xf32> to vector<1x16xf32>
        tpu.vector_store %arg28[%swap3A_721, %swap3A_722], %swap3A_725 {strides = array<i32>} : memref<128x64xf32, #tpu.memory_space<vmem>>, vector<1x16xf32>,
        %add3A_726 = arith.addf %add3A_710, %add3A_710 : vector<16xf32>
        %exp3A = math.exp %add3A_726 : vector<16xf32>
        %add3A_727 = arith.constant 1.000000e+00 : f32
        %add3A_728 = vector.broadcast %add3A_727 : f32 to vector<16xf32>
        %add3A_729 = arith.addf %exp3A, %add3A_728 : vector<16xf32>
        %div3A = arith.constant 2.000000e+00 : f32
        %div3A_730 = vector.broadcast %div3A : f32 to vector<16xf32>
        %div3A_731 = arith.divf %div3A_730, %add3A_729 : vector<16xf32>
        %sub3A = arith.constant 1.000000e+00 : f32
        %sub3A_732 = vector.broadcast %sub3A : f32 to vector<16xf32>
        %sub3A_733 = arith.subf %sub3A_732, %div3A_731 : vector<16xf32>
        %swap3A_734 = arith.index_cast %scan3A_701 : i32 to index
        %swap3A_735 = arith.constant 0 : index
        %swap3A_736 = tpu.vector_load %arg24[%swap3A_734, %swap3A_735] {strides = array<i32>} : memref<128x64xf32, #tpu.memory_space<vmem>>, vector<1x16xf32>,
        %swap3A_737 = vector.shape_cast %swap3A_736 : vector<1x16xf32> to vector<16xf32>
        %swap3A_738 = vector.shape_cast %sub3A_733 : vector<16xf32> to vector<1x16xf32>
        tpu.vector_store %arg24[%swap3A_734, %swap3A_735], %swap3A_738 {strides = array<i32>} : memref<128x64xf32, #tpu.memory_space<vmem>>, vector<1x16xf32>,
        %add3A_739 = arith.addf %add3A_715, %add3A_715 : vector<16xf32>
        %exp3A_740 = math.exp %add3A_739 : vector<16xf32>
        %add3A_741 = arith.constant 1.000000e+00 : f32
        %add3A_742 = vector.broadcast %add3A_741 : f32 to vector<16xf32>
        %add3A_743 = arith.addf %exp3A_740, %add3A_742 : vector<16xf32>
        %div3A_744 = arith.constant 2.000000e+00 : f32
        %div3A_745 = vector.broadcast %div3A_744 : f32 to vector<16xf32>
        %div3A_746 = arith.divf %div3A_745, %add3A_743 : vector<16xf32>
        %sub3A_747 = arith.constant 1.000000e+00 : f32
        %sub3A_748 = vector.broadcast %sub3A_747 : f32 to vector<16xf32>
        %sub3A_749 = arith.subf %sub3A_748, %div3A_746 : vector<16xf32>
        %swap3A_750 = arith.index_cast %scan3A_701 : i32 to index
        %swap3A_751 = arith.constant 0 : index
        %swap3A_752 = tpu.vector_load %arg26[%swap3A_750, %swap3A_751] {strides = array<i32>} : memref<128x64xf32, #tpu.memory_space<vmem>>, vector<1x16xf32>,
        %swap3A_753 = vector.shape_cast %swap3A_752 : vector<1x16xf32> to vector<16xf32>
        %swap3A_754 = vector.shape_cast %sub3A_749 : vector<16xf32> to vector<1x16xf32>
        tpu.vector_store %arg26[%swap3A_750, %swap3A_751], %swap3A_754 {strides = array<i32>} : memref<128x64xf32, #tpu.memory_space<vmem>>, vector<1x16xf32>,
        %get3A_755 = arith.index_cast %scan3A_701 : i32 to index
        %get3A_756 = arith.constant 16 : index
        %get3A_757 = tpu.vector_load %arg22[%get3A_755, %get3A_756] {strides = array<i32>} : memref<128x64xf32, #tpu.memory_space<vmem>>, vector<1x16xf32>,
        %get3A_758 = vector.shape_cast %get3A_757 : vector<1x16xf32> to vector<16xf32>
        %get3A_759 = arith.index_cast %scan3A_701 : i32 to index
        %get3A_760 = arith.constant 16 : index
        %get3A_761 = tpu.vector_load %arg16[%get3A_759, %get3A_760] {strides = array<i32>} : memref<128x64xf32, #tpu.memory_space<vmem>>, vector<1x16xf32>,
        %get3A_762 = vector.shape_cast %get3A_761 : vector<1x16xf32> to vector<16xf32>
        %add3A_763 = arith.addf %get3A_762, %get3A_758 : vector<16xf32>
        %get3A_764 = arith.index_cast %scan3A_701 : i32 to index
        %get3A_765 = arith.constant 16 : index
        %get3A_766 = tpu.vector_load %arg18[%get3A_764, %get3A_765] {strides = array<i32>} : memref<128x64xf32, #tpu.memory_space<vmem>>, vector<1x16xf32>,
        %get3A_767 = vector.shape_cast %get3A_766 : vector<1x16xf32> to vector<16xf32>
        %add3A_768 = arith.addf %get3A_767, %get3A_758 : vector<16xf32>
        %get3A_769 = arith.index_cast %scan3A_701 : i32 to index
        %get3A_770 = arith.constant 16 : index
        %get3A_771 = tpu.vector_load %arg20[%get3A_769, %get3A_770] {strides = array<i32>} : memref<128x64xf32, #tpu.memory_space<vmem>>, vector<1x16xf32>,
        %get3A_772 = vector.shape_cast %get3A_771 : vector<1x16xf32> to vector<16xf32>
        %add3A_773 = arith.addf %get3A_772, %get3A_758 : vector<16xf32>
        %swap3A_774 = arith.index_cast %scan3A_701 : i32 to index
        %swap3A_775 = arith.constant 16 : index
        %swap3A_776 = tpu.vector_load %arg28[%swap3A_774, %swap3A_775] {strides = array<i32>} : memref<128x64xf32, #tpu.memory_space<vmem>>, vector<1x16xf32>,
        %swap3A_777 = vector.shape_cast %swap3A_776 : vector<1x16xf32> to vector<16xf32>
        %swap3A_778 = vector.shape_cast %add3A_773 : vector<16xf32> to vector<1x16xf32>
        tpu.vector_store %arg28[%swap3A_774, %swap3A_775], %swap3A_778 {strides = array<i32>} : memref<128x64xf32, #tpu.memory_space<vmem>>, vector<1x16xf32>,
        %add3A_779 = arith.addf %add3A_763, %add3A_763 : vector<16xf32>
        %exp3A_780 = math.exp %add3A_779 : vector<16xf32>
        %add3A_781 = arith.constant 1.000000e+00 : f32
        %add3A_782 = vector.broadcast %add3A_781 : f32 to vector<16xf32>
        %add3A_783 = arith.addf %exp3A_780, %add3A_782 : vector<16xf32>
        %div3A_784 = arith.constant 2.000000e+00 : f32
        %div3A_785 = vector.broadcast %div3A_784 : f32 to vector<16xf32>
        %div3A_786 = arith.divf %div3A_785, %add3A_783 : vector<16xf32>
        %sub3A_787 = arith.constant 1.000000e+00 : f32
        %sub3A_788 = vector.broadcast %sub3A_787 : f32 to vector<16xf32>
        %sub3A_789 = arith.subf %sub3A_788, %div3A_786 : vector<16xf32>
        %swap3A_790 = arith.index_cast %scan3A_701 : i32 to index
        %swap3A_791 = arith.constant 16 : index
        %swap3A_792 = tpu.vector_load %arg24[%swap3A_790, %swap3A_791] {strides = array<i32>} : memref<128x64xf32, #tpu.memory_space<vmem>>, vector<1x16xf32>,
        %swap3A_793 = vector.shape_cast %swap3A_792 : vector<1x16xf32> to vector<16xf32>
        %swap3A_794 = vector.shape_cast %sub3A_789 : vector<16xf32> to vector<1x16xf32>
        tpu.vector_store %arg24[%swap3A_790, %swap3A_791], %swap3A_794 {strides = array<i32>} : memref<128x64xf32, #tpu.memory_space<vmem>>, vector<1x16xf32>,
        %add3A_795 = arith.addf %add3A_768, %add3A_768 : vector<16xf32>
        %exp3A_796 = math.exp %add3A_795 : vector<16xf32>
        %add3A_797 = arith.constant 1.000000e+00 : f32
        %add3A_798 = vector.broadcast %add3A_797 : f32 to vector<16xf32>
        %add3A_799 = arith.addf %exp3A_796, %add3A_798 : vector<16xf32>
        %div3A_800 = arith.constant 2.000000e+00 : f32
        %div3A_801 = vector.broadcast %div3A_800 : f32 to vector<16xf32>
        %div3A_802 = arith.divf %div3A_801, %add3A_799 : vector<16xf32>
        %sub3A_803 = arith.constant 1.000000e+00 : f32
        %sub3A_804 = vector.broadcast %sub3A_803 : f32 to vector<16xf32>
        %sub3A_805 = arith.subf %sub3A_804, %div3A_802 : vector<16xf32>
        %swap3A_806 = arith.index_cast %scan3A_701 : i32 to index
        %swap3A_807 = arith.constant 16 : index
        %swap3A_808 = tpu.vector_load %arg26[%swap3A_806, %swap3A_807] {strides = array<i32>} : memref<128x64xf32, #tpu.memory_space<vmem>>, vector<1x16xf32>,
        %swap3A_809 = vector.shape_cast %swap3A_808 : vector<1x16xf32> to vector<16xf32>
        %swap3A_810 = vector.shape_cast %sub3A_805 : vector<16xf32> to vector<1x16xf32>
        tpu.vector_store %arg26[%swap3A_806, %swap3A_807], %swap3A_810 {strides = array<i32>} : memref<128x64xf32, #tpu.memory_space<vmem>>, vector<1x16xf32>,
        %get3A_811 = arith.index_cast %scan3A_701 : i32 to index
        %get3A_812 = arith.constant 32 : index
        %get3A_813 = tpu.vector_load %arg22[%get3A_811, %get3A_812] {strides = array<i32>} : memref<128x64xf32, #tpu.memory_space<vmem>>, vector<1x16xf32>,
        %get3A_814 = vector.shape_cast %get3A_813 : vector<1x16xf32> to vector<16xf32>
        %get3A_815 = arith.index_cast %scan3A_701 : i32 to index
        %get3A_816 = arith.constant 32 : index
        %get3A_817 = tpu.vector_load %arg16[%get3A_815, %get3A_816] {strides = array<i32>} : memref<128x64xf32, #tpu.memory_space<vmem>>, vector<1x16xf32>,
        %get3A_818 = vector.shape_cast %get3A_817 : vector<1x16xf32> to vector<16xf32>
        %add3A_819 = arith.addf %get3A_818, %get3A_814 : vector<16xf32>
        %get3A_820 = arith.index_cast %scan3A_701 : i32 to index
        %get3A_821 = arith.constant 32 : index
        %get3A_822 = tpu.vector_load %arg18[%get3A_820, %get3A_821] {strides = array<i32>} : memref<128x64xf32, #tpu.memory_space<vmem>>, vector<1x16xf32>,
        %get3A_823 = vector.shape_cast %get3A_822 : vector<1x16xf32> to vector<16xf32>
        %add3A_824 = arith.addf %get3A_823, %get3A_814 : vector<16xf32>
        %get3A_825 = arith.index_cast %scan3A_701 : i32 to index
        %get3A_826 = arith.constant 32 : index
        %get3A_827 = tpu.vector_load %arg20[%get3A_825, %get3A_826] {strides = array<i32>} : memref<128x64xf32, #tpu.memory_space<vmem>>, vector<1x16xf32>,
        %get3A_828 = vector.shape_cast %get3A_827 : vector<1x16xf32> to vector<16xf32>
        %add3A_829 = arith.addf %get3A_828, %get3A_814 : vector<16xf32>
        %swap3A_830 = arith.index_cast %scan3A_701 : i32 to index
        %swap3A_831 = arith.constant 32 : index
        %swap3A_832 = tpu.vector_load %arg28[%swap3A_830, %swap3A_831] {strides = array<i32>} : memref<128x64xf32, #tpu.memory_space<vmem>>, vector<1x16xf32>,
        %swap3A_833 = vector.shape_cast %swap3A_832 : vector<1x16xf32> to vector<16xf32>
        %swap3A_834 = vector.shape_cast %add3A_829 : vector<16xf32> to vector<1x16xf32>
        tpu.vector_store %arg28[%swap3A_830, %swap3A_831], %swap3A_834 {strides = array<i32>} : memref<128x64xf32, #tpu.memory_space<vmem>>, vector<1x16xf32>,
        %add3A_835 = arith.addf %add3A_819, %add3A_819 : vector<16xf32>
        %exp3A_836 = math.exp %add3A_835 : vector<16xf32>
        %add3A_837 = arith.constant 1.000000e+00 : f32
        %add3A_838 = vector.broadcast %add3A_837 : f32 to vector<16xf32>
        %add3A_839 = arith.addf %exp3A_836, %add3A_838 : vector<16xf32>
        %div3A_840 = arith.constant 2.000000e+00 : f32
        %div3A_841 = vector.broadcast %div3A_840 : f32 to vector<16xf32>
        %div3A_842 = arith.divf %div3A_841, %add3A_839 : vector<16xf32>
        %sub3A_843 = arith.constant 1.000000e+00 : f32
        %sub3A_844 = vector.broadcast %sub3A_843 : f32 to vector<16xf32>
        %sub3A_845 = arith.subf %sub3A_844, %div3A_842 : vector<16xf32>
        %swap3A_846 = arith.index_cast %scan3A_701 : i32 to index
        %swap3A_847 = arith.constant 32 : index
        %swap3A_848 = tpu.vector_load %arg24[%swap3A_846, %swap3A_847] {strides = array<i32>} : memref<128x64xf32, #tpu.memory_space<vmem>>, vector<1x16xf32>,
        %swap3A_849 = vector.shape_cast %swap3A_848 : vector<1x16xf32> to vector<16xf32>
        %swap3A_850 = vector.shape_cast %sub3A_845 : vector<16xf32> to vector<1x16xf32>
        tpu.vector_store %arg24[%swap3A_846, %swap3A_847], %swap3A_850 {strides = array<i32>} : memref<128x64xf32, #tpu.memory_space<vmem>>, vector<1x16xf32>,
        %add3A_851 = arith.addf %add3A_824, %add3A_824 : vector<16xf32>
        %exp3A_852 = math.exp %add3A_851 : vector<16xf32>
        %add3A_853 = arith.constant 1.000000e+00 : f32
        %add3A_854 = vector.broadcast %add3A_853 : f32 to vector<16xf32>
        %add3A_855 = arith.addf %exp3A_852, %add3A_854 : vector<16xf32>
        %div3A_856 = arith.constant 2.000000e+00 : f32
        %div3A_857 = vector.broadcast %div3A_856 : f32 to vector<16xf32>
        %div3A_858 = arith.divf %div3A_857, %add3A_855 : vector<16xf32>
        %sub3A_859 = arith.constant 1.000000e+00 : f32
        %sub3A_860 = vector.broadcast %sub3A_859 : f32 to vector<16xf32>
        %sub3A_861 = arith.subf %sub3A_860, %div3A_858 : vector<16xf32>
        %swap3A_862 = arith.index_cast %scan3A_701 : i32 to index
        %swap3A_863 = arith.constant 32 : index
        %swap3A_864 = tpu.vector_load %arg26[%swap3A_862, %swap3A_863] {strides = array<i32>} : memref<128x64xf32, #tpu.memory_space<vmem>>, vector<1x16xf32>,
        %swap3A_865 = vector.shape_cast %swap3A_864 : vector<1x16xf32> to vector<16xf32>
        %swap3A_866 = vector.shape_cast %sub3A_861 : vector<16xf32> to vector<1x16xf32>
        tpu.vector_store %arg26[%swap3A_862, %swap3A_863], %swap3A_866 {strides = array<i32>} : memref<128x64xf32, #tpu.memory_space<vmem>>, vector<1x16xf32>,
        %get3A_867 = arith.index_cast %scan3A_701 : i32 to index
        %get3A_868 = arith.constant 48 : index
        %get3A_869 = tpu.vector_load %arg22[%get3A_867, %get3A_868] {strides = array<i32>} : memref<128x64xf32, #tpu.memory_space<vmem>>, vector<1x16xf32>,
        %get3A_870 = vector.shape_cast %get3A_869 : vector<1x16xf32> to vector<16xf32>
        %get3A_871 = arith.index_cast %scan3A_701 : i32 to index
        %get3A_872 = arith.constant 48 : index
        %get3A_873 = tpu.vector_load %arg16[%get3A_871, %get3A_872] {strides = array<i32>} : memref<128x64xf32, #tpu.memory_space<vmem>>, vector<1x16xf32>,
        %get3A_874 = vector.shape_cast %get3A_873 : vector<1x16xf32> to vector<16xf32>
        %add3A_875 = arith.addf %get3A_874, %get3A_870 : vector<16xf32>
        %get3A_876 = arith.index_cast %scan3A_701 : i32 to index
        %get3A_877 = arith.constant 48 : index
        %get3A_878 = tpu.vector_load %arg18[%get3A_876, %get3A_877] {strides = array<i32>} : memref<128x64xf32, #tpu.memory_space<vmem>>, vector<1x16xf32>,
        %get3A_879 = vector.shape_cast %get3A_878 : vector<1x16xf32> to vector<16xf32>
        %add3A_880 = arith.addf %get3A_879, %get3A_870 : vector<16xf32>
        %get3A_881 = arith.index_cast %scan3A_701 : i32 to index
        %get3A_882 = arith.constant 48 : index
        %get3A_883 = tpu.vector_load %arg20[%get3A_881, %get3A_882] {strides = array<i32>} : memref<128x64xf32, #tpu.memory_space<vmem>>, vector<1x16xf32>,
        %get3A_884 = vector.shape_cast %get3A_883 : vector<1x16xf32> to vector<16xf32>
        %add3A_885 = arith.addf %get3A_884, %get3A_870 : vector<16xf32>
        %swap3A_886 = arith.index_cast %scan3A_701 : i32 to index
        %swap3A_887 = arith.constant 48 : index
        %swap3A_888 = tpu.vector_load %arg28[%swap3A_886, %swap3A_887] {strides = array<i32>} : memref<128x64xf32, #tpu.memory_space<vmem>>, vector<1x16xf32>,
        %swap3A_889 = vector.shape_cast %swap3A_888 : vector<1x16xf32> to vector<16xf32>
        %swap3A_890 = vector.shape_cast %add3A_885 : vector<16xf32> to vector<1x16xf32>
        tpu.vector_store %arg28[%swap3A_886, %swap3A_887], %swap3A_890 {strides = array<i32>} : memref<128x64xf32, #tpu.memory_space<vmem>>, vector<1x16xf32>,
        %add3A_891 = arith.addf %add3A_875, %add3A_875 : vector<16xf32>
        %exp3A_892 = math.exp %add3A_891 : vector<16xf32>
        %add3A_893 = arith.constant 1.000000e+00 : f32
        %add3A_894 = vector.broadcast %add3A_893 : f32 to vector<16xf32>
        %add3A_895 = arith.addf %exp3A_892, %add3A_894 : vector<16xf32>
        %div3A_896 = arith.constant 2.000000e+00 : f32
        %div3A_897 = vector.broadcast %div3A_896 : f32 to vector<16xf32>
        %div3A_898 = arith.divf %div3A_897, %add3A_895 : vector<16xf32>
        %sub3A_899 = arith.constant 1.000000e+00 : f32
        %sub3A_900 = vector.broadcast %sub3A_899 : f32 to vector<16xf32>
        %sub3A_901 = arith.subf %sub3A_900, %div3A_898 : vector<16xf32>
        %swap3A_902 = arith.index_cast %scan3A_701 : i32 to index
        %swap3A_903 = arith.constant 48 : index
        %swap3A_904 = tpu.vector_load %arg24[%swap3A_902, %swap3A_903] {strides = array<i32>} : memref<128x64xf32, #tpu.memory_space<vmem>>, vector<1x16xf32>,
        %swap3A_905 = vector.shape_cast %swap3A_904 : vector<1x16xf32> to vector<16xf32>
        %swap3A_906 = vector.shape_cast %sub3A_901 : vector<16xf32> to vector<1x16xf32>
        tpu.vector_store %arg24[%swap3A_902, %swap3A_903], %swap3A_906 {strides = array<i32>} : memref<128x64xf32, #tpu.memory_space<vmem>>, vector<1x16xf32>,
        %add3A_907 = arith.addf %add3A_880, %add3A_880 : vector<16xf32>
        %exp3A_908 = math.exp %add3A_907 : vector<16xf32>
        %add3A_909 = arith.constant 1.000000e+00 : f32
        %add3A_910 = vector.broadcast %add3A_909 : f32 to vector<16xf32>
        %add3A_911 = arith.addf %exp3A_908, %add3A_910 : vector<16xf32>
        %div3A_912 = arith.constant 2.000000e+00 : f32
        %div3A_913 = vector.broadcast %div3A_912 : f32 to vector<16xf32>
        %div3A_914 = arith.divf %div3A_913, %add3A_911 : vector<16xf32>
        %sub3A_915 = arith.constant 1.000000e+00 : f32
        %sub3A_916 = vector.broadcast %sub3A_915 : f32 to vector<16xf32>
        %sub3A_917 = arith.subf %sub3A_916, %div3A_914 : vector<16xf32>
        %swap3A_918 = arith.index_cast %scan3A_701 : i32 to index
        %swap3A_919 = arith.constant 48 : index
        %swap3A_920 = tpu.vector_load %arg26[%swap3A_918, %swap3A_919] {strides = array<i32>} : memref<128x64xf32, #tpu.memory_space<vmem>>, vector<1x16xf32>,
        %swap3A_921 = vector.shape_cast %swap3A_920 : vector<1x16xf32> to vector<16xf32>
        %swap3A_922 = vector.shape_cast %sub3A_917 : vector<16xf32> to vector<1x16xf32>
        tpu.vector_store %arg26[%swap3A_918, %swap3A_919], %swap3A_922 {strides = array<i32>} : memref<128x64xf32, #tpu.memory_space<vmem>>, vector<1x16xf32>,
      }
      %scan3A_623 = arith.constant 128 : i32
      %mul3A_624 = arith.constant 128 : i32
      %mul3A_625 = arith.muli %mul3A_316, %mul3A_624 : i32
      %add3A_626 = arith.addi %mul3A_2, %mul3A_625 : i32
      %dma_start3A_627 = arith.constant 0 : i32
      %dma_start3A_628 = tpu.memref_slice %arg7[%add3A_626, %dma_start3A_627] : memref<204800x64xf32, #tpu.memory_space<hbm>> -> memref<128x64xf32, #tpu.memory_space<hbm>>
      %dma_start3A_629 = arith.constant 0 : i32
      %dma_start3A_630 = tpu.memref_slice %arg7[%add3A_626, %dma_start3A_629] : memref<204800x64xf32, #tpu.memory_space<hbm>> -> memref<128x64xf32, #tpu.memory_space<hbm>>
      tpu.enqueue_dma source(%arg24 : memref<128x64xf32, #tpu.memory_space<vmem>>) target(%dma_start3A_630 : memref<128x64xf32, #tpu.memory_space<hbm>>) target_semaphore(%arg34 : memref<!tpu.dma_semaphore, #tpu.memory_space<semaphore_mem>>)
      %dma_start3A_631 = arith.constant 0 : i32
      %dma_start3A_632 = tpu.memref_slice %arg8[%add3A_626, %dma_start3A_631] : memref<204800x64xf32, #tpu.memory_space<hbm>> -> memref<128x64xf32, #tpu.memory_space<hbm>>
      %dma_start3A_633 = arith.constant 0 : i32
      %dma_start3A_634 = tpu.memref_slice %arg8[%add3A_626, %dma_start3A_633] : memref<204800x64xf32, #tpu.memory_space<hbm>> -> memref<128x64xf32, #tpu.memory_space<hbm>>
      tpu.enqueue_dma source(%arg26 : memref<128x64xf32, #tpu.memory_space<vmem>>) target(%dma_start3A_634 : memref<128x64xf32, #tpu.memory_space<hbm>>) target_semaphore(%arg34 : memref<!tpu.dma_semaphore, #tpu.memory_space<semaphore_mem>>)
      %dma_start3A_635 = arith.constant 0 : i32
      %dma_start3A_636 = tpu.memref_slice %arg9[%add3A_626, %dma_start3A_635] : memref<204800x64xf32, #tpu.memory_space<hbm>> -> memref<128x64xf32, #tpu.memory_space<hbm>>
      %dma_start3A_637 = arith.constant 0 : i32
      %dma_start3A_638 = tpu.memref_slice %arg9[%add3A_626, %dma_start3A_637] : memref<204800x64xf32, #tpu.memory_space<hbm>> -> memref<128x64xf32, #tpu.memory_space<hbm>>
      tpu.enqueue_dma source(%arg28 : memref<128x64xf32, #tpu.memory_space<vmem>>) target(%dma_start3A_638 : memref<128x64xf32, #tpu.memory_space<hbm>>) target_semaphore(%arg34 : memref<!tpu.dma_semaphore, #tpu.memory_space<semaphore_mem>>)
      %dma_wait3A_639 = arith.constant 0 : i32
      %dma_wait3A_640 = arith.constant 0 : i32
      %dma_wait3A_641 = tpu.memref_slice %arg3[%dma_wait3A_639, %dma_wait3A_640] : memref<100000x64xf32, #tpu.memory_space<hbm>> -> memref<100000x64xf32, #tpu.memory_space<hbm>>
      tpu.wait_indirect_dma semaphore(%arg33 : memref<!tpu.dma_semaphore, #tpu.memory_space<semaphore_mem>>) src(%dma_wait3A_641 : memref<100000x64xf32, #tpu.memory_space<hbm>>) dst(%arg17 : memref<128x64xf32, #tpu.memory_space<vmem>>)
      %dma_wait3A_642 = arith.constant 0 : i32
      %dma_wait3A_643 = arith.constant 0 : i32
      %dma_wait3A_644 = tpu.memref_slice %arg4[%dma_wait3A_642, %dma_wait3A_643] : memref<100000x64xf32, #tpu.memory_space<hbm>> -> memref<100000x64xf32, #tpu.memory_space<hbm>>
      tpu.wait_indirect_dma semaphore(%arg33 : memref<!tpu.dma_semaphore, #tpu.memory_space<semaphore_mem>>) src(%dma_wait3A_644 : memref<100000x64xf32, #tpu.memory_space<hbm>>) dst(%arg19 : memref<128x64xf32, #tpu.memory_space<vmem>>)
      %dma_wait3A_645 = arith.constant 0 : i32
      %dma_wait3A_646 = arith.constant 0 : i32
      %dma_wait3A_647 = tpu.memref_slice %arg5[%dma_wait3A_645, %dma_wait3A_646] : memref<100000x64xf32, #tpu.memory_space<hbm>> -> memref<100000x64xf32, #tpu.memory_space<hbm>>
      tpu.wait_indirect_dma semaphore(%arg33 : memref<!tpu.dma_semaphore, #tpu.memory_space<semaphore_mem>>) src(%dma_wait3A_647 : memref<100000x64xf32, #tpu.memory_space<hbm>>) dst(%arg21 : memref<128x64xf32, #tpu.memory_space<vmem>>)
      %dma_wait3A_648 = arith.constant 0 : i32
      %dma_wait3A_649 = arith.constant 0 : i32
      %dma_wait3A_650 = tpu.memref_slice %arg6[%dma_wait3A_648, %dma_wait3A_649] : memref<400x64xf32, #tpu.memory_space<hbm>> -> memref<400x64xf32, #tpu.memory_space<hbm>>
      tpu.wait_indirect_dma semaphore(%arg33 : memref<!tpu.dma_semaphore, #tpu.memory_space<semaphore_mem>>) src(%dma_wait3A_650 : memref<400x64xf32, #tpu.memory_space<hbm>>) dst(%arg23 : memref<128x64xf32, #tpu.memory_space<vmem>>)
      %lt3A_651 = arith.constant 24 : i32
      %lt3A_652 = arith.cmpi slt, %scan3A_314, %lt3A_651 : i32
      %convert_element_type3A_653 = arith.extui %lt3A_652 : i1 to i32
      %cond3A_654 = arith.constant 0 : i32
      %cond3A_655 = arith.cmpi ne, %convert_element_type3A_653, %cond3A_654 : i32
      scf.if %cond3A_655 {
        %add3A_701 = arith.constant 3 : i32
        %add3A_702 = arith.addi %mul3A_316, %add3A_701 : i32
        %mul3A_703 = arith.constant 128 : i32
        %mul3A_704 = arith.muli %add3A_702, %mul3A_703 : i32
        %add3A_705 = arith.addi %mul3A_2, %mul3A_704 : i32
        %dma_start3A_706 = arith.constant 0 : i32
        %dma_start3A_707 = tpu.memref_slice %arg2[%dma_start3A_706, %add3A_705] : memref<3x204800xi32, #tpu.memory_space<hbm>> -> memref<3x128xi32, #tpu.memory_space<hbm>>
        %dma_start3A_708 = arith.constant 0 : i32
        %dma_start3A_709 = tpu.memref_slice %arg2[%dma_start3A_708, %add3A_705] : memref<3x204800xi32, #tpu.memory_space<hbm>> -> memref<3x128xi32, #tpu.memory_space<hbm>>
        tpu.enqueue_dma source(%dma_start3A_709 : memref<3x128xi32, #tpu.memory_space<hbm>>) target(%arg11 : memref<3x128xi32, #tpu.memory_space<vmem>>) target_semaphore(%arg31 : memref<!tpu.dma_semaphore, #tpu.memory_space<semaphore_mem>>)
      } else {
      }
      %dma_wait3A_656 = arith.constant 0 : i32
      %dma_wait3A_657 = arith.constant 0 : i32
      %dma_wait3A_658 = tpu.memref_slice %arg7[%dma_wait3A_656, %dma_wait3A_657] : memref<204800x64xf32, #tpu.memory_space<hbm>> -> memref<128x64xf32, #tpu.memory_space<hbm>>
      %dma_wait3A_659 = arith.constant 0 : i32
      %dma_wait3A_660 = arith.constant 0 : i32
      %dma_wait3A_661 = tpu.memref_slice %arg7[%dma_wait3A_659, %dma_wait3A_660] : memref<204800x64xf32, #tpu.memory_space<hbm>> -> memref<128x64xf32, #tpu.memory_space<hbm>>
      tpu.wait_dma2 semaphore(%arg34 : memref<!tpu.dma_semaphore, #tpu.memory_space<semaphore_mem>>) src(%arg24 : memref<128x64xf32, #tpu.memory_space<vmem>>) dst(%dma_wait3A_661 : memref<128x64xf32, #tpu.memory_space<hbm>>)
      %dma_wait3A_662 = arith.constant 0 : i32
      %dma_wait3A_663 = arith.constant 0 : i32
      %dma_wait3A_664 = tpu.memref_slice %arg8[%dma_wait3A_662, %dma_wait3A_663] : memref<204800x64xf32, #tpu.memory_space<hbm>> -> memref<128x64xf32, #tpu.memory_space<hbm>>
      %dma_wait3A_665 = arith.constant 0 : i32
      %dma_wait3A_666 = arith.constant 0 : i32
      %dma_wait3A_667 = tpu.memref_slice %arg8[%dma_wait3A_665, %dma_wait3A_666] : memref<204800x64xf32, #tpu.memory_space<hbm>> -> memref<128x64xf32, #tpu.memory_space<hbm>>
      tpu.wait_dma2 semaphore(%arg34 : memref<!tpu.dma_semaphore, #tpu.memory_space<semaphore_mem>>) src(%arg26 : memref<128x64xf32, #tpu.memory_space<vmem>>) dst(%dma_wait3A_667 : memref<128x64xf32, #tpu.memory_space<hbm>>)
      %dma_wait3A_668 = arith.constant 0 : i32
      %dma_wait3A_669 = arith.constant 0 : i32
      %dma_wait3A_670 = tpu.memref_slice %arg9[%dma_wait3A_668, %dma_wait3A_669] : memref<204800x64xf32, #tpu.memory_space<hbm>> -> memref<128x64xf32, #tpu.memory_space<hbm>>
      %dma_wait3A_671 = arith.constant 0 : i32
      %dma_wait3A_672 = arith.constant 0 : i32
      %dma_wait3A_673 = tpu.memref_slice %arg9[%dma_wait3A_671, %dma_wait3A_672] : memref<204800x64xf32, #tpu.memory_space<hbm>> -> memref<128x64xf32, #tpu.memory_space<hbm>>
      tpu.wait_dma2 semaphore(%arg34 : memref<!tpu.dma_semaphore, #tpu.memory_space<semaphore_mem>>) src(%arg28 : memref<128x64xf32, #tpu.memory_space<vmem>>) dst(%dma_wait3A_673 : memref<128x64xf32, #tpu.memory_space<hbm>>)
      %lt3A_674 = arith.constant 24 : i32
      %lt3A_675 = arith.cmpi slt, %scan3A_314, %lt3A_674 : i32
      %convert_element_type3A_676 = arith.extui %lt3A_675 : i1 to i32
      %cond3A_677 = arith.constant 0 : i32
      %cond3A_678 = arith.cmpi ne, %convert_element_type3A_676, %cond3A_677 : i32
      scf.if %cond3A_678 {
        %add3A_701 = arith.constant 2 : i32
        %add3A_702 = arith.addi %mul3A_316, %add3A_701 : i32
        %dma_wait3A_703 = arith.constant 0 : i32
        %dma_wait3A_704 = arith.constant 0 : i32
        %dma_wait3A_705 = tpu.memref_slice %arg2[%dma_wait3A_703, %dma_wait3A_704] : memref<3x204800xi32, #tpu.memory_space<hbm>> -> memref<3x128xi32, #tpu.memory_space<hbm>>
        %dma_wait3A_706 = arith.constant 0 : i32
        %dma_wait3A_707 = arith.constant 0 : i32
        %dma_wait3A_708 = tpu.memref_slice %arg2[%dma_wait3A_706, %dma_wait3A_707] : memref<3x204800xi32, #tpu.memory_space<hbm>> -> memref<3x128xi32, #tpu.memory_space<hbm>>
        tpu.wait_dma2 semaphore(%arg30 : memref<!tpu.dma_semaphore, #tpu.memory_space<semaphore_mem>>) src(%dma_wait3A_708 : memref<3x128xi32, #tpu.memory_space<hbm>>) dst(%arg10 : memref<3x128xi32, #tpu.memory_space<vmem>>)
        %get3A_709 = arith.constant 0 : i32
        %get3A_710 = arith.index_cast %get3A_709 : i32 to index
        %get3A_711 = arith.constant 0 : index
        %get3A_712 = tpu.vector_load %arg10[%get3A_710, %get3A_711] {strides = array<i32>} : memref<3x128xi32, #tpu.memory_space<vmem>>, vector<1x16xi32>,
        %get3A_713 = vector.shape_cast %get3A_712 : vector<1x16xi32> to vector<16xi32>
        %swap3A_714 = arith.constant 0 : index
        %swap3A_715 = tpu.vector_load %arg12[%swap3A_714] {strides = array<i32>} : memref<128xi32, #tpu.memory_space<vmem>>, vector<16xi32>,
        %swap3A_716 = vector.shape_cast %swap3A_715 : vector<16xi32> to vector<16xi32>
        %swap3A_717 = vector.shape_cast %get3A_713 : vector<16xi32> to vector<16xi32>
        tpu.vector_store %arg12[%swap3A_714], %swap3A_717 {strides = array<i32>} : memref<128xi32, #tpu.memory_space<vmem>>, vector<16xi32>,
        %get3A_718 = arith.constant 1 : i32
        %get3A_719 = arith.index_cast %get3A_718 : i32 to index
        %get3A_720 = arith.constant 0 : index
        %get3A_721 = tpu.vector_load %arg10[%get3A_719, %get3A_720] {strides = array<i32>} : memref<3x128xi32, #tpu.memory_space<vmem>>, vector<1x16xi32>,
        %get3A_722 = vector.shape_cast %get3A_721 : vector<1x16xi32> to vector<16xi32>
        %min3A_723 = arith.constant 19 : i32
        %min3A_724 = vector.broadcast %min3A_723 : i32 to vector<16xi32>
        %min3A_725 = arith.minsi %get3A_722, %min3A_724 : vector<16xi32>
        %mul3A_726 = arith.constant 20 : i32
        %mul3A_727 = vector.broadcast %mul3A_726 : i32 to vector<16xi32>
        %mul3A_728 = arith.muli %min3A_725, %mul3A_727 : vector<16xi32>
        %get3A_729 = arith.constant 2 : i32
        %get3A_730 = arith.index_cast %get3A_729 : i32 to index
        %get3A_731 = arith.constant 0 : index
        %get3A_732 = tpu.vector_load %arg10[%get3A_730, %get3A_731] {strides = array<i32>} : memref<3x128xi32, #tpu.memory_space<vmem>>, vector<1x16xi32>,
        %get3A_733 = vector.shape_cast %get3A_732 : vector<1x16xi32> to vector<16xi32>
        %min3A_734 = arith.constant 19 : i32
        %min3A_735 = vector.broadcast %min3A_734 : i32 to vector<16xi32>
        %min3A_736 = arith.minsi %get3A_733, %min3A_735 : vector<16xi32>
        %add3A_737 = arith.addi %mul3A_728, %min3A_736 : vector<16xi32>
        %swap3A_738 = arith.constant 0 : index
        %swap3A_739 = tpu.vector_load %arg14[%swap3A_738] {strides = array<i32>} : memref<128xi32, #tpu.memory_space<vmem>>, vector<16xi32>,
        %swap3A_740 = vector.shape_cast %swap3A_739 : vector<16xi32> to vector<16xi32>
        %swap3A_741 = vector.shape_cast %add3A_737 : vector<16xi32> to vector<16xi32>
        tpu.vector_store %arg14[%swap3A_738], %swap3A_741 {strides = array<i32>} : memref<128xi32, #tpu.memory_space<vmem>>, vector<16xi32>,
        %get3A_742 = arith.constant 0 : i32
        %get3A_743 = arith.index_cast %get3A_742 : i32 to index
        %get3A_744 = arith.constant 16 : index
        %get3A_745 = tpu.vector_load %arg10[%get3A_743, %get3A_744] {strides = array<i32>} : memref<3x128xi32, #tpu.memory_space<vmem>>, vector<1x16xi32>,
        %get3A_746 = vector.shape_cast %get3A_745 : vector<1x16xi32> to vector<16xi32>
        %swap3A_747 = arith.constant 16 : index
        %swap3A_748 = tpu.vector_load %arg12[%swap3A_747] {strides = array<i32>} : memref<128xi32, #tpu.memory_space<vmem>>, vector<16xi32>,
        %swap3A_749 = vector.shape_cast %swap3A_748 : vector<16xi32> to vector<16xi32>
        %swap3A_750 = vector.shape_cast %get3A_746 : vector<16xi32> to vector<16xi32>
        tpu.vector_store %arg12[%swap3A_747], %swap3A_750 {strides = array<i32>} : memref<128xi32, #tpu.memory_space<vmem>>, vector<16xi32>,
        %get3A_751 = arith.constant 1 : i32
        %get3A_752 = arith.index_cast %get3A_751 : i32 to index
        %get3A_753 = arith.constant 16 : index
        %get3A_754 = tpu.vector_load %arg10[%get3A_752, %get3A_753] {strides = array<i32>} : memref<3x128xi32, #tpu.memory_space<vmem>>, vector<1x16xi32>,
        %get3A_755 = vector.shape_cast %get3A_754 : vector<1x16xi32> to vector<16xi32>
        %min3A_756 = arith.constant 19 : i32
        %min3A_757 = vector.broadcast %min3A_756 : i32 to vector<16xi32>
        %min3A_758 = arith.minsi %get3A_755, %min3A_757 : vector<16xi32>
        %mul3A_759 = arith.constant 20 : i32
        %mul3A_760 = vector.broadcast %mul3A_759 : i32 to vector<16xi32>
        %mul3A_761 = arith.muli %min3A_758, %mul3A_760 : vector<16xi32>
        %get3A_762 = arith.constant 2 : i32
        %get3A_763 = arith.index_cast %get3A_762 : i32 to index
        %get3A_764 = arith.constant 16 : index
        %get3A_765 = tpu.vector_load %arg10[%get3A_763, %get3A_764] {strides = array<i32>} : memref<3x128xi32, #tpu.memory_space<vmem>>, vector<1x16xi32>,
        %get3A_766 = vector.shape_cast %get3A_765 : vector<1x16xi32> to vector<16xi32>
        %min3A_767 = arith.constant 19 : i32
        %min3A_768 = vector.broadcast %min3A_767 : i32 to vector<16xi32>
        %min3A_769 = arith.minsi %get3A_766, %min3A_768 : vector<16xi32>
        %add3A_770 = arith.addi %mul3A_761, %min3A_769 : vector<16xi32>
        %swap3A_771 = arith.constant 16 : index
        %swap3A_772 = tpu.vector_load %arg14[%swap3A_771] {strides = array<i32>} : memref<128xi32, #tpu.memory_space<vmem>>, vector<16xi32>,
        %swap3A_773 = vector.shape_cast %swap3A_772 : vector<16xi32> to vector<16xi32>
        %swap3A_774 = vector.shape_cast %add3A_770 : vector<16xi32> to vector<16xi32>
        tpu.vector_store %arg14[%swap3A_771], %swap3A_774 {strides = array<i32>} : memref<128xi32, #tpu.memory_space<vmem>>, vector<16xi32>,
        %get3A_775 = arith.constant 0 : i32
        %get3A_776 = arith.index_cast %get3A_775 : i32 to index
        %get3A_777 = arith.constant 32 : index
        %get3A_778 = tpu.vector_load %arg10[%get3A_776, %get3A_777] {strides = array<i32>} : memref<3x128xi32, #tpu.memory_space<vmem>>, vector<1x16xi32>,
        %get3A_779 = vector.shape_cast %get3A_778 : vector<1x16xi32> to vector<16xi32>
        %swap3A_780 = arith.constant 32 : index
        %swap3A_781 = tpu.vector_load %arg12[%swap3A_780] {strides = array<i32>} : memref<128xi32, #tpu.memory_space<vmem>>, vector<16xi32>,
        %swap3A_782 = vector.shape_cast %swap3A_781 : vector<16xi32> to vector<16xi32>
        %swap3A_783 = vector.shape_cast %get3A_779 : vector<16xi32> to vector<16xi32>
        tpu.vector_store %arg12[%swap3A_780], %swap3A_783 {strides = array<i32>} : memref<128xi32, #tpu.memory_space<vmem>>, vector<16xi32>,
        %get3A_784 = arith.constant 1 : i32
        %get3A_785 = arith.index_cast %get3A_784 : i32 to index
        %get3A_786 = arith.constant 32 : index
        %get3A_787 = tpu.vector_load %arg10[%get3A_785, %get3A_786] {strides = array<i32>} : memref<3x128xi32, #tpu.memory_space<vmem>>, vector<1x16xi32>,
        %get3A_788 = vector.shape_cast %get3A_787 : vector<1x16xi32> to vector<16xi32>
        %min3A_789 = arith.constant 19 : i32
        %min3A_790 = vector.broadcast %min3A_789 : i32 to vector<16xi32>
        %min3A_791 = arith.minsi %get3A_788, %min3A_790 : vector<16xi32>
        %mul3A_792 = arith.constant 20 : i32
        %mul3A_793 = vector.broadcast %mul3A_792 : i32 to vector<16xi32>
        %mul3A_794 = arith.muli %min3A_791, %mul3A_793 : vector<16xi32>
        %get3A_795 = arith.constant 2 : i32
        %get3A_796 = arith.index_cast %get3A_795 : i32 to index
        %get3A_797 = arith.constant 32 : index
        %get3A_798 = tpu.vector_load %arg10[%get3A_796, %get3A_797] {strides = array<i32>} : memref<3x128xi32, #tpu.memory_space<vmem>>, vector<1x16xi32>,
        %get3A_799 = vector.shape_cast %get3A_798 : vector<1x16xi32> to vector<16xi32>
        %min3A_800 = arith.constant 19 : i32
        %min3A_801 = vector.broadcast %min3A_800 : i32 to vector<16xi32>
        %min3A_802 = arith.minsi %get3A_799, %min3A_801 : vector<16xi32>
        %add3A_803 = arith.addi %mul3A_794, %min3A_802 : vector<16xi32>
        %swap3A_804 = arith.constant 32 : index
        %swap3A_805 = tpu.vector_load %arg14[%swap3A_804] {strides = array<i32>} : memref<128xi32, #tpu.memory_space<vmem>>, vector<16xi32>,
        %swap3A_806 = vector.shape_cast %swap3A_805 : vector<16xi32> to vector<16xi32>
        %swap3A_807 = vector.shape_cast %add3A_803 : vector<16xi32> to vector<16xi32>
        tpu.vector_store %arg14[%swap3A_804], %swap3A_807 {strides = array<i32>} : memref<128xi32, #tpu.memory_space<vmem>>, vector<16xi32>,
        %get3A_808 = arith.constant 0 : i32
        %get3A_809 = arith.index_cast %get3A_808 : i32 to index
        %get3A_810 = arith.constant 48 : index
        %get3A_811 = tpu.vector_load %arg10[%get3A_809, %get3A_810] {strides = array<i32>} : memref<3x128xi32, #tpu.memory_space<vmem>>, vector<1x16xi32>,
        %get3A_812 = vector.shape_cast %get3A_811 : vector<1x16xi32> to vector<16xi32>
        %swap3A_813 = arith.constant 48 : index
        %swap3A_814 = tpu.vector_load %arg12[%swap3A_813] {strides = array<i32>} : memref<128xi32, #tpu.memory_space<vmem>>, vector<16xi32>,
        %swap3A_815 = vector.shape_cast %swap3A_814 : vector<16xi32> to vector<16xi32>
        %swap3A_816 = vector.shape_cast %get3A_812 : vector<16xi32> to vector<16xi32>
        tpu.vector_store %arg12[%swap3A_813], %swap3A_816 {strides = array<i32>} : memref<128xi32, #tpu.memory_space<vmem>>, vector<16xi32>,
        %get3A_817 = arith.constant 1 : i32
        %get3A_818 = arith.index_cast %get3A_817 : i32 to index
        %get3A_819 = arith.constant 48 : index
        %get3A_820 = tpu.vector_load %arg10[%get3A_818, %get3A_819] {strides = array<i32>} : memref<3x128xi32, #tpu.memory_space<vmem>>, vector<1x16xi32>,
        %get3A_821 = vector.shape_cast %get3A_820 : vector<1x16xi32> to vector<16xi32>
        %min3A_822 = arith.constant 19 : i32
        %min3A_823 = vector.broadcast %min3A_822 : i32 to vector<16xi32>
        %min3A_824 = arith.minsi %get3A_821, %min3A_823 : vector<16xi32>
        %mul3A_825 = arith.constant 20 : i32
        %mul3A_826 = vector.broadcast %mul3A_825 : i32 to vector<16xi32>
        %mul3A_827 = arith.muli %min3A_824, %mul3A_826 : vector<16xi32>
        %get3A_828 = arith.constant 2 : i32
        %get3A_829 = arith.index_cast %get3A_828 : i32 to index
        %get3A_830 = arith.constant 48 : index
        %get3A_831 = tpu.vector_load %arg10[%get3A_829, %get3A_830] {strides = array<i32>} : memref<3x128xi32, #tpu.memory_space<vmem>>, vector<1x16xi32>,
        %get3A_832 = vector.shape_cast %get3A_831 : vector<1x16xi32> to vector<16xi32>
        %min3A_833 = arith.constant 19 : i32
        %min3A_834 = vector.broadcast %min3A_833 : i32 to vector<16xi32>
        %min3A_835 = arith.minsi %get3A_832, %min3A_834 : vector<16xi32>
        %add3A_836 = arith.addi %mul3A_827, %min3A_835 : vector<16xi32>
        %swap3A_837 = arith.constant 48 : index
        %swap3A_838 = tpu.vector_load %arg14[%swap3A_837] {strides = array<i32>} : memref<128xi32, #tpu.memory_space<vmem>>, vector<16xi32>,
        %swap3A_839 = vector.shape_cast %swap3A_838 : vector<16xi32> to vector<16xi32>
        %swap3A_840 = vector.shape_cast %add3A_836 : vector<16xi32> to vector<16xi32>
        tpu.vector_store %arg14[%swap3A_837], %swap3A_840 {strides = array<i32>} : memref<128xi32, #tpu.memory_space<vmem>>, vector<16xi32>,
        %get3A_841 = arith.constant 0 : i32
        %get3A_842 = arith.index_cast %get3A_841 : i32 to index
        %get3A_843 = arith.constant 64 : index
        %get3A_844 = tpu.vector_load %arg10[%get3A_842, %get3A_843] {strides = array<i32>} : memref<3x128xi32, #tpu.memory_space<vmem>>, vector<1x16xi32>,
        %get3A_845 = vector.shape_cast %get3A_844 : vector<1x16xi32> to vector<16xi32>
        %swap3A_846 = arith.constant 64 : index
        %swap3A_847 = tpu.vector_load %arg12[%swap3A_846] {strides = array<i32>} : memref<128xi32, #tpu.memory_space<vmem>>, vector<16xi32>,
        %swap3A_848 = vector.shape_cast %swap3A_847 : vector<16xi32> to vector<16xi32>
        %swap3A_849 = vector.shape_cast %get3A_845 : vector<16xi32> to vector<16xi32>
        tpu.vector_store %arg12[%swap3A_846], %swap3A_849 {strides = array<i32>} : memref<128xi32, #tpu.memory_space<vmem>>, vector<16xi32>,
        %get3A_850 = arith.constant 1 : i32
        %get3A_851 = arith.index_cast %get3A_850 : i32 to index
        %get3A_852 = arith.constant 64 : index
        %get3A_853 = tpu.vector_load %arg10[%get3A_851, %get3A_852] {strides = array<i32>} : memref<3x128xi32, #tpu.memory_space<vmem>>, vector<1x16xi32>,
        %get3A_854 = vector.shape_cast %get3A_853 : vector<1x16xi32> to vector<16xi32>
        %min3A_855 = arith.constant 19 : i32
        %min3A_856 = vector.broadcast %min3A_855 : i32 to vector<16xi32>
        %min3A_857 = arith.minsi %get3A_854, %min3A_856 : vector<16xi32>
        %mul3A_858 = arith.constant 20 : i32
        %mul3A_859 = vector.broadcast %mul3A_858 : i32 to vector<16xi32>
        %mul3A_860 = arith.muli %min3A_857, %mul3A_859 : vector<16xi32>
        %get3A_861 = arith.constant 2 : i32
        %get3A_862 = arith.index_cast %get3A_861 : i32 to index
        %get3A_863 = arith.constant 64 : index
        %get3A_864 = tpu.vector_load %arg10[%get3A_862, %get3A_863] {strides = array<i32>} : memref<3x128xi32, #tpu.memory_space<vmem>>, vector<1x16xi32>,
        %get3A_865 = vector.shape_cast %get3A_864 : vector<1x16xi32> to vector<16xi32>
        %min3A_866 = arith.constant 19 : i32
        %min3A_867 = vector.broadcast %min3A_866 : i32 to vector<16xi32>
        %min3A_868 = arith.minsi %get3A_865, %min3A_867 : vector<16xi32>
        %add3A_869 = arith.addi %mul3A_860, %min3A_868 : vector<16xi32>
        %swap3A_870 = arith.constant 64 : index
        %swap3A_871 = tpu.vector_load %arg14[%swap3A_870] {strides = array<i32>} : memref<128xi32, #tpu.memory_space<vmem>>, vector<16xi32>,
        %swap3A_872 = vector.shape_cast %swap3A_871 : vector<16xi32> to vector<16xi32>
        %swap3A_873 = vector.shape_cast %add3A_869 : vector<16xi32> to vector<16xi32>
        tpu.vector_store %arg14[%swap3A_870], %swap3A_873 {strides = array<i32>} : memref<128xi32, #tpu.memory_space<vmem>>, vector<16xi32>,
        %get3A_874 = arith.constant 0 : i32
        %get3A_875 = arith.index_cast %get3A_874 : i32 to index
        %get3A_876 = arith.constant 80 : index
        %get3A_877 = tpu.vector_load %arg10[%get3A_875, %get3A_876] {strides = array<i32>} : memref<3x128xi32, #tpu.memory_space<vmem>>, vector<1x16xi32>,
        %get3A_878 = vector.shape_cast %get3A_877 : vector<1x16xi32> to vector<16xi32>
        %swap3A_879 = arith.constant 80 : index
        %swap3A_880 = tpu.vector_load %arg12[%swap3A_879] {strides = array<i32>} : memref<128xi32, #tpu.memory_space<vmem>>, vector<16xi32>,
        %swap3A_881 = vector.shape_cast %swap3A_880 : vector<16xi32> to vector<16xi32>
        %swap3A_882 = vector.shape_cast %get3A_878 : vector<16xi32> to vector<16xi32>
        tpu.vector_store %arg12[%swap3A_879], %swap3A_882 {strides = array<i32>} : memref<128xi32, #tpu.memory_space<vmem>>, vector<16xi32>,
        %get3A_883 = arith.constant 1 : i32
        %get3A_884 = arith.index_cast %get3A_883 : i32 to index
        %get3A_885 = arith.constant 80 : index
        %get3A_886 = tpu.vector_load %arg10[%get3A_884, %get3A_885] {strides = array<i32>} : memref<3x128xi32, #tpu.memory_space<vmem>>, vector<1x16xi32>,
        %get3A_887 = vector.shape_cast %get3A_886 : vector<1x16xi32> to vector<16xi32>
        %min3A_888 = arith.constant 19 : i32
        %min3A_889 = vector.broadcast %min3A_888 : i32 to vector<16xi32>
        %min3A_890 = arith.minsi %get3A_887, %min3A_889 : vector<16xi32>
        %mul3A_891 = arith.constant 20 : i32
        %mul3A_892 = vector.broadcast %mul3A_891 : i32 to vector<16xi32>
        %mul3A_893 = arith.muli %min3A_890, %mul3A_892 : vector<16xi32>
        %get3A_894 = arith.constant 2 : i32
        %get3A_895 = arith.index_cast %get3A_894 : i32 to index
        %get3A_896 = arith.constant 80 : index
        %get3A_897 = tpu.vector_load %arg10[%get3A_895, %get3A_896] {strides = array<i32>} : memref<3x128xi32, #tpu.memory_space<vmem>>, vector<1x16xi32>,
        %get3A_898 = vector.shape_cast %get3A_897 : vector<1x16xi32> to vector<16xi32>
        %min3A_899 = arith.constant 19 : i32
        %min3A_900 = vector.broadcast %min3A_899 : i32 to vector<16xi32>
        %min3A_901 = arith.minsi %get3A_898, %min3A_900 : vector<16xi32>
        %add3A_902 = arith.addi %mul3A_893, %min3A_901 : vector<16xi32>
        %swap3A_903 = arith.constant 80 : index
        %swap3A_904 = tpu.vector_load %arg14[%swap3A_903] {strides = array<i32>} : memref<128xi32, #tpu.memory_space<vmem>>, vector<16xi32>,
        %swap3A_905 = vector.shape_cast %swap3A_904 : vector<16xi32> to vector<16xi32>
        %swap3A_906 = vector.shape_cast %add3A_902 : vector<16xi32> to vector<16xi32>
        tpu.vector_store %arg14[%swap3A_903], %swap3A_906 {strides = array<i32>} : memref<128xi32, #tpu.memory_space<vmem>>, vector<16xi32>,
        %get3A_907 = arith.constant 0 : i32
        %get3A_908 = arith.index_cast %get3A_907 : i32 to index
        %get3A_909 = arith.constant 96 : index
        %get3A_910 = tpu.vector_load %arg10[%get3A_908, %get3A_909] {strides = array<i32>} : memref<3x128xi32, #tpu.memory_space<vmem>>, vector<1x16xi32>,
        %get3A_911 = vector.shape_cast %get3A_910 : vector<1x16xi32> to vector<16xi32>
        %swap3A_912 = arith.constant 96 : index
        %swap3A_913 = tpu.vector_load %arg12[%swap3A_912] {strides = array<i32>} : memref<128xi32, #tpu.memory_space<vmem>>, vector<16xi32>,
        %swap3A_914 = vector.shape_cast %swap3A_913 : vector<16xi32> to vector<16xi32>
        %swap3A_915 = vector.shape_cast %get3A_911 : vector<16xi32> to vector<16xi32>
        tpu.vector_store %arg12[%swap3A_912], %swap3A_915 {strides = array<i32>} : memref<128xi32, #tpu.memory_space<vmem>>, vector<16xi32>,
        %get3A_916 = arith.constant 1 : i32
        %get3A_917 = arith.index_cast %get3A_916 : i32 to index
        %get3A_918 = arith.constant 96 : index
        %get3A_919 = tpu.vector_load %arg10[%get3A_917, %get3A_918] {strides = array<i32>} : memref<3x128xi32, #tpu.memory_space<vmem>>, vector<1x16xi32>,
        %get3A_920 = vector.shape_cast %get3A_919 : vector<1x16xi32> to vector<16xi32>
        %min3A_921 = arith.constant 19 : i32
        %min3A_922 = vector.broadcast %min3A_921 : i32 to vector<16xi32>
        %min3A_923 = arith.minsi %get3A_920, %min3A_922 : vector<16xi32>
        %mul3A_924 = arith.constant 20 : i32
        %mul3A_925 = vector.broadcast %mul3A_924 : i32 to vector<16xi32>
        %mul3A_926 = arith.muli %min3A_923, %mul3A_925 : vector<16xi32>
        %get3A_927 = arith.constant 2 : i32
        %get3A_928 = arith.index_cast %get3A_927 : i32 to index
        %get3A_929 = arith.constant 96 : index
        %get3A_930 = tpu.vector_load %arg10[%get3A_928, %get3A_929] {strides = array<i32>} : memref<3x128xi32, #tpu.memory_space<vmem>>, vector<1x16xi32>,
        %get3A_931 = vector.shape_cast %get3A_930 : vector<1x16xi32> to vector<16xi32>
        %min3A_932 = arith.constant 19 : i32
        %min3A_933 = vector.broadcast %min3A_932 : i32 to vector<16xi32>
        %min3A_934 = arith.minsi %get3A_931, %min3A_933 : vector<16xi32>
        %add3A_935 = arith.addi %mul3A_926, %min3A_934 : vector<16xi32>
        %swap3A_936 = arith.constant 96 : index
        %swap3A_937 = tpu.vector_load %arg14[%swap3A_936] {strides = array<i32>} : memref<128xi32, #tpu.memory_space<vmem>>, vector<16xi32>,
        %swap3A_938 = vector.shape_cast %swap3A_937 : vector<16xi32> to vector<16xi32>
        %swap3A_939 = vector.shape_cast %add3A_935 : vector<16xi32> to vector<16xi32>
        tpu.vector_store %arg14[%swap3A_936], %swap3A_939 {strides = array<i32>} : memref<128xi32, #tpu.memory_space<vmem>>, vector<16xi32>,
        %get3A_940 = arith.constant 0 : i32
        %get3A_941 = arith.index_cast %get3A_940 : i32 to index
        %get3A_942 = arith.constant 112 : index
        %get3A_943 = tpu.vector_load %arg10[%get3A_941, %get3A_942] {strides = array<i32>} : memref<3x128xi32, #tpu.memory_space<vmem>>, vector<1x16xi32>,
        %get3A_944 = vector.shape_cast %get3A_943 : vector<1x16xi32> to vector<16xi32>
        %swap3A_945 = arith.constant 112 : index
        %swap3A_946 = tpu.vector_load %arg12[%swap3A_945] {strides = array<i32>} : memref<128xi32, #tpu.memory_space<vmem>>, vector<16xi32>,
        %swap3A_947 = vector.shape_cast %swap3A_946 : vector<16xi32> to vector<16xi32>
        %swap3A_948 = vector.shape_cast %get3A_944 : vector<16xi32> to vector<16xi32>
        tpu.vector_store %arg12[%swap3A_945], %swap3A_948 {strides = array<i32>} : memref<128xi32, #tpu.memory_space<vmem>>, vector<16xi32>,
        %get3A_949 = arith.constant 1 : i32
        %get3A_950 = arith.index_cast %get3A_949 : i32 to index
        %get3A_951 = arith.constant 112 : index
        %get3A_952 = tpu.vector_load %arg10[%get3A_950, %get3A_951] {strides = array<i32>} : memref<3x128xi32, #tpu.memory_space<vmem>>, vector<1x16xi32>,
        %get3A_953 = vector.shape_cast %get3A_952 : vector<1x16xi32> to vector<16xi32>
        %min3A_954 = arith.constant 19 : i32
        %min3A_955 = vector.broadcast %min3A_954 : i32 to vector<16xi32>
        %min3A_956 = arith.minsi %get3A_953, %min3A_955 : vector<16xi32>
        %mul3A_957 = arith.constant 20 : i32
        %mul3A_958 = vector.broadcast %mul3A_957 : i32 to vector<16xi32>
        %mul3A_959 = arith.muli %min3A_956, %mul3A_958 : vector<16xi32>
        %get3A_960 = arith.constant 2 : i32
        %get3A_961 = arith.index_cast %get3A_960 : i32 to index
        %get3A_962 = arith.constant 112 : index
        %get3A_963 = tpu.vector_load %arg10[%get3A_961, %get3A_962] {strides = array<i32>} : memref<3x128xi32, #tpu.memory_space<vmem>>, vector<1x16xi32>,
        %get3A_964 = vector.shape_cast %get3A_963 : vector<1x16xi32> to vector<16xi32>
        %min3A_965 = arith.constant 19 : i32
        %min3A_966 = vector.broadcast %min3A_965 : i32 to vector<16xi32>
        %min3A_967 = arith.minsi %get3A_964, %min3A_966 : vector<16xi32>
        %add3A_968 = arith.addi %mul3A_959, %min3A_967 : vector<16xi32>
        %swap3A_969 = arith.constant 112 : index
        %swap3A_970 = tpu.vector_load %arg14[%swap3A_969] {strides = array<i32>} : memref<128xi32, #tpu.memory_space<vmem>>, vector<16xi32>,
        %swap3A_971 = vector.shape_cast %swap3A_970 : vector<16xi32> to vector<16xi32>
        %swap3A_972 = vector.shape_cast %add3A_968 : vector<16xi32> to vector<16xi32>
        tpu.vector_store %arg14[%swap3A_969], %swap3A_972 {strides = array<i32>} : memref<128xi32, #tpu.memory_space<vmem>>, vector<16xi32>,
        %dma_start3A_973 = arith.constant 0 : i32
        %dma_start3A_974 = arith.constant 0 : i32
        %dma_start3A_975 = tpu.memref_slice %arg3[%dma_start3A_973, %dma_start3A_974] : memref<100000x64xf32, #tpu.memory_space<hbm>> -> memref<100000x64xf32, #tpu.memory_space<hbm>>
        tpu.enqueue_indirect_dma source(%dma_start3A_975 : memref<100000x64xf32, #tpu.memory_space<hbm>>) target(%arg16 : memref<128x64xf32, #tpu.memory_space<vmem>>) offsets(%arg12 : memref<128xi32, #tpu.memory_space<vmem>>) semaphore(%arg32 : memref<!tpu.dma_semaphore, #tpu.memory_space<semaphore_mem>>)
        %dma_start3A_976 = arith.constant 0 : i32
        %dma_start3A_977 = arith.constant 0 : i32
        %dma_start3A_978 = tpu.memref_slice %arg4[%dma_start3A_976, %dma_start3A_977] : memref<100000x64xf32, #tpu.memory_space<hbm>> -> memref<100000x64xf32, #tpu.memory_space<hbm>>
        tpu.enqueue_indirect_dma source(%dma_start3A_978 : memref<100000x64xf32, #tpu.memory_space<hbm>>) target(%arg18 : memref<128x64xf32, #tpu.memory_space<vmem>>) offsets(%arg12 : memref<128xi32, #tpu.memory_space<vmem>>) semaphore(%arg32 : memref<!tpu.dma_semaphore, #tpu.memory_space<semaphore_mem>>)
        %dma_start3A_979 = arith.constant 0 : i32
        %dma_start3A_980 = arith.constant 0 : i32
        %dma_start3A_981 = tpu.memref_slice %arg5[%dma_start3A_979, %dma_start3A_980] : memref<100000x64xf32, #tpu.memory_space<hbm>> -> memref<100000x64xf32, #tpu.memory_space<hbm>>
        tpu.enqueue_indirect_dma source(%dma_start3A_981 : memref<100000x64xf32, #tpu.memory_space<hbm>>) target(%arg20 : memref<128x64xf32, #tpu.memory_space<vmem>>) offsets(%arg12 : memref<128xi32, #tpu.memory_space<vmem>>) semaphore(%arg32 : memref<!tpu.dma_semaphore, #tpu.memory_space<semaphore_mem>>)
        %dma_start3A_982 = arith.constant 0 : i32
        %dma_start3A_983 = arith.constant 0 : i32
        %dma_start3A_984 = tpu.memref_slice %arg6[%dma_start3A_982, %dma_start3A_983] : memref<400x64xf32, #tpu.memory_space<hbm>> -> memref<400x64xf32, #tpu.memory_space<hbm>>
        tpu.enqueue_indirect_dma source(%dma_start3A_984 : memref<400x64xf32, #tpu.memory_space<hbm>>) target(%arg22 : memref<128x64xf32, #tpu.memory_space<vmem>>) offsets(%arg14 : memref<128xi32, #tpu.memory_space<vmem>>) semaphore(%arg32 : memref<!tpu.dma_semaphore, #tpu.memory_space<semaphore_mem>>)
      } else {
      }
      %scan3A_679 = arith.constant 0 : i32
      %scan3A_680 = arith.constant 128 : i32
      %scan3A_681 = arith.addi %scan3A_679, %scan3A_680 : i32
      %scan3A_682 = arith.constant 1 : i32
      scf.for %scan3A_701 = %scan3A_679 to %scan3A_681 step %scan3A_682  : i32 {
        %get3A_702 = arith.index_cast %scan3A_701 : i32 to index
        %get3A_703 = arith.constant 0 : index
        %get3A_704 = tpu.vector_load %arg23[%get3A_702, %get3A_703] {strides = array<i32>} : memref<128x64xf32, #tpu.memory_space<vmem>>, vector<1x16xf32>,
        %get3A_705 = vector.shape_cast %get3A_704 : vector<1x16xf32> to vector<16xf32>
        %get3A_706 = arith.index_cast %scan3A_701 : i32 to index
        %get3A_707 = arith.constant 0 : index
        %get3A_708 = tpu.vector_load %arg17[%get3A_706, %get3A_707] {strides = array<i32>} : memref<128x64xf32, #tpu.memory_space<vmem>>, vector<1x16xf32>,
        %get3A_709 = vector.shape_cast %get3A_708 : vector<1x16xf32> to vector<16xf32>
        %add3A_710 = arith.addf %get3A_709, %get3A_705 : vector<16xf32>
        %get3A_711 = arith.index_cast %scan3A_701 : i32 to index
        %get3A_712 = arith.constant 0 : index
        %get3A_713 = tpu.vector_load %arg19[%get3A_711, %get3A_712] {strides = array<i32>} : memref<128x64xf32, #tpu.memory_space<vmem>>, vector<1x16xf32>,
        %get3A_714 = vector.shape_cast %get3A_713 : vector<1x16xf32> to vector<16xf32>
        %add3A_715 = arith.addf %get3A_714, %get3A_705 : vector<16xf32>
        %get3A_716 = arith.index_cast %scan3A_701 : i32 to index
        %get3A_717 = arith.constant 0 : index
        %get3A_718 = tpu.vector_load %arg21[%get3A_716, %get3A_717] {strides = array<i32>} : memref<128x64xf32, #tpu.memory_space<vmem>>, vector<1x16xf32>,
        %get3A_719 = vector.shape_cast %get3A_718 : vector<1x16xf32> to vector<16xf32>
        %add3A_720 = arith.addf %get3A_719, %get3A_705 : vector<16xf32>
        %swap3A_721 = arith.index_cast %scan3A_701 : i32 to index
        %swap3A_722 = arith.constant 0 : index
        %swap3A_723 = tpu.vector_load %arg29[%swap3A_721, %swap3A_722] {strides = array<i32>} : memref<128x64xf32, #tpu.memory_space<vmem>>, vector<1x16xf32>,
        %swap3A_724 = vector.shape_cast %swap3A_723 : vector<1x16xf32> to vector<16xf32>
        %swap3A_725 = vector.shape_cast %add3A_720 : vector<16xf32> to vector<1x16xf32>
        tpu.vector_store %arg29[%swap3A_721, %swap3A_722], %swap3A_725 {strides = array<i32>} : memref<128x64xf32, #tpu.memory_space<vmem>>, vector<1x16xf32>,
        %add3A_726 = arith.addf %add3A_710, %add3A_710 : vector<16xf32>
        %exp3A = math.exp %add3A_726 : vector<16xf32>
        %add3A_727 = arith.constant 1.000000e+00 : f32
        %add3A_728 = vector.broadcast %add3A_727 : f32 to vector<16xf32>
        %add3A_729 = arith.addf %exp3A, %add3A_728 : vector<16xf32>
        %div3A = arith.constant 2.000000e+00 : f32
        %div3A_730 = vector.broadcast %div3A : f32 to vector<16xf32>
        %div3A_731 = arith.divf %div3A_730, %add3A_729 : vector<16xf32>
        %sub3A = arith.constant 1.000000e+00 : f32
        %sub3A_732 = vector.broadcast %sub3A : f32 to vector<16xf32>
        %sub3A_733 = arith.subf %sub3A_732, %div3A_731 : vector<16xf32>
        %swap3A_734 = arith.index_cast %scan3A_701 : i32 to index
        %swap3A_735 = arith.constant 0 : index
        %swap3A_736 = tpu.vector_load %arg25[%swap3A_734, %swap3A_735] {strides = array<i32>} : memref<128x64xf32, #tpu.memory_space<vmem>>, vector<1x16xf32>,
        %swap3A_737 = vector.shape_cast %swap3A_736 : vector<1x16xf32> to vector<16xf32>
        %swap3A_738 = vector.shape_cast %sub3A_733 : vector<16xf32> to vector<1x16xf32>
        tpu.vector_store %arg25[%swap3A_734, %swap3A_735], %swap3A_738 {strides = array<i32>} : memref<128x64xf32, #tpu.memory_space<vmem>>, vector<1x16xf32>,
        %add3A_739 = arith.addf %add3A_715, %add3A_715 : vector<16xf32>
        %exp3A_740 = math.exp %add3A_739 : vector<16xf32>
        %add3A_741 = arith.constant 1.000000e+00 : f32
        %add3A_742 = vector.broadcast %add3A_741 : f32 to vector<16xf32>
        %add3A_743 = arith.addf %exp3A_740, %add3A_742 : vector<16xf32>
        %div3A_744 = arith.constant 2.000000e+00 : f32
        %div3A_745 = vector.broadcast %div3A_744 : f32 to vector<16xf32>
        %div3A_746 = arith.divf %div3A_745, %add3A_743 : vector<16xf32>
        %sub3A_747 = arith.constant 1.000000e+00 : f32
        %sub3A_748 = vector.broadcast %sub3A_747 : f32 to vector<16xf32>
        %sub3A_749 = arith.subf %sub3A_748, %div3A_746 : vector<16xf32>
        %swap3A_750 = arith.index_cast %scan3A_701 : i32 to index
        %swap3A_751 = arith.constant 0 : index
        %swap3A_752 = tpu.vector_load %arg27[%swap3A_750, %swap3A_751] {strides = array<i32>} : memref<128x64xf32, #tpu.memory_space<vmem>>, vector<1x16xf32>,
        %swap3A_753 = vector.shape_cast %swap3A_752 : vector<1x16xf32> to vector<16xf32>
        %swap3A_754 = vector.shape_cast %sub3A_749 : vector<16xf32> to vector<1x16xf32>
        tpu.vector_store %arg27[%swap3A_750, %swap3A_751], %swap3A_754 {strides = array<i32>} : memref<128x64xf32, #tpu.memory_space<vmem>>, vector<1x16xf32>,
        %get3A_755 = arith.index_cast %scan3A_701 : i32 to index
        %get3A_756 = arith.constant 16 : index
        %get3A_757 = tpu.vector_load %arg23[%get3A_755, %get3A_756] {strides = array<i32>} : memref<128x64xf32, #tpu.memory_space<vmem>>, vector<1x16xf32>,
        %get3A_758 = vector.shape_cast %get3A_757 : vector<1x16xf32> to vector<16xf32>
        %get3A_759 = arith.index_cast %scan3A_701 : i32 to index
        %get3A_760 = arith.constant 16 : index
        %get3A_761 = tpu.vector_load %arg17[%get3A_759, %get3A_760] {strides = array<i32>} : memref<128x64xf32, #tpu.memory_space<vmem>>, vector<1x16xf32>,
        %get3A_762 = vector.shape_cast %get3A_761 : vector<1x16xf32> to vector<16xf32>
        %add3A_763 = arith.addf %get3A_762, %get3A_758 : vector<16xf32>
        %get3A_764 = arith.index_cast %scan3A_701 : i32 to index
        %get3A_765 = arith.constant 16 : index
        %get3A_766 = tpu.vector_load %arg19[%get3A_764, %get3A_765] {strides = array<i32>} : memref<128x64xf32, #tpu.memory_space<vmem>>, vector<1x16xf32>,
        %get3A_767 = vector.shape_cast %get3A_766 : vector<1x16xf32> to vector<16xf32>
        %add3A_768 = arith.addf %get3A_767, %get3A_758 : vector<16xf32>
        %get3A_769 = arith.index_cast %scan3A_701 : i32 to index
        %get3A_770 = arith.constant 16 : index
        %get3A_771 = tpu.vector_load %arg21[%get3A_769, %get3A_770] {strides = array<i32>} : memref<128x64xf32, #tpu.memory_space<vmem>>, vector<1x16xf32>,
        %get3A_772 = vector.shape_cast %get3A_771 : vector<1x16xf32> to vector<16xf32>
        %add3A_773 = arith.addf %get3A_772, %get3A_758 : vector<16xf32>
        %swap3A_774 = arith.index_cast %scan3A_701 : i32 to index
        %swap3A_775 = arith.constant 16 : index
        %swap3A_776 = tpu.vector_load %arg29[%swap3A_774, %swap3A_775] {strides = array<i32>} : memref<128x64xf32, #tpu.memory_space<vmem>>, vector<1x16xf32>,
        %swap3A_777 = vector.shape_cast %swap3A_776 : vector<1x16xf32> to vector<16xf32>
        %swap3A_778 = vector.shape_cast %add3A_773 : vector<16xf32> to vector<1x16xf32>
        tpu.vector_store %arg29[%swap3A_774, %swap3A_775], %swap3A_778 {strides = array<i32>} : memref<128x64xf32, #tpu.memory_space<vmem>>, vector<1x16xf32>,
        %add3A_779 = arith.addf %add3A_763, %add3A_763 : vector<16xf32>
        %exp3A_780 = math.exp %add3A_779 : vector<16xf32>
        %add3A_781 = arith.constant 1.000000e+00 : f32
        %add3A_782 = vector.broadcast %add3A_781 : f32 to vector<16xf32>
        %add3A_783 = arith.addf %exp3A_780, %add3A_782 : vector<16xf32>
        %div3A_784 = arith.constant 2.000000e+00 : f32
        %div3A_785 = vector.broadcast %div3A_784 : f32 to vector<16xf32>
        %div3A_786 = arith.divf %div3A_785, %add3A_783 : vector<16xf32>
        %sub3A_787 = arith.constant 1.000000e+00 : f32
        %sub3A_788 = vector.broadcast %sub3A_787 : f32 to vector<16xf32>
        %sub3A_789 = arith.subf %sub3A_788, %div3A_786 : vector<16xf32>
        %swap3A_790 = arith.index_cast %scan3A_701 : i32 to index
        %swap3A_791 = arith.constant 16 : index
        %swap3A_792 = tpu.vector_load %arg25[%swap3A_790, %swap3A_791] {strides = array<i32>} : memref<128x64xf32, #tpu.memory_space<vmem>>, vector<1x16xf32>,
        %swap3A_793 = vector.shape_cast %swap3A_792 : vector<1x16xf32> to vector<16xf32>
        %swap3A_794 = vector.shape_cast %sub3A_789 : vector<16xf32> to vector<1x16xf32>
        tpu.vector_store %arg25[%swap3A_790, %swap3A_791], %swap3A_794 {strides = array<i32>} : memref<128x64xf32, #tpu.memory_space<vmem>>, vector<1x16xf32>,
        %add3A_795 = arith.addf %add3A_768, %add3A_768 : vector<16xf32>
        %exp3A_796 = math.exp %add3A_795 : vector<16xf32>
        %add3A_797 = arith.constant 1.000000e+00 : f32
        %add3A_798 = vector.broadcast %add3A_797 : f32 to vector<16xf32>
        %add3A_799 = arith.addf %exp3A_796, %add3A_798 : vector<16xf32>
        %div3A_800 = arith.constant 2.000000e+00 : f32
        %div3A_801 = vector.broadcast %div3A_800 : f32 to vector<16xf32>
        %div3A_802 = arith.divf %div3A_801, %add3A_799 : vector<16xf32>
        %sub3A_803 = arith.constant 1.000000e+00 : f32
        %sub3A_804 = vector.broadcast %sub3A_803 : f32 to vector<16xf32>
        %sub3A_805 = arith.subf %sub3A_804, %div3A_802 : vector<16xf32>
        %swap3A_806 = arith.index_cast %scan3A_701 : i32 to index
        %swap3A_807 = arith.constant 16 : index
        %swap3A_808 = tpu.vector_load %arg27[%swap3A_806, %swap3A_807] {strides = array<i32>} : memref<128x64xf32, #tpu.memory_space<vmem>>, vector<1x16xf32>,
        %swap3A_809 = vector.shape_cast %swap3A_808 : vector<1x16xf32> to vector<16xf32>
        %swap3A_810 = vector.shape_cast %sub3A_805 : vector<16xf32> to vector<1x16xf32>
        tpu.vector_store %arg27[%swap3A_806, %swap3A_807], %swap3A_810 {strides = array<i32>} : memref<128x64xf32, #tpu.memory_space<vmem>>, vector<1x16xf32>,
        %get3A_811 = arith.index_cast %scan3A_701 : i32 to index
        %get3A_812 = arith.constant 32 : index
        %get3A_813 = tpu.vector_load %arg23[%get3A_811, %get3A_812] {strides = array<i32>} : memref<128x64xf32, #tpu.memory_space<vmem>>, vector<1x16xf32>,
        %get3A_814 = vector.shape_cast %get3A_813 : vector<1x16xf32> to vector<16xf32>
        %get3A_815 = arith.index_cast %scan3A_701 : i32 to index
        %get3A_816 = arith.constant 32 : index
        %get3A_817 = tpu.vector_load %arg17[%get3A_815, %get3A_816] {strides = array<i32>} : memref<128x64xf32, #tpu.memory_space<vmem>>, vector<1x16xf32>,
        %get3A_818 = vector.shape_cast %get3A_817 : vector<1x16xf32> to vector<16xf32>
        %add3A_819 = arith.addf %get3A_818, %get3A_814 : vector<16xf32>
        %get3A_820 = arith.index_cast %scan3A_701 : i32 to index
        %get3A_821 = arith.constant 32 : index
        %get3A_822 = tpu.vector_load %arg19[%get3A_820, %get3A_821] {strides = array<i32>} : memref<128x64xf32, #tpu.memory_space<vmem>>, vector<1x16xf32>,
        %get3A_823 = vector.shape_cast %get3A_822 : vector<1x16xf32> to vector<16xf32>
        %add3A_824 = arith.addf %get3A_823, %get3A_814 : vector<16xf32>
        %get3A_825 = arith.index_cast %scan3A_701 : i32 to index
        %get3A_826 = arith.constant 32 : index
        %get3A_827 = tpu.vector_load %arg21[%get3A_825, %get3A_826] {strides = array<i32>} : memref<128x64xf32, #tpu.memory_space<vmem>>, vector<1x16xf32>,
        %get3A_828 = vector.shape_cast %get3A_827 : vector<1x16xf32> to vector<16xf32>
        %add3A_829 = arith.addf %get3A_828, %get3A_814 : vector<16xf32>
        %swap3A_830 = arith.index_cast %scan3A_701 : i32 to index
        %swap3A_831 = arith.constant 32 : index
        %swap3A_832 = tpu.vector_load %arg29[%swap3A_830, %swap3A_831] {strides = array<i32>} : memref<128x64xf32, #tpu.memory_space<vmem>>, vector<1x16xf32>,
        %swap3A_833 = vector.shape_cast %swap3A_832 : vector<1x16xf32> to vector<16xf32>
        %swap3A_834 = vector.shape_cast %add3A_829 : vector<16xf32> to vector<1x16xf32>
        tpu.vector_store %arg29[%swap3A_830, %swap3A_831], %swap3A_834 {strides = array<i32>} : memref<128x64xf32, #tpu.memory_space<vmem>>, vector<1x16xf32>,
        %add3A_835 = arith.addf %add3A_819, %add3A_819 : vector<16xf32>
        %exp3A_836 = math.exp %add3A_835 : vector<16xf32>
        %add3A_837 = arith.constant 1.000000e+00 : f32
        %add3A_838 = vector.broadcast %add3A_837 : f32 to vector<16xf32>
        %add3A_839 = arith.addf %exp3A_836, %add3A_838 : vector<16xf32>
        %div3A_840 = arith.constant 2.000000e+00 : f32
        %div3A_841 = vector.broadcast %div3A_840 : f32 to vector<16xf32>
        %div3A_842 = arith.divf %div3A_841, %add3A_839 : vector<16xf32>
        %sub3A_843 = arith.constant 1.000000e+00 : f32
        %sub3A_844 = vector.broadcast %sub3A_843 : f32 to vector<16xf32>
        %sub3A_845 = arith.subf %sub3A_844, %div3A_842 : vector<16xf32>
        %swap3A_846 = arith.index_cast %scan3A_701 : i32 to index
        %swap3A_847 = arith.constant 32 : index
        %swap3A_848 = tpu.vector_load %arg25[%swap3A_846, %swap3A_847] {strides = array<i32>} : memref<128x64xf32, #tpu.memory_space<vmem>>, vector<1x16xf32>,
        %swap3A_849 = vector.shape_cast %swap3A_848 : vector<1x16xf32> to vector<16xf32>
        %swap3A_850 = vector.shape_cast %sub3A_845 : vector<16xf32> to vector<1x16xf32>
        tpu.vector_store %arg25[%swap3A_846, %swap3A_847], %swap3A_850 {strides = array<i32>} : memref<128x64xf32, #tpu.memory_space<vmem>>, vector<1x16xf32>,
        %add3A_851 = arith.addf %add3A_824, %add3A_824 : vector<16xf32>
        %exp3A_852 = math.exp %add3A_851 : vector<16xf32>
        %add3A_853 = arith.constant 1.000000e+00 : f32
        %add3A_854 = vector.broadcast %add3A_853 : f32 to vector<16xf32>
        %add3A_855 = arith.addf %exp3A_852, %add3A_854 : vector<16xf32>
        %div3A_856 = arith.constant 2.000000e+00 : f32
        %div3A_857 = vector.broadcast %div3A_856 : f32 to vector<16xf32>
        %div3A_858 = arith.divf %div3A_857, %add3A_855 : vector<16xf32>
        %sub3A_859 = arith.constant 1.000000e+00 : f32
        %sub3A_860 = vector.broadcast %sub3A_859 : f32 to vector<16xf32>
        %sub3A_861 = arith.subf %sub3A_860, %div3A_858 : vector<16xf32>
        %swap3A_862 = arith.index_cast %scan3A_701 : i32 to index
        %swap3A_863 = arith.constant 32 : index
        %swap3A_864 = tpu.vector_load %arg27[%swap3A_862, %swap3A_863] {strides = array<i32>} : memref<128x64xf32, #tpu.memory_space<vmem>>, vector<1x16xf32>,
        %swap3A_865 = vector.shape_cast %swap3A_864 : vector<1x16xf32> to vector<16xf32>
        %swap3A_866 = vector.shape_cast %sub3A_861 : vector<16xf32> to vector<1x16xf32>
        tpu.vector_store %arg27[%swap3A_862, %swap3A_863], %swap3A_866 {strides = array<i32>} : memref<128x64xf32, #tpu.memory_space<vmem>>, vector<1x16xf32>,
        %get3A_867 = arith.index_cast %scan3A_701 : i32 to index
        %get3A_868 = arith.constant 48 : index
        %get3A_869 = tpu.vector_load %arg23[%get3A_867, %get3A_868] {strides = array<i32>} : memref<128x64xf32, #tpu.memory_space<vmem>>, vector<1x16xf32>,
        %get3A_870 = vector.shape_cast %get3A_869 : vector<1x16xf32> to vector<16xf32>
        %get3A_871 = arith.index_cast %scan3A_701 : i32 to index
        %get3A_872 = arith.constant 48 : index
        %get3A_873 = tpu.vector_load %arg17[%get3A_871, %get3A_872] {strides = array<i32>} : memref<128x64xf32, #tpu.memory_space<vmem>>, vector<1x16xf32>,
        %get3A_874 = vector.shape_cast %get3A_873 : vector<1x16xf32> to vector<16xf32>
        %add3A_875 = arith.addf %get3A_874, %get3A_870 : vector<16xf32>
        %get3A_876 = arith.index_cast %scan3A_701 : i32 to index
        %get3A_877 = arith.constant 48 : index
        %get3A_878 = tpu.vector_load %arg19[%get3A_876, %get3A_877] {strides = array<i32>} : memref<128x64xf32, #tpu.memory_space<vmem>>, vector<1x16xf32>,
        %get3A_879 = vector.shape_cast %get3A_878 : vector<1x16xf32> to vector<16xf32>
        %add3A_880 = arith.addf %get3A_879, %get3A_870 : vector<16xf32>
        %get3A_881 = arith.index_cast %scan3A_701 : i32 to index
        %get3A_882 = arith.constant 48 : index
        %get3A_883 = tpu.vector_load %arg21[%get3A_881, %get3A_882] {strides = array<i32>} : memref<128x64xf32, #tpu.memory_space<vmem>>, vector<1x16xf32>,
        %get3A_884 = vector.shape_cast %get3A_883 : vector<1x16xf32> to vector<16xf32>
        %add3A_885 = arith.addf %get3A_884, %get3A_870 : vector<16xf32>
        %swap3A_886 = arith.index_cast %scan3A_701 : i32 to index
        %swap3A_887 = arith.constant 48 : index
        %swap3A_888 = tpu.vector_load %arg29[%swap3A_886, %swap3A_887] {strides = array<i32>} : memref<128x64xf32, #tpu.memory_space<vmem>>, vector<1x16xf32>,
        %swap3A_889 = vector.shape_cast %swap3A_888 : vector<1x16xf32> to vector<16xf32>
        %swap3A_890 = vector.shape_cast %add3A_885 : vector<16xf32> to vector<1x16xf32>
        tpu.vector_store %arg29[%swap3A_886, %swap3A_887], %swap3A_890 {strides = array<i32>} : memref<128x64xf32, #tpu.memory_space<vmem>>, vector<1x16xf32>,
        %add3A_891 = arith.addf %add3A_875, %add3A_875 : vector<16xf32>
        %exp3A_892 = math.exp %add3A_891 : vector<16xf32>
        %add3A_893 = arith.constant 1.000000e+00 : f32
        %add3A_894 = vector.broadcast %add3A_893 : f32 to vector<16xf32>
        %add3A_895 = arith.addf %exp3A_892, %add3A_894 : vector<16xf32>
        %div3A_896 = arith.constant 2.000000e+00 : f32
        %div3A_897 = vector.broadcast %div3A_896 : f32 to vector<16xf32>
        %div3A_898 = arith.divf %div3A_897, %add3A_895 : vector<16xf32>
        %sub3A_899 = arith.constant 1.000000e+00 : f32
        %sub3A_900 = vector.broadcast %sub3A_899 : f32 to vector<16xf32>
        %sub3A_901 = arith.subf %sub3A_900, %div3A_898 : vector<16xf32>
        %swap3A_902 = arith.index_cast %scan3A_701 : i32 to index
        %swap3A_903 = arith.constant 48 : index
        %swap3A_904 = tpu.vector_load %arg25[%swap3A_902, %swap3A_903] {strides = array<i32>} : memref<128x64xf32, #tpu.memory_space<vmem>>, vector<1x16xf32>,
        %swap3A_905 = vector.shape_cast %swap3A_904 : vector<1x16xf32> to vector<16xf32>
        %swap3A_906 = vector.shape_cast %sub3A_901 : vector<16xf32> to vector<1x16xf32>
        tpu.vector_store %arg25[%swap3A_902, %swap3A_903], %swap3A_906 {strides = array<i32>} : memref<128x64xf32, #tpu.memory_space<vmem>>, vector<1x16xf32>,
        %add3A_907 = arith.addf %add3A_880, %add3A_880 : vector<16xf32>
        %exp3A_908 = math.exp %add3A_907 : vector<16xf32>
        %add3A_909 = arith.constant 1.000000e+00 : f32
        %add3A_910 = vector.broadcast %add3A_909 : f32 to vector<16xf32>
        %add3A_911 = arith.addf %exp3A_908, %add3A_910 : vector<16xf32>
        %div3A_912 = arith.constant 2.000000e+00 : f32
        %div3A_913 = vector.broadcast %div3A_912 : f32 to vector<16xf32>
        %div3A_914 = arith.divf %div3A_913, %add3A_911 : vector<16xf32>
        %sub3A_915 = arith.constant 1.000000e+00 : f32
        %sub3A_916 = vector.broadcast %sub3A_915 : f32 to vector<16xf32>
        %sub3A_917 = arith.subf %sub3A_916, %div3A_914 : vector<16xf32>
        %swap3A_918 = arith.index_cast %scan3A_701 : i32 to index
        %swap3A_919 = arith.constant 48 : index
        %swap3A_920 = tpu.vector_load %arg27[%swap3A_918, %swap3A_919] {strides = array<i32>} : memref<128x64xf32, #tpu.memory_space<vmem>>, vector<1x16xf32>,
        %swap3A_921 = vector.shape_cast %swap3A_920 : vector<1x16xf32> to vector<16xf32>
        %swap3A_922 = vector.shape_cast %sub3A_917 : vector<16xf32> to vector<1x16xf32>
        tpu.vector_store %arg27[%swap3A_918, %swap3A_919], %swap3A_922 {strides = array<i32>} : memref<128x64xf32, #tpu.memory_space<vmem>>, vector<1x16xf32>,
      }
      %scan3A_683 = arith.constant 128 : i32
      %add3A_684 = arith.constant 1 : i32
      %add3A_685 = arith.addi %mul3A_316, %add3A_684 : i32
      %mul3A_686 = arith.constant 128 : i32
      %mul3A_687 = arith.muli %add3A_685, %mul3A_686 : i32
      %add3A_688 = arith.addi %mul3A_2, %mul3A_687 : i32
      %dma_start3A_689 = arith.constant 0 : i32
      %dma_start3A_690 = tpu.memref_slice %arg7[%add3A_688, %dma_start3A_689] : memref<204800x64xf32, #tpu.memory_space<hbm>> -> memref<128x64xf32, #tpu.memory_space<hbm>>
      %dma_start3A_691 = arith.constant 0 : i32
      %dma_start3A_692 = tpu.memref_slice %arg7[%add3A_688, %dma_start3A_691] : memref<204800x64xf32, #tpu.memory_space<hbm>> -> memref<128x64xf32, #tpu.memory_space<hbm>>
      tpu.enqueue_dma source(%arg25 : memref<128x64xf32, #tpu.memory_space<vmem>>) target(%dma_start3A_692 : memref<128x64xf32, #tpu.memory_space<hbm>>) target_semaphore(%arg35 : memref<!tpu.dma_semaphore, #tpu.memory_space<semaphore_mem>>)
      %dma_start3A_693 = arith.constant 0 : i32
      %dma_start3A_694 = tpu.memref_slice %arg8[%add3A_688, %dma_start3A_693] : memref<204800x64xf32, #tpu.memory_space<hbm>> -> memref<128x64xf32, #tpu.memory_space<hbm>>
      %dma_start3A_695 = arith.constant 0 : i32
      %dma_start3A_696 = tpu.memref_slice %arg8[%add3A_688, %dma_start3A_695] : memref<204800x64xf32, #tpu.memory_space<hbm>> -> memref<128x64xf32, #tpu.memory_space<hbm>>
      tpu.enqueue_dma source(%arg27 : memref<128x64xf32, #tpu.memory_space<vmem>>) target(%dma_start3A_696 : memref<128x64xf32, #tpu.memory_space<hbm>>) target_semaphore(%arg35 : memref<!tpu.dma_semaphore, #tpu.memory_space<semaphore_mem>>)
      %dma_start3A_697 = arith.constant 0 : i32
      %dma_start3A_698 = tpu.memref_slice %arg9[%add3A_688, %dma_start3A_697] : memref<204800x64xf32, #tpu.memory_space<hbm>> -> memref<128x64xf32, #tpu.memory_space<hbm>>
      %dma_start3A_699 = arith.constant 0 : i32
      %dma_start3A_700 = tpu.memref_slice %arg9[%add3A_688, %dma_start3A_699] : memref<204800x64xf32, #tpu.memory_space<hbm>> -> memref<128x64xf32, #tpu.memory_space<hbm>>
      tpu.enqueue_dma source(%arg29 : memref<128x64xf32, #tpu.memory_space<vmem>>) target(%dma_start3A_700 : memref<128x64xf32, #tpu.memory_space<hbm>>) target_semaphore(%arg35 : memref<!tpu.dma_semaphore, #tpu.memory_space<semaphore_mem>>)
    }
    %scan3A_295 = arith.constant 25 : i32
    %dma_wait3A_296 = arith.constant 0 : i32
    %dma_wait3A_297 = arith.constant 0 : i32
    %dma_wait3A_298 = tpu.memref_slice %arg7[%dma_wait3A_296, %dma_wait3A_297] : memref<204800x64xf32, #tpu.memory_space<hbm>> -> memref<128x64xf32, #tpu.memory_space<hbm>>
    %dma_wait3A_299 = arith.constant 0 : i32
    %dma_wait3A_300 = arith.constant 0 : i32
    %dma_wait3A_301 = tpu.memref_slice %arg7[%dma_wait3A_299, %dma_wait3A_300] : memref<204800x64xf32, #tpu.memory_space<hbm>> -> memref<128x64xf32, #tpu.memory_space<hbm>>
    tpu.wait_dma2 semaphore(%arg35 : memref<!tpu.dma_semaphore, #tpu.memory_space<semaphore_mem>>) src(%arg25 : memref<128x64xf32, #tpu.memory_space<vmem>>) dst(%dma_wait3A_301 : memref<128x64xf32, #tpu.memory_space<hbm>>)
    %dma_wait3A_302 = arith.constant 0 : i32
    %dma_wait3A_303 = arith.constant 0 : i32
    %dma_wait3A_304 = tpu.memref_slice %arg8[%dma_wait3A_302, %dma_wait3A_303] : memref<204800x64xf32, #tpu.memory_space<hbm>> -> memref<128x64xf32, #tpu.memory_space<hbm>>
    %dma_wait3A_305 = arith.constant 0 : i32
    %dma_wait3A_306 = arith.constant 0 : i32
    %dma_wait3A_307 = tpu.memref_slice %arg8[%dma_wait3A_305, %dma_wait3A_306] : memref<204800x64xf32, #tpu.memory_space<hbm>> -> memref<128x64xf32, #tpu.memory_space<hbm>>
    tpu.wait_dma2 semaphore(%arg35 : memref<!tpu.dma_semaphore, #tpu.memory_space<semaphore_mem>>) src(%arg27 : memref<128x64xf32, #tpu.memory_space<vmem>>) dst(%dma_wait3A_307 : memref<128x64xf32, #tpu.memory_space<hbm>>)
    %dma_wait3A_308 = arith.constant 0 : i32
    %dma_wait3A_309 = arith.constant 0 : i32
    %dma_wait3A_310 = tpu.memref_slice %arg9[%dma_wait3A_308, %dma_wait3A_309] : memref<204800x64xf32, #tpu.memory_space<hbm>> -> memref<128x64xf32, #tpu.memory_space<hbm>>
    %dma_wait3A_311 = arith.constant 0 : i32
    %dma_wait3A_312 = arith.constant 0 : i32
    %dma_wait3A_313 = tpu.memref_slice %arg9[%dma_wait3A_311, %dma_wait3A_312] : memref<204800x64xf32, #tpu.memory_space<hbm>> -> memref<128x64xf32, #tpu.memory_space<hbm>>
    tpu.wait_dma2 semaphore(%arg35 : memref<!tpu.dma_semaphore, #tpu.memory_space<semaphore_mem>>) src(%arg29 : memref<128x64xf32, #tpu.memory_space<vmem>>) dst(%dma_wait3A_313 : memref<128x64xf32, #tpu.memory_space<hbm>>)
    return
  }
}

module attributes {stable_mosaic.version = 14 : i64} {
  func.func @_mask_body(%arg0: i32, %arg1: memref<50x1024xi32, #tpu.memory_space<vmem>>, %arg2: memref<50x1x1024xi32, #tpu.memory_space<vmem>>, %arg3: memref<1x50x1024xi32, #tpu.memory_space<vmem>>, %arg4: memref<50x1024xi32, #tpu.memory_space<vmem>>, %arg5: memref<1x1024xi32, #tpu.memory_space<vmem>>, %arg6: memref<50x50x1024xi32, #tpu.memory_space<vmem>>) attributes {dimension_semantics = [#tpu.dimension_semantics<arbitrary>], iteration_bounds = array<i64: 4>, scalar_prefetch = 0 : i64, scratch_operands = 0 : i64, tpu.core_type = #tpu.core_type<tc>, window_params = [{transform_indices = @transform_0, window_bounds = array<i64: 50, 1024>}, {transform_indices = @transform_1, window_bounds = array<i64: 50, 1, 1024>}, {transform_indices = @transform_2, window_bounds = array<i64: 1, 50, 1024>}, {transform_indices = @transform_3, window_bounds = array<i64: 50, 1024>}, {transform_indices = @transform_4, window_bounds = array<i64: 1, 1024>}, {transform_indices = @transform_5, window_bounds = array<i64: 50, 50, 1024>}]} {
    %get3A = arith.constant 0 : index
    %get3A_0 = arith.constant 0 : index
    %get3A_1 = vector.load %arg1[%get3A, %get3A_0] : memref<50x1024xi32, #tpu.memory_space<vmem>>, vector<50x1024xi32>
    %eq3A = arith.constant 0 : i32
    %eq3A_2 = vector.broadcast %eq3A : i32 to vector<50x1024xi32>
    %eq3A_3 = arith.cmpi eq, %get3A_1, %eq3A_2 : vector<50x1024xi32>
    %swap3A = arith.constant 0 : index
    %swap3A_4 = arith.constant 0 : index
    %swap3A_5 = vector.load %arg4[%swap3A, %swap3A_4] : memref<50x1024xi32, #tpu.memory_space<vmem>>, vector<50x1024xi32>
    %swap3A_6 = arith.extui %eq3A_3 : vector<50x1024xi1> to vector<50x1024xi32>
    %swap3A_7 = arith.constant dense<0> : vector<50x1024xi32>
    %swap3A_8 = arith.cmpi ne, %swap3A_5, %swap3A_7 : vector<50x1024xi32>
    tpu.vector_store %arg4[%swap3A, %swap3A_4], %swap3A_6 {strides = array<i32>} : memref<50x1024xi32, #tpu.memory_space<vmem>>, vector<50x1024xi32>,
    %not3A = arith.constant dense<true> : vector<50x1024xi1>
    %not3A_9 = arith.xori %eq3A_3, %not3A : vector<50x1024xi1>
    %convert_element_type3A = arith.extui %not3A_9 : vector<50x1024xi1> to vector<50x1024xi32>
    %reduce_sum3A = arith.constant dense<0> : vector<1024xi32>
    %reduce_sum3A_10 = vector.multi_reduction <add>, %convert_element_type3A, %reduce_sum3A [0] : vector<50x1024xi32> to vector<1024xi32>
    %broadcast_in_dim3A = vector.shape_cast %reduce_sum3A_10 : vector<1024xi32> to vector<1x1024xi32>
    %swap3A_11 = arith.constant 0 : index
    %swap3A_12 = arith.constant 0 : index
    %swap3A_13 = vector.load %arg5[%swap3A_11, %swap3A_12] : memref<1x1024xi32, #tpu.memory_space<vmem>>, vector<1x1024xi32>
    tpu.vector_store %arg5[%swap3A_11, %swap3A_12], %broadcast_in_dim3A {strides = array<i32>} : memref<1x1024xi32, #tpu.memory_space<vmem>>, vector<1x1024xi32>,
    %get3A_14 = arith.constant 0 : index
    %get3A_15 = arith.constant 0 : index
    %get3A_16 = arith.constant 0 : index
    %get3A_17 = vector.load %arg2[%get3A_14, %get3A_15, %get3A_16] : memref<50x1x1024xi32, #tpu.memory_space<vmem>>, vector<50x1x1024xi32>
    %ne3A = arith.constant 0 : i32
    %ne3A_18 = vector.broadcast %ne3A : i32 to vector<50x1x1024xi32>
    %ne3A_19 = arith.cmpi ne, %get3A_17, %ne3A_18 : vector<50x1x1024xi32>
    %get3A_20 = arith.constant 0 : index
    %get3A_21 = arith.constant 0 : index
    %get3A_22 = arith.constant 0 : index
    %get3A_23 = vector.load %arg3[%get3A_20, %get3A_21, %get3A_22] : memref<1x50x1024xi32, #tpu.memory_space<vmem>>, vector<1x50x1024xi32>
    %ne3A_24 = arith.constant 0 : i32
    %ne3A_25 = vector.broadcast %ne3A_24 : i32 to vector<1x50x1024xi32>
    %ne3A_26 = arith.cmpi ne, %get3A_23, %ne3A_25 : vector<1x50x1024xi32>
    %broadcast_in_dim3A_27 = vector.shape_cast %ne3A_19 : vector<50x1x1024xi1> to vector<50x1x1024xi1>
    %broadcast_in_dim3A_28 = vector.broadcast %broadcast_in_dim3A_27 : vector<50x1x1024xi1> to vector<50x50x1024xi1>
    %broadcast_in_dim3A_29 = vector.shape_cast %ne3A_26 : vector<1x50x1024xi1> to vector<1x50x1024xi1>
    %broadcast_in_dim3A_30 = vector.broadcast %broadcast_in_dim3A_29 : vector<1x50x1024xi1> to vector<50x50x1024xi1>
    %and3A = arith.andi %broadcast_in_dim3A_28, %broadcast_in_dim3A_30 : vector<50x50x1024xi1>
    %swap3A_31 = arith.constant 0 : index
    %swap3A_32 = arith.constant 0 : index
    %swap3A_33 = arith.constant 0 : index
    %swap3A_34 = vector.load %arg6[%swap3A_31, %swap3A_32, %swap3A_33] : memref<50x50x1024xi32, #tpu.memory_space<vmem>>, vector<50x50x1024xi32>
    %swap3A_35 = arith.extui %and3A : vector<50x50x1024xi1> to vector<50x50x1024xi32>
    %swap3A_36 = arith.constant dense<0> : vector<50x50x1024xi32>
    %swap3A_37 = arith.cmpi ne, %swap3A_34, %swap3A_36 : vector<50x50x1024xi32>
    tpu.vector_store %arg6[%swap3A_31, %swap3A_32, %swap3A_33], %swap3A_35 {strides = array<i32>} : memref<50x50x1024xi32, #tpu.memory_space<vmem>>, vector<50x50x1024xi32>,
    return
  }
  func.func @transform_0(%arg0: i32) -> (i32, i32) {
    %c0_i32 = arith.constant 0 : i32
    %c0_i32_0 = arith.constant 0 : i32
    return %c0_i32, %arg0 : i32, i32
  }
  func.func @transform_1(%arg0: i32) -> (i32, i32, i32) {
    %c0_i32 = arith.constant 0 : i32
    %c0_i32_0 = arith.constant 0 : i32
    %c0_i32_1 = arith.constant 0 : i32
    return %c0_i32, %c0_i32_0, %arg0 : i32, i32, i32
  }
  func.func @transform_2(%arg0: i32) -> (i32, i32, i32) {
    %c0_i32 = arith.constant 0 : i32
    %c0_i32_0 = arith.constant 0 : i32
    %c0_i32_1 = arith.constant 0 : i32
    return %c0_i32, %c0_i32_0, %arg0 : i32, i32, i32
  }
  func.func @transform_3(%arg0: i32) -> (i32, i32) {
    %c0_i32 = arith.constant 0 : i32
    %c0_i32_0 = arith.constant 0 : i32
    return %c0_i32, %arg0 : i32, i32
  }
  func.func @transform_4(%arg0: i32) -> (i32, i32) {
    %c0_i32 = arith.constant 0 : i32
    %c0_i32_0 = arith.constant 0 : i32
    return %c0_i32, %arg0 : i32, i32
  }
  func.func @transform_5(%arg0: i32) -> (i32, i32, i32) {
    %c0_i32 = arith.constant 0 : i32
    %c0_i32_0 = arith.constant 0 : i32
    %c0_i32_1 = arith.constant 0 : i32
    return %c0_i32, %c0_i32_0, %arg0 : i32, i32, i32
  }
}

</mosaic_0001>

<sc_bundles>
// kernel: kernel.4.cloned.1.call-start
scs
__scs_entry_jumppad:
0x0: {  	(pc) =	sbr.rel $0x88, $3  }
0x1: {  	(tag) =	ssettag $0x0;
	lr =	simm.s32 $0x1  }
0x2: {  	[smem:$0x3F99] =	sst lr;
	_ =	strace $0xD0000000  }
0x3: {  	_ = 	snop  }
0x4: {  	_ = 	snop  }
0x5: {  	_ = 	snop  }
0x6: {  	_ = 	snop  }
0x7: {  	_ = 	snop  }
__scs_overlays_trampoline_lowered:
0x8: {  	[smem:$0x3FA8] =	sst s0  }
0x9: {  	[smem:$0x3FA9] =	sst s1  }
0xa: {  	[smem:$0x3FAA] =	sst s2  }
0xb: {  	[smem:$0x3FAB] =	sst s3  }
0xc: {  	[smem:$0x3FAC] =	sst s4  }
0xd: {  	[smem:$0x3FAD] =	sst s5  }
0xe: {  	[smem:$0x3FAE] =	sst s6  }
0xf: {  	[smem:$0x3FAF] =	sst s7  }
0x10: {  	[smem:$0x3FB0] =	sst s8  }
0x11: {  	[smem:$0x3FB1] =	sst s9;
	s0 =	simm.s32 @!p0 $0x0  }
0x12: {  	s1 =	sld [smem:$0x3F97];
	s0 =	simm.s32 @p0 $0x1  }
0x13: {  	[smem:$0x3FB2] =	sst s0;
	s0 =	simm.s32 @!p1 $0x0  }
0x14: {  	s2 =	sld [smem:$0x3F96];
	s0 =	simm.s32 @p1 $0x1  }
0x15: {  	[smem:$0x3FB3] =	sst s0;
	s0 =	simm.s32 @!p2 $0x0  }
0x16: {  	s3 =	sld [smem:$0x3FDB];
	s0 =	simm.s32 @p2 $0x1  }
0x17: {  	s4 =	simm.s32 $0x1BF5;
	[smem:$0x3FB5] =	sst s0  }
0x18: {  	s0 =	sld [smem:$0x3F98];
	_ =	swait.ge [sflag:s4], $0x0  }
0x19: {  	s7 =	sld [smem:$0x3F99]  }
0x1a: {  	s8 =	sadd.s32 $0xFFFFE003, lr  }
0x1b: {  	s9 =	sadd.s32 $0xFFFFFEF7, lr;
	s5 =	simm.s32 $0xFFFFFFFF;
	p2 =	slt.u32 s8, $0xFFFFF086  }
0x1c: {  	p1 =	slt.u32 s9, $0xF7A;
	s5 =	simm.s32 @!p2 $0x0  }
0x1d: {  	s5 =	simm.s32 @p1 $0x1;
	p0 =	seq.s32 s7, s2  }
0x1e: {  	s7 =	smul.u32 @!p0 $0xF7A, s2;
	p2 =	seq.s32 @!p0 s5, $0x0  }
0x1f: {  	s9 =	smul.u32 $0xF7A, s1;
	s8 =	simm.s32 @!p0 $0x1BF5;
	p2 =	por !p2, p0  }
0x20: {  	[sflag:s8] =	ssyncset.s32 @!p0 $0xFFFFF086;
	s6 =	sadd.s32 @!p0 s3, s7;
	s7 =	simm.s32 @!p0 $0x108  }
0x21: {  	s3 =	sadd.s32 s3, s9;
	s6 =	sadd.s32 @!p0 $0x88, s6;
	s7 =	simm.s32 @p2 $0x1082  }
0x22: {  	[simem:s7], [sflag:s8] =	dma.local @!p0 [hbm:s6], $0xF7A  }
0x23: {  	s9 =	sor.u32 $0xD0000000, s2;
	s6 =	simm.s32 $0x108;
	_ =	swait.ge @!p0 [sflag:s8], $0x0  }
0x24: {  	s3 =	sadd.s32 $0x88, s3;
	s6 =	simm.s32 @!p1 $0x1082;
	[sflag:s4] =	ssyncset.s32 $0xFFFFF086  }
0x25: {  	[simem:s6], [sflag:s4] =	dma.local [hbm:s3], $0xF7A  }
0x26: {  	[smem:$0x3F99] =	sst s1;
	(tag) =	ssettag s2;
	_ =	strace s9  }
0x27: {  	s1 =	sld [smem:$0x3FA9]  }
0x28: {  	s2 =	sld [smem:$0x3FAA]  }
0x29: {  	s4 =	sld [smem:$0x3FAC]  }
0x2a: {  	p0 =	seq.s32 s5, $0x0;
	s5 =	sld [smem:$0x3FAD]  }
0x2b: {  	s6 =	sld [smem:$0x3FAE]  }
0x2c: {  	s7 =	sld [smem:$0x3FAF]  }
0x2d: {  	s3 =	simm.s32 $0x108;
	s8 =	sld [smem:$0x3FB0]  }
0x2e: {  	s3 =	simm.s32 @!p0 $0x1082;
	s9 =	sld [smem:$0x3FB1]  }
0x2f: {  	lr =	sadd.s32 s0, s3;
	s0 =	sld [smem:$0x3FA8]  }
0x30: {  	s3 =	sld [smem:$0x3FAB]  }
0x31: {  	[smem:$0x3FB4] =	sst s10  }
0x32: {  	s10 =	sld [smem:$0x3FB2];
	_ =	sdelay $0x3  }
0x33: {  	p0 =	seq.s32 s10, $0x1;
	s10 =	sld [smem:$0x3FB4];
	_ =	sdelay $0x3  }
0x34: {  	[smem:$0x3FB4] =	sst s10  }
0x35: {  	s10 =	sld [smem:$0x3FB3];
	_ =	sdelay $0x3  }
0x36: {  	p1 =	seq.s32 s10, $0x1;
	s10 =	sld [smem:$0x3FB4];
	_ =	sdelay $0x3  }
0x37: {  	[smem:$0x3FB4] =	sst s10  }
0x38: {  	s10 =	sld [smem:$0x3FB5]  }
0x39: {  	_ = 	snop;
	(pc) =	sbr.ind lr, $3  }
0x3a: {  	_ = 	snop  }
0x3b: {  	_ = 	snop  }
0x3c: {  	p2 =	seq.s32 s10, $0x1;
	s10 =	sld [smem:$0x3FB4]  }
0x3d: {  	_ =	shalt  }
0x3e: {  	_ =	shalt  }
0x3f: {  	_ =	shalt  }
0x40: {  	_ =	shalt  }
0x41: {  	_ =	shalt  }
0x42: {  	_ =	shalt  }
0x43: {  	_ =	shalt  }
0x44: {  	_ =	shalt  }
0x45: {  	_ =	shalt  }
0x46: {  	_ =	shalt  }
0x47: {  	_ =	shalt  }
0x48: {  	_ =	shalt  }
0x49: {  	_ =	shalt  }
0x4a: {  	_ =	shalt  }
0x4b: {  	_ =	shalt  }
0x4c: {  	_ =	shalt  }
0x4d: {  	_ =	shalt  }
0x4e: {  	_ =	shalt  }
0x4f: {  	_ =	shalt  }
0x50: {  	_ =	shalt  }
0x51: {  	_ =	shalt  }
0x52: {  	_ =	shalt  }
0x53: {  	_ =	shalt  }
0x54: {  	_ =	shalt  }
0x55: {  	_ =	shalt  }
0x56: {  	_ =	shalt  }
0x57: {  	_ =	shalt  }
0x58: {  	_ =	shalt  }
0x59: {  	_ =	shalt  }
0x5a: {  	_ =	shalt  }
0x5b: {  	_ =	shalt  }
0x5c: {  	_ =	shalt  }
0x5d: {  	_ =	shalt  }
0x5e: {  	_ =	shalt  }
0x5f: {  	_ =	shalt  }
0x60: {  	_ =	shalt  }
0x61: {  	_ =	shalt  }
0x62: {  	_ =	shalt  }
0x63: {  	_ =	shalt  }
0x64: {  	_ =	shalt  }
0x65: {  	_ =	shalt  }
0x66: {  	_ =	shalt  }
0x67: {  	_ =	shalt  }
0x68: {  	_ =	shalt  }
0x69: {  	_ =	shalt  }
0x6a: {  	_ =	shalt  }
0x6b: {  	_ =	shalt  }
0x6c: {  	_ =	shalt  }
0x6d: {  	_ =	shalt  }
0x6e: {  	_ =	shalt  }
0x6f: {  	_ =	shalt  }
0x70: {  	_ =	shalt  }
0x71: {  	_ =	shalt  }
0x72: {  	_ =	shalt  }
0x73: {  	_ =	shalt  }
0x74: {  	_ =	shalt  }
0x75: {  	_ =	shalt  }
0x76: {  	_ =	shalt  }
0x77: {  	_ =	shalt  }
0x78: {  	_ =	shalt  }
0x79: {  	_ =	shalt  }
0x7a: {  	_ =	shalt  }
0x7b: {  	_ =	shalt  }
0x7c: {  	_ =	shalt  }
0x7d: {  	_ =	shalt  }
0x7e: {  	_ =	shalt  }
0x7f: {  	_ =	shalt  }
0x80: {  	_ =	shalt  }
0x81: {  	_ =	shalt  }
0x82: {  	_ =	shalt  }
0x83: {  	_ =	shalt  }
0x84: {  	_ =	shalt  }
0x85: {  	_ =	shalt  }
0x86: {  	_ =	shalt  }
0x87: {  	_ =	shalt  }
.Lfunc_end0:
.L_simem_size_0:
called_computation.3_lowered:
.L_overlay_start_0:
0x88: {  	s2 =	sld [smem:$0x3FD9]  }
0x89: {  	s3 =	sld [smem:$0x3FFE];
	_ =	sdelay $0x1  }
0x8a: {  	s1 =	srdreg.scid  }
0x8b: {  	s0 =	sand.u32 $0x1, s1  }
0x8c: {  	s14 =	sshll.u32 s0, $0xA;
	s2 =	sadd.s32 s3, s2  }
0x8d: {  	s2 =	sadd.s32 s2, s14  }
0x8e: {  	[smem:$0x3FC0] =	sst s2  }
0x8f: {  	_ = 	snop  }
0x90: {  	s2 =	sld [smem:$0x3FD0];
	_ =	sdelay $0x2  }
0x91: {  	s15 =	simm.s32 $0xC;
	s4 =	simm.s32 $0x10  }
0x92: {  	[smem:s4], [sflag:s15] =	dma.local [hbm:s2], $0x1  }
0x93: {  	_ =	swait.eq [sflag:s15], $0x1  }
0x94: {  	s16 =	sld [smem:$0x10]  }
0x95: {  	s17 =	sld [smem:$0x11]  }
0x96: {  	s5 =	sld [smem:$0x12];
	[sflag:s15] =	ssyncset.done $0x0  }
0x97: {  	s6 =	sld [smem:$0x13];
	[sflag:s15] =	ssyncadd.s32 $0xFFFFFFFF  }
0x98: {  	s18 =	sld [smem:$0x15];
	(tm) =	ssettm $0x1  }
0x99: {  	s7 =	sld [smem:$0x3FFB];
	_ =	sdelay $0x3  }
0x9a: {  	_ =	strace s7  }
0x9b: {  	s7 =	sld [smem:$0x3FFC];
	_ =	sdelay $0x3  }
0x9c: {  	_ =	strace s7  }
0x9d: {  	s7 =	sld [smem:$0x3FFD];
	_ =	sdelay $0x3  }
0x9e: {  	_ =	strace s7  }
0x9f: {  	_ =	strace $0x8FFFFFFF  }
0xa0: {  	s19 =	sld [smem:$0x3FDB];
	_ =	sdelay $0x1  }
0xa1: {  	s8 =	simm.s32 $_scs_section_size  }
0xa2: {  	s9 =	simm.s32 $_size__tile_overlayer_lowered;
	s10 =	simm.s32 $_tile_overlayer_lowered  }
0xa3: {  	s22 =	simm.s32 $0x1BFF;
	s21 =	sshll.u32 s10, $0x1;
	s7 =	sadd.s32 s8, s19  }
0xa4: {  	s11 =	simm.s32 $0x0;
	s20 =	sshll.u32 s9, $0x1;
	s9 =	sadd.s32 s21, s7  }
0xa5: {  	[timem:s11], [sflag:s22] =	dma.local [hbm:s9], s20  }
0xa6: {  	_ =	swait.ge [sflag:s22], s20  }
0xa7: {  	s8 =	ssub.s32 $0x0, s20;
	[sflag:s22] =	ssyncset.done $0x0  }
0xa8: {  	[sflag:s22] =	ssyncadd.s32 s8;
	_ =	sdelay $0x1  }
0xa9: {  	s23 =	simm.s32 $0x1B8B  }
0xaa: {  	_ =	swait.ge [sflag:s23], $0x1  }
0xab: {  	[sflag:s23] =	ssyncset.done $0x0  }
0xac: {  	s25 =	simm.s32 $0x1B8E;
	s24 =	sld [smem:$0x3FFE];
	[sflag:s23] =	ssyncadd.s32 $0xFFFFFFFF  }
0xad: {  	s26 =	simm.s32 $execute0_lowered;
	[smem:$0x3FD2] =	sst s25  }
0xae: {  	s9 =	sshll.u32 s26, $0x1;
	_ =	strace $0x80000046;
	[dreg:$0x1] =	wrdreg $0xFFFFFFFF  }
0xaf: {  	s28 =	simm.s32 $_size_execute0_lowered;
	s7 =	sadd.s32 s7, s9;
	[dreg:$0x0] =	wrdreg $0x0  }
0xb0: {  	s9 =	sshll.u32 s28, $0x1;
	[dreg:$0x2] =	wrdreg s7  }
0xb1: {  	[dreg:$0x3] =	wrdreg s9  }
0xb2: {  	[dreg:$0x4] =	wrdreg $0xC0  }
0xb3: {  	_ =	task [dreg:s11], $0x5FFFF  }
0xb4: {  	[dreg:$0x1] =	wrdreg $0xFFFFFFFF  }
0xb5: {  	[dreg:$0x0] =	wrdreg $0x60  }
0xb6: {  	[dreg:$0x2] =	wrdreg s18  }
0xb7: {  	[dreg:$0x3] =	wrdreg s24  }
0xb8: {  	[dreg:$0x4] =	wrdreg s6  }
0xb9: {  	[dreg:$0x5] =	wrdreg s16  }
0xba: {  	[dreg:$0x6] =	wrdreg s17  }
0xbb: {  	[dreg:$0x7] =	wrdreg s5  }
0xbc: {  	[dreg:$0x8] =	wrdreg $0x9  }
0xbd: {  	_ =	task.clear_ibuf [dreg:s11], $0x9FFFF;
	_ =	strace $0x90000046  }
0xbe: {  	s29 =	simm.s32 $0x9;
	_ =	strace $0x80000048  }
0xbf: {  	_ =	swait.ge [sflag:s29], $0x1  }
0xc0: {  	[sflag:s29] =	ssyncadd.s32 $0xFFFFFFFF  }
0xc1: {  	_ =	strace $0x90000048  }
0xc2: {  	_ =	sfence  }
0xc3: {  	s30 =	sld [smem:$0x0];
	_ =	sdelay $0x2  }
0xc4: {  	s31 =	sshll.u32 s1, $0xD;
	s1 =	sshrl.u32 s1, $0x2  }
0xc5: {  	s3 =	sand.u32 $0x4000, s31;
	s1 =	sadd.s32 s1, s30  }
0xc6: {  	s0 =	sor.u32 s3, s0;
	s1 =	sshll.u32 s1, $0x11  }
0xc7: {  	s0 =	sor.u32 s1, s0  }
0xc8: {  	s0 =	sadd.s32 $0x8F2B, s0  }
0xc9: {  	[sflag:s0] =	ssyncadd.remote.s32 $0x1  }
0xca: {  	_ =	sfence.sel $0xFFFF  }
0xcb: {  	[dreg:$0x0] =	wrdreg $0xFFFFFFFF;
	(pc) =	sbr.abs _section_cstart, $3  }
0xcc: {  	[dreg:$0x1] =	wrdreg $0xFFFFFFFF  }
0xcd: {  	_ =	task.clear_ibuf [dreg:s11], $0x2FFFF;
	_ =	strace $0x9FFFFFFF  }
0xce: {  	(tm) =	ssettm $0x7FFFFFFF  }
0xcf: {  	_ =	shalt  }
tec
execute0_lowered:
.L_overlay_start_1:
0x0: {  	(tag) =	ssettag $0x1  }
0x1: {  	s0 =	rddreg [dreg:$0x0]  }
0x2: {  	s1 =	rddreg [dreg:$0x1]  }
0x3: {  	s2 =	rddreg [dreg:$0x2]  }
0x4: {  	s3 =	rddreg [dreg:$0x3]  }
0x5: {  	s5 =	rddreg [dreg:$0x4]  }
0x6: {  	s4 =	srdreg.scid;
	s7 =	stileid.u32  }
0x7: {  	s6 =	rddreg [dreg:$0x5];
	s18 =	simm.s32 $0x80;
	s21 =	simm.s32 $0x1  }
0x8: {  	s22 =	simm.s32 $0x300;
	s29 =	simm.s32 $0x3;
	s30 =	simm.s32 $0x2  }
0x9: {  	s31 =	simm.s32 $0x380;
	s28 =	simm.s32 $0x12500;
	s19 =	simm.s32 $0x16500  }
0xa: {  	s15 =	simm.s32 $0x1A500;
	s4 =	sand.u32 $0x1, s4;
	s8 =	sshll.u32 s7, $0x1  }
0xb: {  	s7 =	simm.s32 $0x0;
	s9 =	sadd.s32 $0xC7400, s1;
	s10 =	sor.u32 s4, s8  }
0xc: {  	[smem:$0x7FF] =	sst s7;
	s4 =	ssub.s32 $0x2, s4;
	s12 =	smul.u32 $0x1900, s10  }
0xd: {  	s8 =	sadd.s32 $0x18AA00, s1;
	_ =	strace $0x80000047;
	s13 =	sshrl.u32 s4, $0x1  }
0xe: {  	s24 =	ssub.s32 s4, s13;
	s4 =	simm.s32 $0x6;
	s11 =	sshrl.u32 s12, $0x3  }
0xf: {  	s13 =	sadd.s32 $0x100, s12;
	s26 =	sadd.s32 $0x180, s12;
	s16 =	sor.u32 $0x80, s12  }
0x10: {  	s14 =	sadd.s32 s0, s11;
	s11 =	sadd.s32 $0x3E00, s1;
	[dreg:$0x9] =	wrdreg s26  }
0x11: {  	s1 =	smax.u32 s24, $0x1;
	s26 =	simm.s32 $0x5;
	[dreg:$0x7] =	wrdreg s14  }
0x12: {  	s25 =	sadd.s32 $0x10, s14;
	s14 =	smul.u32 $0x64000, s10;
	[dreg:$0xa] =	wrdreg s1  }
0x13: {  	s10 =	simm.s32 $0x0;
	[dreg:$0x8] =	wrdreg s25;
	s25 =	simm.s32 $0x4  }
.LBB2_1:
0x14: {  	[dreg:$0xb] =	wrdreg s10  }
0x15: {  	s1 =	rddreg [dreg:$0x7];
	s23 =	simm.s32 $0x32000  }
0x16: {  	[tilespmem:s7], [sflag:$0x1] =	stream.strided.gather [hbm4b:s1+s18], $0x180, s23, s18, $0x38;
	[tilespmem:$0x1C500] =	vst v63  }
0x17: {  	s24 =	rddreg [dreg:$0x8];
	s12 =	simm.s32 $0x180  }
0x18: {  	[tilespmem:s12], [sflag:$0x2] =	stream.strided.gather [hbm4b:s24+s18], $0x180, s23, s18, $0x38;
	[tilespmem:$0x1C500] =	vst v63  }
0x19: {  	_ =	swait.ge [sflag:s21], $0x180  }
0x1a: {  	[sflag:s21] =	ssyncset.done $0x0  }
0x1b: {  	[sflag:s21] =	ssyncadd.s32 $0xFFFFFE80  }
0x1c: {  	v0 =	vld [tilespmem:$0x0]  }
0x1d: {  	v1 =	vld [tilespmem:$0x80]  }
0x1e: {  	v2 =	vld [tilespmem:$0x100]  }
0x1f: {  	v3 =	vld [tilespmem:$0x10]  }
0x20: {  	v4 =	vld [tilespmem:$0x90]  }
0x21: {  	v5 =	vld [tilespmem:$0x110]  }
0x22: {  	v6 =	vld [tilespmem:$0x20]  }
0x23: {  	v7 =	vld [tilespmem:$0xA0]  }
0x24: {  	v8 =	vld [tilespmem:$0x120]  }
0x25: {  	v10 =	vld [tilespmem:$0xB0]  }
0x26: {  	v11 =	vld [tilespmem:$0x130]  }
0x27: {  	v13 =	vld [tilespmem:$0xC0]  }
0x28: {  	v14 =	vld [tilespmem:$0x140]  }
0x29: {  	v41 =	vld [tilespmem:$0xD0]  }
0x2a: {  	v46 =	vld [tilespmem:$0x150]  }
0x2b: {  	v48 =	vld [tilespmem:$0xE0]  }
0x2c: {  	v50 =	vld [tilespmem:$0x160]  }
0x2d: {  	v9 =	vld [tilespmem:$0x30];
	vm0 =	vlt.s32 v1, $0x13;
	vm14 =	vlt.s32 v4, $0x13;
	vm1 =	vlt.s32 v2, $0x13  }
0x2e: {  	v12 =	vld [tilespmem:$0x40];
	vm15 =	vlt.s32 v5, $0x13;
	vm4 =	vlt.s32 v7, $0x13;
	vm5 =	vlt.s32 v10, $0x13  }
0x2f: {  	v44 =	vld [tilespmem:$0x50];
	[tilespmem:$0x300] =	vst v0;
	vm6 =	vlt.s32 v8, $0x13;
	vm7 =	vlt.s32 v11, $0x13;
	vm8 =	vlt.s32 v13, $0x13  }
0x30: {  	v54 =	vld [tilespmem:$0x60];
	[tilespmem:$0x310] =	vst v3;
	vm9 =	vlt.s32 v41, $0x13;
	vm10 =	vlt.s32 v14, $0x13;
	vm11 =	vlt.s32 v46, $0x13  }
0x31: {  	v60 =	vld [tilespmem:$0x70];
	[tilespmem:$0x320] =	vst v6;
	vm12 =	vlt.s32 v48, $0x13;
	vm13 =	vlt.s32 v50, $0x13;
	v1 =	vnsel vm0, $0x13, v1  }
0x32: {  	[tilespmem:$0x330] =	vst v9;
	v4 =	vnsel vm14, $0x13, v4;
	v2 =	vnsel vm1, $0x13, v2;
	v40 =	vnsel vm15, $0x13, v5  }
0x33: {  	[tilespmem:$0x340] =	vst v12;
	v43 =	vnsel vm4, $0x13, v7;
	v45 =	vnsel vm5, $0x13, v10;
	v47 =	vnsel vm6, $0x13, v8  }
0x34: {  	v53 =	vld [tilespmem:$0xF0];
	[tilespmem:$0x350] =	vst v44;
	v49 =	vnsel vm7, $0x13, v11;
	v52 =	vnsel vm8, $0x13, v13;
	v1 =	vmul.u32 $0x14, v1  }
0x35: {  	[tilespmem:$0x360] =	vst v54;
	v55 =	vnsel vm10, $0x13, v14;
	v4 =	vmul.u32 $0x14, v4;
	v3 =	vmul.u32 $0x14, v45  }
0x36: {  	v56 =	vld [tilespmem:$0x170];
	[tilespmem:$0x370] =	vst v60;
	v57 =	vnsel vm11, $0x13, v46;
	v39 =	vadd.s32 v2, v1;
	v1 =	vmul.u32 $0x14, v43  }
0x37: {  	v59 =	vnsel vm12, $0x13, v48;
	v42 =	vadd.s32 v40, v4;
	v51 =	vadd.s32 v49, v3;
	[tilespmem:$0x400] =	vst v39  }
0x38: {  	v2 =	vnsel vm9, $0x13, v41;
	[tilespmem:$0x410] =	vst v42;
	v0 =	vadd.s32 v47, v1;
	v1 =	vmul.u32 $0x14, v52  }
0x39: {  	vm14 =	vlt.s32 v53, $0x13;
	v61 =	vnsel vm13, $0x13, v50;
	[tilespmem:$0x430] =	vst v51;
	v2 =	vmul.u32 $0x14, v2  }
0x3a: {  	v62 =	vnsel vm14, $0x13, v53;
	[tilespmem:$0x420] =	vst v0;
	v0 =	vadd.s32 v55, v1;
	v1 =	vmul.u32 $0x14, v59  }
0x3b: {  	vm15 =	vlt.s32 v56, $0x13;
	v58 =	vadd.s32 v57, v2;
	[tilespmem:$0x440] =	vst v0;
	v0 =	vmul.u32 $0x14, v62  }
0x3c: {  	v63 =	vnsel vm15, $0x13, v56;
	[tilespmem:$0x450] =	vst v58;
	v1 =	vadd.s32 v61, v1  }
0x3d: {  	[tilespmem:$0x460] =	vst v1;
	v0 =	vadd.s32 v63, v0  }
0x3e: {  	s12 =	simm.s32 $0x500;
	[tilespmem:$0x470] =	vst v0  }
0x3f: {  	[tilespmem:s12], [sflag:$0x3] =	stream.indirect.gather [hbm4b:s8+s18], $0x40, s22, s18, $0xb8;
	[tilespmem:$0x1C500] =	vst v63  }
0x40: {  	s17 =	simm.s32 $0x4500  }
0x41: {  	[tilespmem:s17], [sflag:$0x3] =	stream.indirect.gather [hbm4b:s9+s18], $0x40, s22, s18, $0xb8;
	[tilespmem:$0x1C500] =	vst v63  }
0x42: {  	s20 =	simm.s32 $0x8500  }
0x43: {  	[tilespmem:s20], [sflag:$0x3] =	stream.indirect.gather [hbm4b:s11+s18], $0x40, s22, s18, $0xb8;
	[tilespmem:$0x1C500] =	vst v63  }
0x44: {  	s1 =	simm.s32 $0x0;
	s23 =	simm.s32 $0x400;
	s24 =	simm.s32 $0xC500  }
0x45: {  	[tilespmem:s24], [sflag:$0x3] =	stream.indirect.gather [hbm4b:s2+s18], $0x40, s23, s18, $0xb8;
	[tilespmem:$0x1C500] =	vst v63  }
.LBB2_2:
0x46: {  	_ =	swait.ge [sflag:s29], $0x2000  }
0x47: {  	[sflag:s29] =	ssyncset.done $0x0  }
0x48: {  	[sflag:s29] =	ssyncadd.s32 $0xFFFFE000  }
0x49: {  	_ =	swait.ge [sflag:s29], $0x2000  }
0x4a: {  	[sflag:s29] =	ssyncset.done $0x0  }
0x4b: {  	[sflag:s29] =	ssyncadd.s32 $0xFFFFE000  }
0x4c: {  	_ =	swait.ge [sflag:s29], $0x2000  }
0x4d: {  	s12 =	sshll.u32 s1, $0x8;
	p0 =	seq.s32 s1, $0x18;
	[sflag:s29] =	ssyncset.done $0x0  }
0x4e: {  	s10 =	sadd.s32 @!p0 s12, s13;
	s17 =	simm.s32 @!p0 $0x80;
	[sflag:s29] =	ssyncadd.s32 $0xFFFFE000  }
0x4f: {  	s20 =	simm.s32 @!p0 $0x32000;
	s23 =	simm.s32 @!p0 $0x0;
	_ =	swait.ge [sflag:s29], $0x2000  }
0x50: {  	p1 =	seq.s32 @!p0 s1, $0x0;
	s10 =	sshrl.u32 @!p0 s10, $0x3;
	[sflag:s29] =	ssyncset.done $0x0  }
0x51: {  	p1 =	por p0, !p1;
	s10 =	sadd.s32 @!p0 s0, s10;
	[sflag:s29] =	ssyncadd.s32 $0xFFFFE000  }
0x52: {  	[tilespmem:s23], [sflag:$0x1] =	stream.strided.gather @!p0 [hbm4b:s10+s17], $0x180, s20, s17, $0x38;
	[tilespmem:$0x1C500] =	vst v63  }
0x53: {  	_ =	swait.ge @p1 [sflag:s4], $0x2000  }
0x54: {  	[sflag:s4] =	ssyncset.done @p1 $0x0  }
0x55: {  	[sflag:s4] =	ssyncadd.s32 @p1 $0xFFFFE000  }
0x56: {  	_ =	swait.ge @p1 [sflag:s4], $0x2000  }
0x57: {  	[sflag:s4] =	ssyncset.done @p1 $0x0  }
0x58: {  	[sflag:s4] =	ssyncadd.s32 @p1 $0xFFFFE000  }
0x59: {  	_ =	swait.ge @p1 [sflag:s4], $0x2000  }
0x5a: {  	[sflag:s4] =	ssyncset.done @p1 $0x0  }
0x5b: {  	[sflag:s4] =	ssyncadd.s32 @p1 $0xFFFFE000  }
0x5c: {  	_ =	swait.ge [sflag:s30], $0x180  }
0x5d: {  	[sflag:s30] =	ssyncset.done $0x0  }
0x5e: {  	[sflag:s30] =	ssyncadd.s32 $0xFFFFFE80  }
0x5f: {  	v0 =	vld [tilespmem:$0x180]  }
0x60: {  	v1 =	vld [tilespmem:$0x200]  }
0x61: {  	v2 =	vld [tilespmem:$0x280]  }
0x62: {  	v3 =	vld [tilespmem:$0x190]  }
0x63: {  	v4 =	vld [tilespmem:$0x210]  }
0x64: {  	v5 =	vld [tilespmem:$0x290]  }
0x65: {  	v6 =	vld [tilespmem:$0x1A0]  }
0x66: {  	v7 =	vld [tilespmem:$0x220]  }
0x67: {  	v8 =	vld [tilespmem:$0x2A0]  }
0x68: {  	v9 =	vld [tilespmem:$0x1B0]  }
0x69: {  	v10 =	vld [tilespmem:$0x230]  }
0x6a: {  	v11 =	vld [tilespmem:$0x2B0];
	vm0 =	vlt.s32 v1, $0x13  }
0x6b: {  	v12 =	vld [tilespmem:$0x1C0];
	vm14 =	vlt.s32 v4, $0x13;
	v1 =	vnsel vm0, $0x13, v1  }
0x6c: {  	v13 =	vld [tilespmem:$0x240];
	vm1 =	vlt.s32 v2, $0x13;
	v4 =	vnsel vm14, $0x13, v4;
	v1 =	vmul.u32 $0x14, v1  }
0x6d: {  	v14 =	vld [tilespmem:$0x2C0];
	vm15 =	vlt.s32 v5, $0x13;
	[tilespmem:$0x380] =	vst v0;
	v2 =	vnsel vm1, $0x13, v2;
	v4 =	vmul.u32 $0x14, v4  }
0x6e: {  	vm4 =	vlt.s32 v7, $0x13;
	[tilespmem:$0x3A0] =	vst v6;
	v0 =	vadd.s32 v2, v1;
	v1 =	vnsel vm15, $0x13, v5;
	v2 =	vld [tilespmem:$0x250]  }
0x6f: {  	vm5 =	vlt.s32 v10, $0x13;
	v6 =	vld [tilespmem:$0x2E0];
	[tilespmem:$0x480] =	vst v0;
	v0 =	vadd.s32 v1, v4;
	v1 =	vnsel vm4, $0x13, v7  }
0x70: {  	[tilespmem:$0x390] =	vst v3;
	vm6 =	vlt.s32 v8, $0x13;
	v3 =	vnsel vm5, $0x13, v10;
	v5 =	vld [tilespmem:$0x2D0];
	v1 =	vmul.u32 $0x14, v1  }
0x71: {  	vm7 =	vlt.s32 v11, $0x13;
	v3 =	vmul.u32 $0x14, v3;
	v7 =	vld [tilespmem:$0x260];
	[tilespmem:$0x490] =	vst v0;
	v0 =	vnsel vm6, $0x13, v8  }
0x72: {  	vm8 =	vlt.s32 v13, $0x13;
	v4 =	vld [tilespmem:$0x1D0];
	v0 =	vadd.s32 v0, v1;
	v1 =	vnsel vm7, $0x13, v11  }
0x73: {  	[tilespmem:$0x4A0] =	vst v0;
	v0 =	vadd.s32 v1, v3;
	v1 =	vnsel vm8, $0x13, v13;
	vm9 =	vlt.s32 v2, $0x13;
	v3 =	vld [tilespmem:$0x270]  }
0x74: {  	[tilespmem:$0x3B0] =	vst v9;
	vm10 =	vlt.s32 v14, $0x13;
	v9 =	vld [tilespmem:$0x2F0];
	v1 =	vmul.u32 $0x14, v1;
	v2 =	vnsel vm9, $0x13, v2  }
0x75: {  	v8 =	vld [tilespmem:$0x1E0];
	vm11 =	vlt.s32 v5, $0x13;
	[tilespmem:$0x4B0] =	vst v0;
	v0 =	vnsel vm10, $0x13, v14;
	v2 =	vmul.u32 $0x14, v2  }
0x76: {  	[tilespmem:$0x3C0] =	vst v12;
	vm12 =	vlt.s32 v7, $0x13;
	v0 =	vadd.s32 v0, v1;
	v1 =	vnsel vm11, $0x13, v5  }
0x77: {  	[tilespmem:$0x4C0] =	vst v0;
	v0 =	vadd.s32 v1, v2;
	v1 =	vnsel vm12, $0x13, v7;
	v2 =	vld [tilespmem:$0x1F0]  }
0x78: {  	vm13 =	vlt.s32 v6, $0x13;
	[tilespmem:$0x3D0] =	vst v4;
	v1 =	vmul.u32 $0x14, v1;
	vm14 =	vlt.s32 v3, $0x13  }
0x79: {  	v4 =	vnsel vm13, $0x13, v6;
	[tilespmem:$0x4D0] =	vst v0;
	v0 =	vnsel vm14, $0x13, v3  }
0x7a: {  	vm15 =	vlt.s32 v9, $0x13;
	[tilespmem:$0x3E0] =	vst v8;
	v1 =	vadd.s32 v4, v1;
	v0 =	vmul.u32 $0x14, v0  }
0x7b: {  	[tilespmem:$0x4E0] =	vst v1;
	v1 =	vnsel vm15, $0x13, v9  }
0x7c: {  	[tilespmem:$0x3F0] =	vst v2;
	v0 =	vadd.s32 v1, v0  }
0x7d: {  	s24 =	simm.s32 $0x2500;
	[tilespmem:$0x4F0] =	vst v0  }
0x7e: {  	[tilespmem:s24], [sflag:$0x4] =	stream.indirect.gather [hbm4b:s8+s18], $0x40, s31, s18, $0xb8;
	[tilespmem:$0x1C500] =	vst v63  }
0x7f: {  	s17 =	simm.s32 $0x6500  }
0x80: {  	[tilespmem:s17], [sflag:$0x4] =	stream.indirect.gather [hbm4b:s9+s18], $0x40, s31, s18, $0xb8;
	[tilespmem:$0x1C500] =	vst v63  }
0x81: {  	s20 =	simm.s32 $0xA500  }
0x82: {  	[tilespmem:s20], [sflag:$0x4] =	stream.indirect.gather [hbm4b:s11+s18], $0x40, s31, s18, $0xb8;
	[tilespmem:$0x1C500] =	vst v63  }
0x83: {  	s23 =	simm.s32 $0x480;
	s10 =	simm.s32 $0x0;
	s24 =	simm.s32 $0xE500  }
0x84: {  	[tilespmem:s24], [sflag:$0x4] =	stream.indirect.gather [hbm4b:s2+s18], $0x40, s23, s18, $0xb8;
	[tilespmem:$0x1C500] =	vst v63  }
0x85: {  	v0 =	vld [tilespmem:s10+$0x8530]  }
0x86: {  	v1 =	vld [tilespmem:s10+$0x4500]  }
0x87: {  	v2 =	vld [tilespmem:s10+$0x4520]  }
0x88: {  	v3 =	vld [tilespmem:s10+$0x500]  }
0x89: {  	v4 =	vld [tilespmem:s10+$0x510]  }
0x8a: {  	v5 =	vld [tilespmem:s10+$0x530]  }
0x8b: {  	v6 =	vld [tilespmem:s10+$0xC530]  }
0x8c: {  	v7 =	vld [tilespmem:s10+$0xC500]  }
0x8d: {  	v8 =	vld [tilespmem:s10+$0xC520]  }
0x8e: {  	v9 =	vld [tilespmem:s10+$0xC510]  }
0x8f: {  	v11 =	vld [tilespmem:s10+$0x520]  }
0x90: {  	v10 =	vld [tilespmem:s10+$0x4510]  }
0x91: {  	v12 =	vld [tilespmem:s10+$0x4530]  }
0x92: {  	v13 =	vld [tilespmem:s10+$0x8500];
	v0 =	vadd.f32 v0, v6  }
0x93: {  	v14 =	vld [tilespmem:s10+$0x8510];
	v5 =	vadd.f32 v5, v6  }
0x94: {  	s17 =	simm.s32 $0x40;
	v11 =	vadd.f32 v11, v8;
	[tilespmem:s10+$0x18530] =	vst v0;
	v0 =	vld [tilespmem:s10+$0x8520]  }
0x95: {  	v5 =	vadd.f32 v5, v5;
	v15 =	vld [tilespmem:s17+$0x8530]  }
0x96: {  	v11 =	vadd.f32 v11, v11;
	v16 =	vld [tilespmem:s17+$0x4500]  }
0x97: {  	v4 =	vadd.f32 v4, v9;
	v17 =	vld [tilespmem:s17+$0x4520];
	v5 =	vmul.f32 $1.442695020e+00, v5  }
0x98: {  	v10 =	vadd.f32 v10, v9;
	v18 =	vld [tilespmem:s17+$0x500];
	v11 =	vmul.f32 $1.442695020e+00, v11  }
0x99: {  	v3 =	vadd.f32 v3, v7;
	v4 =	vadd.f32 v4, v4;
	v19 =	vld [tilespmem:s17+$0x510];
	(erf) = vpow2.f32 v5  }
0x9a: {  	v6 =	vadd.f32 v12, v6;
	v10 =	vadd.f32 v10, v10;
	v20 =	vld [tilespmem:s17+$0x530];
	(erf) = vpow2.f32 v11  }
0x9b: {  	v3 =	vadd.f32 v3, v3;
	v12 =	vld [tilespmem:s17+$0xC520];
	v4 =	vmul.f32 $1.442695020e+00, v4  }
0x9c: {  	v1 =	vadd.f32 v1, v7;
	v6 =	vadd.f32 v6, v6;
	v21 =	vld [tilespmem:s17+$0xC510];
	v10 =	vmul.f32 $1.442695020e+00, v10  }
0x9d: {  	v2 =	vadd.f32 v2, v8;
	v3 =	vmul.f32 $1.442695020e+00, v3;
	v5 =	vld [tilespmem:s17+$0xC530];
	(erf) = vpow2.f32 v4  }
0x9e: {  	v7 =	vadd.f32 v13, v7;
	v6 =	vmul.f32 $1.442695020e+00, v6;
	v11 =	vld [tilespmem:s17+$0xC500];
	(erf) = vpow2.f32 v10  }
0x9f: {  	v1 =	vadd.f32 v1, v1;
	v0 =	vadd.f32 v0, v8;
	v8 =	vld [tilespmem:s17+$0x520];
	(erf) = vpow2.f32 v3  }
0xa0: {  	v2 =	vadd.f32 v2, v2;
	v4 =	vld [tilespmem:s17+$0x4510];
	[tilespmem:s10+$0x18500] =	vst v7;
	(erf) = vpow2.f32 v6  }
0xa1: {  	[tilespmem:s10+$0x18520] =	vst v0;
	v0 =	vmul.f32 $1.442695020e+00, v1;
	v3 =	vadd.f32 v14, v9  }
0xa2: {  	v2 =	vmul.f32 $1.442695020e+00, v2;
	v14 =	vadd.f32 v19, v21;
	v1 =	vadd.f32 v15, v5;
	v6 =	vld [tilespmem:s17+$0x4530];
	v7 =	vpop (erf)  }
0xa3: {  	v10 =	vadd.f32 v20, v5;
	v9 =	vadd.f32 v16, v11;
	[tilespmem:s10+$0x18510] =	vst v3;
	(erf) = vpow2.f32 v0;
	v13 =	vpop (erf)  }
0xa4: {  	[tilespmem:s17+$0x18530] =	vst v1;
	v1 =	vadd.f32 v8, v12;
	v8 =	vld [tilespmem:s17+$0x8520];
	v0 =	vadd.f32 $1.000000000e+00, v13  }
0xa5: {  	s20 =	simm.s32 $0x80;
	(erf) = vpow2.f32 v2;
	v10 =	vadd.f32 v10, v10;
	v16 =	vld [tilespmem:s17+$0x8510];
	v2 =	vadd.f32 $1.000000000e+00, v7  }
0xa6: {  	v3 =	vadd.f32 v18, v11;
	v19 =	vld [tilespmem:s20+$0x4520];
	v1 =	vadd.f32 v1, v1;
	v15 =	vpop (erf);
	(erf) = vrcp.f32 v0  }
0xa7: {  	v22 =	vld [tilespmem:s20+$0xC530];
	v0 =	vadd.f32 v6, v5;
	v5 =	vpop (erf);
	(erf) = vrcp.f32 v2;
	v2 =	vmul.f32 $1.442695020e+00, v10  }
0xa8: {  	v3 =	vadd.f32 v3, v3;
	v24 =	vld [tilespmem:s20+$0x510];
	v1 =	vmul.f32 $1.442695020e+00, v1;
	v10 =	vadd.f32 v14, v14;
	v14 =	vpop (erf)  }
0xa9: {  	v7 =	vld [tilespmem:s17+$0x8500];
	v13 =	vadd.f32 v17, v12;
	v18 =	vpop (erf);
	v0 =	vadd.f32 v0, v0;
	(erf) = vpow2.f32 v2  }
0xaa: {  	v17 =	vld [tilespmem:s20+$0x4500];
	v2 =	vadd.f32 $1.000000000e+00, v18;
	(erf) = vpow2.f32 v1;
	v1 =	vadd.f32 v9, v9  }
0xab: {  	v8 =	vadd.f32 v8, v12;
	v12 =	vld [tilespmem:s20+$0x520];
	v20 =	vadd.f32 $1.000000000e+00, v14  }
0xac: {  	v6 =	vld [tilespmem:s20+$0x8530];
	v14 =	vpop (erf);
	v9 =	vmul.f32 $1.442695020e+00, v0;
	v0 =	vadd.f32 v4, v21;
	(erf) = vrcp.f32 v2  }
0xad: {  	v3 =	vmul.f32 $1.442695020e+00, v3;
	v15 =	vadd.f32 $1.000000000e+00, v15;
	v10 =	vmul.f32 $1.442695020e+00, v10;
	v4 =	vld [tilespmem:s20+$0x530]  }
0xae: {  	v16 =	vadd.f32 v16, v21;
	v23 =	vmul.f32 $1.442695020e+00, v1;
	v2 =	vadd.f32 v0, v0;
	v0 =	vld [tilespmem:s20+$0xC500];
	v1 =	vpop (erf)  }
0xaf: {  	v5 =	vadd.f32 $1.000000000e+00, v5;
	(erf) = vpow2.f32 v10;
	v25 =	vadd.f32 $1.000000000e+00, v1;
	v1 =	vld [tilespmem:s20+$0xC510]  }
0xb0: {  	v11 =	vadd.f32 v7, v11;
	v18 =	vld [tilespmem:s20+$0x500];
	v10 =	vmul.f32 $1.442695020e+00, v2;
	(erf) = vrcp.f32 v15  }
0xb1: {  	v13 =	vadd.f32 v13, v13;
	v6 =	vadd.f32 v6, v22;
	v2 =	vld [tilespmem:s20+$0xC520];
	v26 =	vpop (erf);
	(erf) = vrcp.f32 v5  }
0xb2: {  	v5 =	vld [tilespmem:s20+$0x4510];
	v28 =	vadd.f32 v4, v22;
	[tilespmem:s17+$0x18500] =	vst v11;
	v11 =	vadd.f32 $1.000000000e+00, v14;
	v15 =	vpop (erf);
	(erf) = vpow2.f32 v10  }
0xb3: {  	v21 =	vadd.f32 v15, v15;
	v7 =	vadd.f32 v17, v0;
	v27 =	vpop (erf);
	(erf) = vpow2.f32 v3  }
0xb4: {  	[tilespmem:s17+$0x18520] =	vst v8;
	v3 =	vmul.f32 $1.442695020e+00, v13;
	v4 =	vpop (erf);
	(erf) = vpow2.f32 v9;
	v13 =	vadd.f32 v24, v1  }
0xb5: {  	v17 =	vld [tilespmem:s20+$0x4530];
	v8 =	vadd.f32 $1.000000000e+00, v4;
	(erf) = vrcp.f32 v25;
	v4 =	vadd.f32 v26, v26;
	v14 =	vpop (erf)  }
0xb6: {  	(erf) = vrcp.f32 v11;
	v11 =	vadd.f32 v12, v2;
	v12 =	vadd.f32 v14, v14  }
0xb7: {  	(erf) = vpow2.f32 v23;
	v14 =	vadd.f32 v13, v13;
	v13 =	vsub.f32 $1.000000000e+00, v4  }
0xb8: {  	v10 =	vadd.f32 v18, v0;
	[tilespmem:s17+$0x18510] =	vst v16;
	v15 =	vpop (erf);
	(erf) = vrcp.f32 v20;
	v16 =	vadd.f32 v11, v11  }
0xb9: {  	[tilespmem:s20+$0x18530] =	vst v6;
	v9 =	vadd.f32 v19, v2;
	v19 =	vadd.f32 $1.000000000e+00, v27;
	v4 =	vpop (erf);
	(erf) = vpow2.f32 v3  }
0xba: {  	v18 =	vadd.f32 v17, v22;
	v11 =	vsub.f32 $1.000000000e+00, v12;
	[tilespmem:s10+$0x10520] =	vst v13;
	v12 =	vpop (erf)  }
0xbb: {  	v20 =	vadd.f32 v28, v28;
	v4 =	vadd.f32 v4, v4;
	v3 =	vld [tilespmem:s20+$0x8520];
	(erf) = vrcp.f32 v8;
	v13 =	vpop (erf)  }
0xbc: {  	s23 =	simm.s32 $0x300;
	v8 =	vsub.f32 $1.000000000e+00, v21;
	v6 =	vld [tilespmem:s20+$0x8500];
	v17 =	vmul.f32 $1.442695020e+00, v16;
	v12 =	vadd.f32 v12, v12;
	v16 =	vpop (erf)  }
.LBB2_3:
0xbd: {  	s24 =	sshra.s32 s23, $0x2;
	p1 =	sne.s32 s23, $0x7F00;
	s23 =	sadd.s32 $0x100, s23;
	v10 =	vadd.f32 v10, v10;
	v21 =	vld [tilespmem:s20+$0x8510];
	v15 =	vadd.f32 $1.000000000e+00, v15;
	(erf) = vrcp.f32 v19;
	v19 =	vpop (erf);
	[tilespmem:s10+$0x14530] =	vst v11  }
0xbe: {  	v18 =	vadd.f32 v18, v18;
	v16 =	vadd.f32 $1.000000000e+00, v16;
	v11 =	vld [tilespmem:s24+$0x8530];
	v26 =	vmul.f32 $1.442695020e+00, v20;
	v22 =	vpop (erf)  }
0xbf: {  	v19 =	vadd.f32 $1.000000000e+00, v19;
	v23 =	vld [tilespmem:s24+$0x4500];
	v10 =	vmul.f32 $1.442695020e+00, v10;
	v22 =	vadd.f32 v22, v22;
	v24 =	vpop (erf)  }
0xc0: {  	v30 =	vadd.f32 v7, v7;
	v18 =	vmul.f32 $1.442695020e+00, v18;
	v25 =	vld [tilespmem:s24+$0x4520];
	(erf) = vpow2.f32 v26;
	v20 =	vpop (erf)  }
0xc1: {  	v14 =	vmul.f32 $1.442695020e+00, v14;
	v9 =	vadd.f32 v9, v9;
	v24 =	vadd.f32 v24, v24;
	v26 =	vld [tilespmem:s24+$0x500];
	v27 =	vpop (erf)  }
0xc2: {  	v5 =	vadd.f32 v5, v1;
	v29 =	vmul.f32 $1.442695020e+00, v30;
	v28 =	vld [tilespmem:s24+$0x510];
	(erf) = vpow2.f32 v17;
	v7 =	vpop (erf)  }
0xc3: {  	v30 =	vmul.f32 $1.442695020e+00, v9;
	v17 =	vld [tilespmem:s24+$0x530];
	v9 =	vadd.f32 $1.000000000e+00, v7;
	v7 =	vsub.f32 $1.000000000e+00, v12  }
0xc4: {  	v5 =	vadd.f32 v5, v5;
	v12 =	vld [tilespmem:s24+$0xC530];
	v31 =	vpop (erf);
	(erf) = vrcp.f32 v19;
	v19 =	vadd.f32 v27, v27  }
0xc5: {  	v27 =	vld [tilespmem:s24+$0xC500];
	(erf) = vpow2.f32 v14;
	v14 =	vsub.f32 $1.000000000e+00, v24;
	[tilespmem:s10+$0x14510] =	vst v7;
	v7 =	vsub.f32 $1.000000000e+00, v22  }
0xc6: {  	v33 =	vadd.f32 $1.000000000e+00, v13;
	v24 =	vmul.f32 $1.442695020e+00, v5;
	v22 =	vld [tilespmem:s24+$0xC520];
	v32 =	vpop (erf);
	v19 =	vsub.f32 $1.000000000e+00, v19;
	[tilespmem:s10+$0x10530] =	vst v8  }
0xc7: {  	v4 =	vsub.f32 $1.000000000e+00, v4;
	v8 =	vadd.f32 v21, v1;
	v1 =	vld [tilespmem:s24+$0xC510];
	(erf) = vrcp.f32 v15;
	[tilespmem:s10+$0x14520] =	vst v7  }
0xc8: {  	v2 =	vadd.f32 v3, v2;
	v6 =	vadd.f32 v6, v0;
	v5 =	vld [tilespmem:s24+$0x4510];
	(erf) = vrcp.f32 v33;
	[tilespmem:s10+$0x10500] =	vst v19  }
0xc9: {  	v21 =	vadd.f32 v32, v32;
	v3 =	vld [tilespmem:s24+$0x520];
	v11 =	vadd.f32 v11, v12;
	(erf) = vpow2.f32 v24;
	v13 =	vpop (erf);
	[tilespmem:s10+$0x10510] =	vst v4  }
0xca: {  	v7 =	vadd.f32 v23, v27;
	v23 =	vadd.f32 v17, v12;
	(erf) = vpow2.f32 v10;
	[tilespmem:s10+$0x14500] =	vst v14;
	v0 =	vmovc v27;
	s10 =	smov.u32 s17;
	s17 =	smov.u32 s20;
	s20 =	smov.u32 s24  }
0xcb: {  	v20 =	vadd.f32 $1.000000000e+00, v20;
	v10 =	vadd.f32 v26, v0;
	[tilespmem:s17+$0x18500] =	vst v6;
	v4 =	vpop (erf);
	(erf) = vpow2.f32 v18  }
0xcc: {  	v14 =	vadd.f32 v28, v1;
	[tilespmem:s17+$0x18520] =	vst v2;
	v17 =	vadd.f32 $1.000000000e+00, v4;
	(erf) = vrcp.f32 v9;
	v2 =	vmovc v22  }
0xcd: {  	v4 =	vadd.f32 v31, v31;
	v9 =	vadd.f32 v25, v2;
	v18 =	vld [tilespmem:s20+$0x4530];
	[tilespmem:s17+$0x18510] =	vst v8;
	(erf) = vrcp.f32 v20;
	v6 =	vpop (erf)  }
0xce: {  	v19 =	vadd.f32 v3, v2;
	[tilespmem:s20+$0x18530] =	vst v11;
	(erf) = vpow2.f32 v29;
	v15 =	vpop (erf);
	v6 =	vadd.f32 v6, v6  }
.Ltmp0:
0xcf: {  	v14 =	vadd.f32 v14, v14;
	v8 =	vsub.f32 $1.000000000e+00, v4;
	(erf) = vrcp.f32 v16;
	(pc) =	sbr.rel @p1 .LBB2_3-.Ltmp0, $4  }
0xd0: {  	v24 =	vadd.f32 v19, v19;
	(erf) = vpow2.f32 v30;
	v11 =	vsub.f32 $1.000000000e+00, v6;
	v3 =	vpop (erf)  }
0xd1: {  	v19 =	vadd.f32 $1.000000000e+00, v13;
	v4 =	vadd.f32 v3, v3;
	[tilespmem:s10+$0x10520] =	vst v8;
	v22 =	vpop (erf)  }
0xd2: {  	v8 =	vsub.f32 $1.000000000e+00, v21;
	v3 =	vld [tilespmem:s20+$0x8520];
	v18 =	vadd.f32 v18, v12;
	v13 =	vpop (erf);
	(erf) = vrcp.f32 v17  }
0xd3: {  	v20 =	vadd.f32 v23, v23;
	v17 =	vmul.f32 $1.442695020e+00, v24;
	v12 =	vadd.f32 v22, v22;
	v6 =	vld [tilespmem:s20+$0x8500];
	v16 =	vpop (erf)  }
0xd4: {  	_ = 	snop  }
0xd5: {  	v20 =	vmul.f32 $1.442695020e+00, v20  }
0xd6: {  	(erf) = vrcp.f32 v19;
	v46 =	vpop (erf)  }
0xd7: {  	v5 =	vadd.f32 v5, v1;
	v19 =	vadd.f32 $1.000000000e+00, v46;
	(erf) = vpow2.f32 v20  }
0xd8: {  	v14 =	vmul.f32 $1.442695020e+00, v14;
	(erf) = vpow2.f32 v17  }
0xd9: {  	v15 =	vadd.f32 $1.000000000e+00, v15;
	v47 =	vpop (erf);
	v5 =	vadd.f32 v5, v5;
	(erf) = vrcp.f32 v19  }
0xda: {  	v10 =	vadd.f32 v10, v10;
	v13 =	vadd.f32 $1.000000000e+00, v13;
	v48 =	vpop (erf);
	(erf) = vpow2.f32 v14  }
0xdb: {  	v49 =	vadd.f32 v18, v18;
	v50 =	vpop (erf);
	v5 =	vmul.f32 $1.442695020e+00, v5;
	(erf) = vrcp.f32 v15  }
0xdc: {  	v10 =	vmul.f32 $1.442695020e+00, v10;
	v51 =	vpop (erf);
	(erf) = vrcp.f32 v13  }
0xdd: {  	v52 =	vmul.f32 $1.442695020e+00, v49;
	v53 =	vpop (erf);
	(erf) = vpow2.f32 v5  }
0xde: {  	v54 =	vadd.f32 v7, v7;
	v55 =	vadd.f32 $1.000000000e+00, v53;
	v56 =	vpop (erf);
	(erf) = vpow2.f32 v10  }
0xdf: {  	v58 =	vadd.f32 $1.000000000e+00, v50;
	v57 =	vpop (erf);
	(erf) = vpow2.f32 v52  }
0xe0: {  	v9 =	vadd.f32 v9, v9;
	v5 =	vmul.f32 $1.442695020e+00, v54;
	v59 =	vpop (erf);
	(erf) = vrcp.f32 v55  }
0xe1: {  	v60 =	vadd.f32 $1.000000000e+00, v16;
	v61 =	vpop (erf);
	(erf) = vrcp.f32 v58  }
0xe2: {  	v26 =	vld [tilespmem:s20+$0x8510];
	v9 =	vmul.f32 $1.442695020e+00, v9;
	v62 =	vpop (erf);
	(erf) = vpow2.f32 v5  }
0xe3: {  	v63 =	vpop (erf);
	(erf) = vrcp.f32 v60  }
0xe4: {  	v4 =	vsub.f32 $1.000000000e+00, v4;
	(erf) = vpow2.f32 v9;
	v24 =	vpop (erf)  }
0xe5: {  	v12 =	vsub.f32 $1.000000000e+00, v12;
	v2 =	vadd.f32 v3, v2;
	v25 =	vpop (erf)  }
0xe6: {  	v17 =	vadd.f32 v47, v47;
	v0 =	vadd.f32 v6, v0;
	v21 =	vpop (erf)  }
0xe7: {  	[tilespmem:s10+$0x14530] =	vst v11;
	v19 =	vadd.f32 v48, v48;
	v32 =	vadd.f32 v26, v1;
	v22 =	vpop (erf)  }
0xe8: {  	[tilespmem:s10+$0x10530] =	vst v8;
	v27 =	vsub.f32 $1.000000000e+00, v17;
	v15 =	vadd.f32 v51, v51;
	v23 =	vpop (erf)  }
0xe9: {  	[tilespmem:s10+$0x10510] =	vst v4;
	v19 =	vsub.f32 $1.000000000e+00, v19;
	v16 =	vadd.f32 $1.000000000e+00, v61;
	v28 =	vpop (erf)  }
0xea: {  	[tilespmem:s10+$0x14510] =	vst v12;
	v39 =	vadd.f32 v56, v56;
	v30 =	vadd.f32 $1.000000000e+00, v59;
	v31 =	vpop (erf)  }
0xeb: {  	[tilespmem:s10+$0x14520] =	vst v27;
	v29 =	vsub.f32 $1.000000000e+00, v15;
	(erf) = vrcp.f32 v16;
	v33 =	vadd.f32 $1.000000000e+00, v23;
	v34 =	vpop (erf)  }
0xec: {  	[tilespmem:s10+$0x14500] =	vst v19;
	v45 =	vadd.f32 v57, v57;
	v5 =	vadd.f32 $1.000000000e+00, v63;
	(erf) = vrcp.f32 v30;
	v35 =	vpop (erf)  }
0xed: {  	v43 =	vsub.f32 $1.000000000e+00, v39;
	[tilespmem:s10+$0x10500] =	vst v29;
	v37 =	vadd.f32 $1.000000000e+00, v21;
	(erf) = vrcp.f32 v33;
	v36 =	vpop (erf)  }
0xee: {  	[tilespmem:s20+$0x18500] =	vst v0;
	v48 =	vsub.f32 $1.000000000e+00, v45;
	(erf) = vrcp.f32 v5;
	v38 =	vadd.f32 $1.000000000e+00, v36  }
0xef: {  	[tilespmem:s20+$0x18520] =	vst v2;
	v41 =	vadd.f32 v62, v62;
	v40 =	vadd.f32 $1.000000000e+00, v34;
	(erf) = vrcp.f32 v37  }
0xf0: {  	[tilespmem:s20+$0x18510] =	vst v32;
	v44 =	vadd.f32 v25, v25;
	v42 =	vadd.f32 $1.000000000e+00, v22;
	(erf) = vrcp.f32 v38  }
0xf1: {  	[tilespmem:s17+$0x10520] =	vst v43;
	v0 =	vsub.f32 $1.000000000e+00, v41;
	v46 =	vadd.f32 v28, v28;
	(erf) = vrcp.f32 v40  }
0xf2: {  	[tilespmem:s17+$0x10530] =	vst v48;
	v51 =	vadd.f32 v24, v24;
	v47 =	vsub.f32 $1.000000000e+00, v44;
	(erf) = vrcp.f32 v42  }
0xf3: {  	[tilespmem:s17+$0x14530] =	vst v0;
	v53 =	vadd.f32 v31, v31;
	v1 =	vsub.f32 $1.000000000e+00, v46  }
0xf4: {  	[tilespmem:s17+$0x14510] =	vst v47;
	v50 =	vadd.f32 v35, v35;
	v5 =	vsub.f32 $1.000000000e+00, v51;
	v49 =	vpop (erf)  }
0xf5: {  	v6 =	vsub.f32 $1.000000000e+00, v53;
	[tilespmem:s17+$0x14520] =	vst v1;
	v0 =	vadd.f32 v49, v49;
	v52 =	vpop (erf)  }
0xf6: {  	v4 =	vsub.f32 $1.000000000e+00, v50;
	[tilespmem:s17+$0x10510] =	vst v5;
	v54 =	vpop (erf);
	v2 =	vadd.f32 v52, v52  }
0xf7: {  	[tilespmem:s17+$0x14500] =	vst v6;
	v0 =	vsub.f32 $1.000000000e+00, v0;
	v55 =	vpop (erf);
	v3 =	vadd.f32 v54, v54  }
0xf8: {  	[tilespmem:s17+$0x10500] =	vst v4;
	v56 =	vpop (erf);
	v2 =	vsub.f32 $1.000000000e+00, v2;
	v1 =	vadd.f32 v55, v55  }
0xf9: {  	[tilespmem:s20+$0x10520] =	vst v0;
	v4 =	vadd.f32 v56, v56;
	v3 =	vsub.f32 $1.000000000e+00, v3;
	v57 =	vpop (erf)  }
0xfa: {  	[tilespmem:s20+$0x10530] =	vst v2;
	v1 =	vsub.f32 $1.000000000e+00, v1;
	v58 =	vpop (erf);
	v59 =	vadd.f32 v57, v57  }
0xfb: {  	v4 =	vsub.f32 $1.000000000e+00, v4;
	[tilespmem:s20+$0x14530] =	vst v3;
	v60 =	vpop (erf);
	v62 =	vadd.f32 v58, v58  }
0xfc: {  	[tilespmem:s20+$0x10510] =	vst v1;
	v61 =	vadd.f32 v60, v60;
	v0 =	vsub.f32 $1.000000000e+00, v59  }
0xfd: {  	s17 =	sshll.u32 s1, $0xE;
	[tilespmem:s20+$0x14510] =	vst v4;
	v63 =	vsub.f32 $1.000000000e+00, v62  }
0xfe: {  	s10 =	sadd.s32 s14, s17;
	v3 =	vsub.f32 $1.000000000e+00, v61;
	[tilespmem:s20+$0x14520] =	vst v0  }
0xff: {  	s10 =	sshrl.u32 s10, $0x3;
	[tilespmem:s20+$0x14500] =	vst v63  }
0x100: {  	s24 =	simm.s32 $0x10500;
	s23 =	sadd.s32 s3, s10;
	[tilespmem:s20+$0x10500] =	vst v3  }
0x101: {  	[hbm4b:s23+s7] =	stream.linear.scatter [tilespmem:s24], [sflag:$0x5], $0x2000, $0x38;
	[tilespmem:$0x1C500] =	vst v63  }
0x102: {  	s20 =	sadd.s32 s5, s10;
	s23 =	simm.s32 $0x14500  }
0x103: {  	[hbm4b:s20+s7] =	stream.linear.scatter [tilespmem:s23], [sflag:$0x5], $0x2000, $0x38;
	[tilespmem:$0x1C500] =	vst v63  }
0x104: {  	s10 =	sadd.s32 s6, s10;
	s24 =	simm.s32 $0x18500  }
0x105: {  	[hbm4b:s10+s7] =	stream.linear.scatter [tilespmem:s24], [sflag:$0x5], $0x2000, $0x38;
	[tilespmem:$0x1C500] =	vst v63  }
0x106: {  	_ =	swait.ge [sflag:s25], $0x2000  }
0x107: {  	[sflag:s25] =	ssyncset.done $0x0  }
0x108: {  	[sflag:s25] =	ssyncadd.s32 $0xFFFFE000  }
0x109: {  	_ =	swait.ge [sflag:s25], $0x2000  }
0x10a: {  	[sflag:s25] =	ssyncset.done $0x0  }
0x10b: {  	[sflag:s25] =	ssyncadd.s32 $0xFFFFE000  }
0x10c: {  	_ =	swait.ge [sflag:s25], $0x2000  }
.Ltmp1:
0x10d: {  	[sflag:s25] =	ssyncset.done $0x0;
	(pc) =	sbr.rel @!p0 .LBB2_5-.Ltmp1, $4  }
0x10e: {  	[sflag:s25] =	ssyncadd.s32 $0xFFFFE000  }
0x10f: {  	_ =	swait.ge [sflag:s25], $0x2000  }
0x110: {  	[sflag:s25] =	ssyncset.done $0x0  }
0x111: {  	[sflag:s25] =	ssyncadd.s32 $0xFFFFE000  }
0x112: {  	_ =	swait.ge [sflag:s26], $0x2000  }
0x113: {  	[sflag:s26] =	ssyncset.done $0x0  }
0x114: {  	[sflag:s26] =	ssyncadd.s32 $0xFFFFE000  }
0x115: {  	_ =	swait.ge [sflag:s26], $0x2000  }
.Ltmp2:
0x116: {  	[sflag:s26] =	ssyncset.done $0x0;
	(pc) =	sbr.rel .LBB2_7-.Ltmp2, $4  }
0x117: {  	[sflag:s26] =	ssyncadd.s32 $0xFFFFE000  }
0x118: {  	_ =	swait.ge [sflag:s26], $0x2000  }
0x119: {  	[sflag:s26] =	ssyncset.done $0x0  }
0x11a: {  	[sflag:s26] =	ssyncadd.s32 $0xFFFFE000  }
.LBB2_5:
0x11b: {  	s10 =	rddreg [dreg:$0x9]  }
0x11c: {  	s10 =	sadd.s32 s12, s10  }
0x11d: {  	s10 =	sshrl.u32 s10, $0x3  }
0x11e: {  	s17 =	simm.s32 $0x32000;
	s20 =	simm.s32 $0x180;
	s10 =	sadd.s32 s0, s10  }
0x11f: {  	[tilespmem:s20], [sflag:$0x2] =	stream.strided.gather [hbm4b:s10+s18], $0x180, s17, s18, $0x38;
	[tilespmem:$0x1C500] =	vst v63  }
0x120: {  	_ =	swait.ge [sflag:s26], $0x2000  }
0x121: {  	[sflag:s26] =	ssyncset.done $0x0  }
0x122: {  	[sflag:s26] =	ssyncadd.s32 $0xFFFFE000  }
0x123: {  	_ =	swait.ge [sflag:s26], $0x2000  }
0x124: {  	[sflag:s26] =	ssyncset.done $0x0  }
0x125: {  	[sflag:s26] =	ssyncadd.s32 $0xFFFFE000  }
0x126: {  	_ =	swait.ge [sflag:s26], $0x2000  }
0x127: {  	[sflag:s26] =	ssyncset.done $0x0  }
0x128: {  	[sflag:s26] =	ssyncadd.s32 $0xFFFFE000  }
0x129: {  	_ =	swait.ge [sflag:s21], $0x180  }
0x12a: {  	[sflag:s21] =	ssyncset.done $0x0  }
0x12b: {  	[sflag:s21] =	ssyncadd.s32 $0xFFFFFE80  }
0x12c: {  	v0 =	vld [tilespmem:$0x0]  }
0x12d: {  	v1 =	vld [tilespmem:$0x80]  }
0x12e: {  	v2 =	vld [tilespmem:$0x100]  }
0x12f: {  	v3 =	vld [tilespmem:$0x10]  }
0x130: {  	v4 =	vld [tilespmem:$0x90]  }
0x131: {  	v5 =	vld [tilespmem:$0x110]  }
0x132: {  	v6 =	vld [tilespmem:$0x20]  }
0x133: {  	v7 =	vld [tilespmem:$0xA0]  }
0x134: {  	v8 =	vld [tilespmem:$0x120]  }
0x135: {  	v10 =	vld [tilespmem:$0xB0]  }
0x136: {  	v11 =	vld [tilespmem:$0x130]  }
0x137: {  	v13 =	vld [tilespmem:$0xC0]  }
0x138: {  	v14 =	vld [tilespmem:$0x140]  }
0x139: {  	v41 =	vld [tilespmem:$0xD0]  }
0x13a: {  	v46 =	vld [tilespmem:$0x150]  }
0x13b: {  	v48 =	vld [tilespmem:$0xE0]  }
0x13c: {  	v50 =	vld [tilespmem:$0x160]  }
0x13d: {  	v9 =	vld [tilespmem:$0x30];
	vm0 =	vlt.s32 v1, $0x13;
	vm14 =	vlt.s32 v4, $0x13;
	vm1 =	vlt.s32 v2, $0x13  }
0x13e: {  	v12 =	vld [tilespmem:$0x40];
	vm15 =	vlt.s32 v5, $0x13;
	vm4 =	vlt.s32 v7, $0x13;
	vm5 =	vlt.s32 v10, $0x13  }
0x13f: {  	v44 =	vld [tilespmem:$0x50];
	[tilespmem:$0x300] =	vst v0;
	vm6 =	vlt.s32 v8, $0x13;
	vm7 =	vlt.s32 v11, $0x13;
	vm8 =	vlt.s32 v13, $0x13  }
0x140: {  	v54 =	vld [tilespmem:$0x60];
	[tilespmem:$0x310] =	vst v3;
	vm9 =	vlt.s32 v41, $0x13;
	vm10 =	vlt.s32 v14, $0x13;
	vm11 =	vlt.s32 v46, $0x13  }
0x141: {  	v60 =	vld [tilespmem:$0x70];
	[tilespmem:$0x320] =	vst v6;
	vm12 =	vlt.s32 v48, $0x13;
	vm13 =	vlt.s32 v50, $0x13;
	v1 =	vnsel vm0, $0x13, v1  }
0x142: {  	[tilespmem:$0x330] =	vst v9;
	v4 =	vnsel vm14, $0x13, v4;
	v2 =	vnsel vm1, $0x13, v2;
	v40 =	vnsel vm15, $0x13, v5  }
0x143: {  	[tilespmem:$0x340] =	vst v12;
	v43 =	vnsel vm4, $0x13, v7;
	v45 =	vnsel vm5, $0x13, v10;
	v47 =	vnsel vm6, $0x13, v8  }
0x144: {  	v53 =	vld [tilespmem:$0xF0];
	[tilespmem:$0x350] =	vst v44;
	v49 =	vnsel vm7, $0x13, v11;
	v52 =	vnsel vm8, $0x13, v13;
	v1 =	vmul.u32 $0x14, v1  }
0x145: {  	[tilespmem:$0x360] =	vst v54;
	v55 =	vnsel vm10, $0x13, v14;
	v4 =	vmul.u32 $0x14, v4;
	v3 =	vmul.u32 $0x14, v45  }
0x146: {  	v56 =	vld [tilespmem:$0x170];
	[tilespmem:$0x370] =	vst v60;
	v57 =	vnsel vm11, $0x13, v46;
	v39 =	vadd.s32 v2, v1;
	v1 =	vmul.u32 $0x14, v43  }
0x147: {  	v59 =	vnsel vm12, $0x13, v48;
	v42 =	vadd.s32 v40, v4;
	v51 =	vadd.s32 v49, v3;
	[tilespmem:$0x400] =	vst v39  }
0x148: {  	v2 =	vnsel vm9, $0x13, v41;
	[tilespmem:$0x410] =	vst v42;
	v0 =	vadd.s32 v47, v1;
	v1 =	vmul.u32 $0x14, v52  }
0x149: {  	vm14 =	vlt.s32 v53, $0x13;
	v61 =	vnsel vm13, $0x13, v50;
	[tilespmem:$0x430] =	vst v51;
	v2 =	vmul.u32 $0x14, v2  }
0x14a: {  	v62 =	vnsel vm14, $0x13, v53;
	[tilespmem:$0x420] =	vst v0;
	v0 =	vadd.s32 v55, v1;
	v1 =	vmul.u32 $0x14, v59  }
0x14b: {  	vm15 =	vlt.s32 v56, $0x13;
	v58 =	vadd.s32 v57, v2;
	[tilespmem:$0x440] =	vst v0;
	v0 =	vmul.u32 $0x14, v62  }
0x14c: {  	v63 =	vnsel vm15, $0x13, v56;
	[tilespmem:$0x450] =	vst v58;
	v1 =	vadd.s32 v61, v1  }
0x14d: {  	[tilespmem:$0x460] =	vst v1;
	v0 =	vadd.s32 v63, v0  }
0x14e: {  	s24 =	simm.s32 $0x500;
	[tilespmem:$0x470] =	vst v0  }
0x14f: {  	[tilespmem:s24], [sflag:$0x3] =	stream.indirect.gather [hbm4b:s8+s18], $0x40, s22, s18, $0xb8;
	[tilespmem:$0x1C500] =	vst v63  }
0x150: {  	s17 =	simm.s32 $0x4500  }
0x151: {  	[tilespmem:s17], [sflag:$0x3] =	stream.indirect.gather [hbm4b:s9+s18], $0x40, s22, s18, $0xb8;
	[tilespmem:$0x1C500] =	vst v63  }
0x152: {  	s20 =	simm.s32 $0x8500  }
0x153: {  	[tilespmem:s20], [sflag:$0x3] =	stream.indirect.gather [hbm4b:s11+s18], $0x40, s22, s18, $0xb8;
	[tilespmem:$0x1C500] =	vst v63  }
0x154: {  	s23 =	simm.s32 $0x400;
	s24 =	simm.s32 $0xC500  }
0x155: {  	[tilespmem:s24], [sflag:$0x3] =	stream.indirect.gather [hbm4b:s2+s18], $0x40, s23, s18, $0xb8;
	[tilespmem:$0x1C500] =	vst v63  }
.LBB2_7:
0x156: {  	s10 =	simm.s32 $0x0  }
0x157: {  	v0 =	vld [tilespmem:s10+$0xA530]  }
0x158: {  	v1 =	vld [tilespmem:s10+$0x6500]  }
0x159: {  	v2 =	vld [tilespmem:s10+$0x6520]  }
0x15a: {  	v3 =	vld [tilespmem:s10+$0x2500]  }
0x15b: {  	v4 =	vld [tilespmem:s10+$0x2510]  }
0x15c: {  	v5 =	vld [tilespmem:s10+$0x2530]  }
0x15d: {  	v6 =	vld [tilespmem:s10+$0xE530]  }
0x15e: {  	v7 =	vld [tilespmem:s10+$0xE500]  }
0x15f: {  	v8 =	vld [tilespmem:s10+$0xE520]  }
0x160: {  	v9 =	vld [tilespmem:s10+$0xE510]  }
0x161: {  	v11 =	vld [tilespmem:s10+$0x2520]  }
0x162: {  	v10 =	vld [tilespmem:s10+$0x6510]  }
0x163: {  	v12 =	vld [tilespmem:s10+$0x6530]  }
0x164: {  	v13 =	vld [tilespmem:s10+$0xA500];
	v0 =	vadd.f32 v0, v6  }
0x165: {  	v14 =	vld [tilespmem:s10+$0xA510];
	v5 =	vadd.f32 v5, v6  }
0x166: {  	s17 =	simm.s32 $0x40;
	v11 =	vadd.f32 v11, v8;
	[tilespmem:s10+$0x1A530] =	vst v0;
	v0 =	vld [tilespmem:s10+$0xA520]  }
0x167: {  	v5 =	vadd.f32 v5, v5;
	v15 =	vld [tilespmem:s17+$0xA530]  }
0x168: {  	v11 =	vadd.f32 v11, v11;
	v16 =	vld [tilespmem:s17+$0x6500]  }
0x169: {  	v4 =	vadd.f32 v4, v9;
	v17 =	vld [tilespmem:s17+$0x6520];
	v5 =	vmul.f32 $1.442695020e+00, v5  }
0x16a: {  	v10 =	vadd.f32 v10, v9;
	v18 =	vld [tilespmem:s17+$0x2500];
	v11 =	vmul.f32 $1.442695020e+00, v11  }
0x16b: {  	v3 =	vadd.f32 v3, v7;
	v4 =	vadd.f32 v4, v4;
	v19 =	vld [tilespmem:s17+$0x2510];
	(erf) = vpow2.f32 v5  }
0x16c: {  	v6 =	vadd.f32 v12, v6;
	v10 =	vadd.f32 v10, v10;
	v20 =	vld [tilespmem:s17+$0x2530];
	(erf) = vpow2.f32 v11  }
0x16d: {  	v3 =	vadd.f32 v3, v3;
	v12 =	vld [tilespmem:s17+$0xE520];
	v4 =	vmul.f32 $1.442695020e+00, v4  }
0x16e: {  	v1 =	vadd.f32 v1, v7;
	v6 =	vadd.f32 v6, v6;
	v21 =	vld [tilespmem:s17+$0xE510];
	v10 =	vmul.f32 $1.442695020e+00, v10  }
0x16f: {  	v2 =	vadd.f32 v2, v8;
	v3 =	vmul.f32 $1.442695020e+00, v3;
	v5 =	vld [tilespmem:s17+$0xE530];
	(erf) = vpow2.f32 v4  }
0x170: {  	v7 =	vadd.f32 v13, v7;
	v6 =	vmul.f32 $1.442695020e+00, v6;
	v11 =	vld [tilespmem:s17+$0xE500];
	(erf) = vpow2.f32 v10  }
0x171: {  	v1 =	vadd.f32 v1, v1;
	v0 =	vadd.f32 v0, v8;
	v8 =	vld [tilespmem:s17+$0x2520];
	(erf) = vpow2.f32 v3  }
0x172: {  	v2 =	vadd.f32 v2, v2;
	v4 =	vld [tilespmem:s17+$0x6510];
	[tilespmem:s10+$0x1A500] =	vst v7;
	(erf) = vpow2.f32 v6  }
0x173: {  	[tilespmem:s10+$0x1A520] =	vst v0;
	v0 =	vmul.f32 $1.442695020e+00, v1;
	v3 =	vadd.f32 v14, v9  }
0x174: {  	v2 =	vmul.f32 $1.442695020e+00, v2;
	v14 =	vadd.f32 v19, v21;
	v1 =	vadd.f32 v15, v5;
	v6 =	vld [tilespmem:s17+$0x6530];
	v7 =	vpop (erf)  }
0x175: {  	v10 =	vadd.f32 v20, v5;
	v9 =	vadd.f32 v16, v11;
	[tilespmem:s10+$0x1A510] =	vst v3;
	(erf) = vpow2.f32 v0;
	v13 =	vpop (erf)  }
0x176: {  	[tilespmem:s17+$0x1A530] =	vst v1;
	v1 =	vadd.f32 v8, v12;
	v8 =	vld [tilespmem:s17+$0xA520];
	v0 =	vadd.f32 $1.000000000e+00, v13  }
0x177: {  	s20 =	simm.s32 $0x80;
	(erf) = vpow2.f32 v2;
	v10 =	vadd.f32 v10, v10;
	v16 =	vld [tilespmem:s17+$0xA510];
	v2 =	vadd.f32 $1.000000000e+00, v7  }
0x178: {  	v3 =	vadd.f32 v18, v11;
	v19 =	vld [tilespmem:s20+$0x6520];
	v1 =	vadd.f32 v1, v1;
	v15 =	vpop (erf);
	(erf) = vrcp.f32 v0  }
0x179: {  	v22 =	vld [tilespmem:s20+$0xE530];
	v0 =	vadd.f32 v6, v5;
	v5 =	vpop (erf);
	(erf) = vrcp.f32 v2;
	v2 =	vmul.f32 $1.442695020e+00, v10  }
0x17a: {  	v3 =	vadd.f32 v3, v3;
	v24 =	vld [tilespmem:s20+$0x2510];
	v1 =	vmul.f32 $1.442695020e+00, v1;
	v10 =	vadd.f32 v14, v14;
	v14 =	vpop (erf)  }
0x17b: {  	v7 =	vld [tilespmem:s17+$0xA500];
	v13 =	vadd.f32 v17, v12;
	v18 =	vpop (erf);
	v0 =	vadd.f32 v0, v0;
	(erf) = vpow2.f32 v2  }
0x17c: {  	v17 =	vld [tilespmem:s20+$0x6500];
	v2 =	vadd.f32 $1.000000000e+00, v18;
	(erf) = vpow2.f32 v1;
	v1 =	vadd.f32 v9, v9  }
0x17d: {  	v8 =	vadd.f32 v8, v12;
	v12 =	vld [tilespmem:s20+$0x2520];
	v20 =	vadd.f32 $1.000000000e+00, v14  }
0x17e: {  	v6 =	vld [tilespmem:s20+$0xA530];
	v14 =	vpop (erf);
	v9 =	vmul.f32 $1.442695020e+00, v0;
	v0 =	vadd.f32 v4, v21;
	(erf) = vrcp.f32 v2  }
0x17f: {  	v3 =	vmul.f32 $1.442695020e+00, v3;
	v15 =	vadd.f32 $1.000000000e+00, v15;
	v10 =	vmul.f32 $1.442695020e+00, v10;
	v4 =	vld [tilespmem:s20+$0x2530]  }
0x180: {  	v16 =	vadd.f32 v16, v21;
	v23 =	vmul.f32 $1.442695020e+00, v1;
	v2 =	vadd.f32 v0, v0;
	v0 =	vld [tilespmem:s20+$0xE500];
	v1 =	vpop (erf)  }
0x181: {  	v5 =	vadd.f32 $1.000000000e+00, v5;
	(erf) = vpow2.f32 v10;
	v25 =	vadd.f32 $1.000000000e+00, v1;
	v1 =	vld [tilespmem:s20+$0xE510]  }
0x182: {  	v11 =	vadd.f32 v7, v11;
	v18 =	vld [tilespmem:s20+$0x2500];
	v10 =	vmul.f32 $1.442695020e+00, v2;
	(erf) = vrcp.f32 v15  }
0x183: {  	v13 =	vadd.f32 v13, v13;
	v6 =	vadd.f32 v6, v22;
	v2 =	vld [tilespmem:s20+$0xE520];
	v26 =	vpop (erf);
	(erf) = vrcp.f32 v5  }
0x184: {  	v5 =	vld [tilespmem:s20+$0x6510];
	v28 =	vadd.f32 v4, v22;
	[tilespmem:s17+$0x1A500] =	vst v11;
	v11 =	vadd.f32 $1.000000000e+00, v14;
	v15 =	vpop (erf);
	(erf) = vpow2.f32 v10  }
0x185: {  	v21 =	vadd.f32 v15, v15;
	v7 =	vadd.f32 v17, v0;
	v27 =	vpop (erf);
	(erf) = vpow2.f32 v3  }
0x186: {  	[tilespmem:s17+$0x1A520] =	vst v8;
	v3 =	vmul.f32 $1.442695020e+00, v13;
	v4 =	vpop (erf);
	(erf) = vpow2.f32 v9;
	v13 =	vadd.f32 v24, v1  }
0x187: {  	v17 =	vld [tilespmem:s20+$0x6530];
	v8 =	vadd.f32 $1.000000000e+00, v4;
	(erf) = vrcp.f32 v25;
	v4 =	vadd.f32 v26, v26;
	v14 =	vpop (erf)  }
0x188: {  	(erf) = vrcp.f32 v11;
	v11 =	vadd.f32 v12, v2;
	v12 =	vadd.f32 v14, v14  }
0x189: {  	(erf) = vpow2.f32 v23;
	v14 =	vadd.f32 v13, v13;
	v13 =	vsub.f32 $1.000000000e+00, v4  }
0x18a: {  	v10 =	vadd.f32 v18, v0;
	[tilespmem:s17+$0x1A510] =	vst v16;
	v15 =	vpop (erf);
	(erf) = vrcp.f32 v20;
	v16 =	vadd.f32 v11, v11  }
0x18b: {  	[tilespmem:s20+$0x1A530] =	vst v6;
	v9 =	vadd.f32 v19, v2;
	v19 =	vadd.f32 $1.000000000e+00, v27;
	v4 =	vpop (erf);
	(erf) = vpow2.f32 v3  }
0x18c: {  	v18 =	vadd.f32 v17, v22;
	v11 =	vsub.f32 $1.000000000e+00, v12;
	[tilespmem:s10+$0x12520] =	vst v13;
	v12 =	vpop (erf)  }
0x18d: {  	v20 =	vadd.f32 v28, v28;
	v4 =	vadd.f32 v4, v4;
	v3 =	vld [tilespmem:s20+$0xA520];
	(erf) = vrcp.f32 v8;
	v13 =	vpop (erf)  }
0x18e: {  	s23 =	simm.s32 $0x300;
	v8 =	vsub.f32 $1.000000000e+00, v21;
	v6 =	vld [tilespmem:s20+$0xA500];
	v17 =	vmul.f32 $1.442695020e+00, v16;
	v12 =	vadd.f32 v12, v12;
	v16 =	vpop (erf)  }
.LBB2_8:
0x18f: {  	s24 =	sshra.s32 s23, $0x2;
	p0 =	sne.s32 s23, $0x7F00;
	s23 =	sadd.s32 $0x100, s23;
	v10 =	vadd.f32 v10, v10;
	v21 =	vld [tilespmem:s20+$0xA510];
	v15 =	vadd.f32 $1.000000000e+00, v15;
	(erf) = vrcp.f32 v19;
	v19 =	vpop (erf);
	[tilespmem:s10+$0x16530] =	vst v11  }
0x190: {  	v18 =	vadd.f32 v18, v18;
	v16 =	vadd.f32 $1.000000000e+00, v16;
	v11 =	vld [tilespmem:s24+$0xA530];
	v26 =	vmul.f32 $1.442695020e+00, v20;
	v22 =	vpop (erf)  }
0x191: {  	v19 =	vadd.f32 $1.000000000e+00, v19;
	v23 =	vld [tilespmem:s24+$0x6500];
	v10 =	vmul.f32 $1.442695020e+00, v10;
	v22 =	vadd.f32 v22, v22;
	v24 =	vpop (erf)  }
0x192: {  	v30 =	vadd.f32 v7, v7;
	v18 =	vmul.f32 $1.442695020e+00, v18;
	v25 =	vld [tilespmem:s24+$0x6520];
	(erf) = vpow2.f32 v26;
	v20 =	vpop (erf)  }
0x193: {  	v14 =	vmul.f32 $1.442695020e+00, v14;
	v9 =	vadd.f32 v9, v9;
	v24 =	vadd.f32 v24, v24;
	v26 =	vld [tilespmem:s24+$0x2500];
	v27 =	vpop (erf)  }
0x194: {  	v5 =	vadd.f32 v5, v1;
	v29 =	vmul.f32 $1.442695020e+00, v30;
	v28 =	vld [tilespmem:s24+$0x2510];
	(erf) = vpow2.f32 v17;
	v7 =	vpop (erf)  }
0x195: {  	v30 =	vmul.f32 $1.442695020e+00, v9;
	v17 =	vld [tilespmem:s24+$0x2530];
	v9 =	vadd.f32 $1.000000000e+00, v7;
	v7 =	vsub.f32 $1.000000000e+00, v12  }
0x196: {  	v5 =	vadd.f32 v5, v5;
	v12 =	vld [tilespmem:s24+$0xE530];
	v31 =	vpop (erf);
	(erf) = vrcp.f32 v19;
	v19 =	vadd.f32 v27, v27  }
0x197: {  	v27 =	vld [tilespmem:s24+$0xE500];
	(erf) = vpow2.f32 v14;
	v14 =	vsub.f32 $1.000000000e+00, v24;
	[tilespmem:s10+$0x16510] =	vst v7;
	v7 =	vsub.f32 $1.000000000e+00, v22  }
0x198: {  	v33 =	vadd.f32 $1.000000000e+00, v13;
	v24 =	vmul.f32 $1.442695020e+00, v5;
	v22 =	vld [tilespmem:s24+$0xE520];
	v32 =	vpop (erf);
	v19 =	vsub.f32 $1.000000000e+00, v19;
	[tilespmem:s10+$0x12530] =	vst v8  }
0x199: {  	v4 =	vsub.f32 $1.000000000e+00, v4;
	v8 =	vadd.f32 v21, v1;
	v1 =	vld [tilespmem:s24+$0xE510];
	(erf) = vrcp.f32 v15;
	[tilespmem:s10+$0x16520] =	vst v7  }
0x19a: {  	v2 =	vadd.f32 v3, v2;
	v6 =	vadd.f32 v6, v0;
	v5 =	vld [tilespmem:s24+$0x6510];
	(erf) = vrcp.f32 v33;
	[tilespmem:s10+$0x12500] =	vst v19  }
0x19b: {  	v21 =	vadd.f32 v32, v32;
	v3 =	vld [tilespmem:s24+$0x2520];
	v11 =	vadd.f32 v11, v12;
	(erf) = vpow2.f32 v24;
	v13 =	vpop (erf);
	[tilespmem:s10+$0x12510] =	vst v4  }
0x19c: {  	v7 =	vadd.f32 v23, v27;
	v23 =	vadd.f32 v17, v12;
	(erf) = vpow2.f32 v10;
	[tilespmem:s10+$0x16500] =	vst v14;
	v0 =	vmovc v27;
	s10 =	smov.u32 s17;
	s17 =	smov.u32 s20;
	s20 =	smov.u32 s24  }
0x19d: {  	v20 =	vadd.f32 $1.000000000e+00, v20;
	v10 =	vadd.f32 v26, v0;
	[tilespmem:s17+$0x1A500] =	vst v6;
	v4 =	vpop (erf);
	(erf) = vpow2.f32 v18  }
0x19e: {  	v14 =	vadd.f32 v28, v1;
	[tilespmem:s17+$0x1A520] =	vst v2;
	v17 =	vadd.f32 $1.000000000e+00, v4;
	(erf) = vrcp.f32 v9;
	v2 =	vmovc v22  }
0x19f: {  	v4 =	vadd.f32 v31, v31;
	v9 =	vadd.f32 v25, v2;
	v18 =	vld [tilespmem:s20+$0x6530];
	[tilespmem:s17+$0x1A510] =	vst v8;
	(erf) = vrcp.f32 v20;
	v6 =	vpop (erf)  }
0x1a0: {  	v19 =	vadd.f32 v3, v2;
	[tilespmem:s20+$0x1A530] =	vst v11;
	(erf) = vpow2.f32 v29;
	v15 =	vpop (erf);
	v6 =	vadd.f32 v6, v6  }
.Ltmp3:
0x1a1: {  	v14 =	vadd.f32 v14, v14;
	v8 =	vsub.f32 $1.000000000e+00, v4;
	(erf) = vrcp.f32 v16;
	(pc) =	sbr.rel @p0 .LBB2_8-.Ltmp3, $4  }
0x1a2: {  	v24 =	vadd.f32 v19, v19;
	(erf) = vpow2.f32 v30;
	v11 =	vsub.f32 $1.000000000e+00, v6;
	v3 =	vpop (erf)  }
0x1a3: {  	v19 =	vadd.f32 $1.000000000e+00, v13;
	v4 =	vadd.f32 v3, v3;
	[tilespmem:s10+$0x12520] =	vst v8;
	v22 =	vpop (erf)  }
0x1a4: {  	v8 =	vsub.f32 $1.000000000e+00, v21;
	v3 =	vld [tilespmem:s20+$0xA520];
	v18 =	vadd.f32 v18, v12;
	v13 =	vpop (erf);
	(erf) = vrcp.f32 v17  }
0x1a5: {  	v20 =	vadd.f32 v23, v23;
	v17 =	vmul.f32 $1.442695020e+00, v24;
	v12 =	vadd.f32 v22, v22;
	v6 =	vld [tilespmem:s20+$0xA500];
	v16 =	vpop (erf)  }
0x1a6: {  	_ = 	snop  }
0x1a7: {  	v20 =	vmul.f32 $1.442695020e+00, v20  }
0x1a8: {  	(erf) = vrcp.f32 v19;
	v46 =	vpop (erf)  }
0x1a9: {  	v5 =	vadd.f32 v5, v1;
	v19 =	vadd.f32 $1.000000000e+00, v46;
	(erf) = vpow2.f32 v20  }
0x1aa: {  	v14 =	vmul.f32 $1.442695020e+00, v14;
	(erf) = vpow2.f32 v17  }
0x1ab: {  	v15 =	vadd.f32 $1.000000000e+00, v15;
	v47 =	vpop (erf);
	v5 =	vadd.f32 v5, v5;
	(erf) = vrcp.f32 v19  }
0x1ac: {  	v10 =	vadd.f32 v10, v10;
	v13 =	vadd.f32 $1.000000000e+00, v13;
	v48 =	vpop (erf);
	(erf) = vpow2.f32 v14  }
0x1ad: {  	v49 =	vadd.f32 v18, v18;
	v50 =	vpop (erf);
	v5 =	vmul.f32 $1.442695020e+00, v5;
	(erf) = vrcp.f32 v15  }
0x1ae: {  	v10 =	vmul.f32 $1.442695020e+00, v10;
	v51 =	vpop (erf);
	(erf) = vrcp.f32 v13  }
0x1af: {  	v52 =	vmul.f32 $1.442695020e+00, v49;
	v53 =	vpop (erf);
	(erf) = vpow2.f32 v5  }
0x1b0: {  	v54 =	vadd.f32 v7, v7;
	v55 =	vadd.f32 $1.000000000e+00, v53;
	v56 =	vpop (erf);
	(erf) = vpow2.f32 v10  }
0x1b1: {  	v58 =	vadd.f32 $1.000000000e+00, v50;
	v57 =	vpop (erf);
	(erf) = vpow2.f32 v52  }
0x1b2: {  	v9 =	vadd.f32 v9, v9;
	v5 =	vmul.f32 $1.442695020e+00, v54;
	v59 =	vpop (erf);
	(erf) = vrcp.f32 v55  }
0x1b3: {  	v60 =	vadd.f32 $1.000000000e+00, v16;
	v61 =	vpop (erf);
	(erf) = vrcp.f32 v58  }
0x1b4: {  	v26 =	vld [tilespmem:s20+$0xA510];
	v9 =	vmul.f32 $1.442695020e+00, v9;
	v62 =	vpop (erf);
	(erf) = vpow2.f32 v5  }
0x1b5: {  	v63 =	vpop (erf);
	(erf) = vrcp.f32 v60  }
0x1b6: {  	v4 =	vsub.f32 $1.000000000e+00, v4;
	(erf) = vpow2.f32 v9;
	v24 =	vpop (erf)  }
0x1b7: {  	v12 =	vsub.f32 $1.000000000e+00, v12;
	v2 =	vadd.f32 v3, v2;
	v25 =	vpop (erf)  }
0x1b8: {  	v17 =	vadd.f32 v47, v47;
	v0 =	vadd.f32 v6, v0;
	v21 =	vpop (erf)  }
0x1b9: {  	[tilespmem:s10+$0x16530] =	vst v11;
	v19 =	vadd.f32 v48, v48;
	v32 =	vadd.f32 v26, v1;
	v22 =	vpop (erf)  }
0x1ba: {  	[tilespmem:s10+$0x12530] =	vst v8;
	v27 =	vsub.f32 $1.000000000e+00, v17;
	v15 =	vadd.f32 v51, v51;
	v23 =	vpop (erf)  }
0x1bb: {  	[tilespmem:s10+$0x12510] =	vst v4;
	v19 =	vsub.f32 $1.000000000e+00, v19;
	v16 =	vadd.f32 $1.000000000e+00, v61;
	v28 =	vpop (erf)  }
0x1bc: {  	[tilespmem:s10+$0x16510] =	vst v12;
	v39 =	vadd.f32 v56, v56;
	v30 =	vadd.f32 $1.000000000e+00, v59;
	v31 =	vpop (erf)  }
0x1bd: {  	[tilespmem:s10+$0x16520] =	vst v27;
	v29 =	vsub.f32 $1.000000000e+00, v15;
	(erf) = vrcp.f32 v16;
	v33 =	vadd.f32 $1.000000000e+00, v23;
	v34 =	vpop (erf)  }
0x1be: {  	[tilespmem:s10+$0x16500] =	vst v19;
	v45 =	vadd.f32 v57, v57;
	v5 =	vadd.f32 $1.000000000e+00, v63;
	(erf) = vrcp.f32 v30;
	v35 =	vpop (erf)  }
0x1bf: {  	v43 =	vsub.f32 $1.000000000e+00, v39;
	[tilespmem:s10+$0x12500] =	vst v29;
	v37 =	vadd.f32 $1.000000000e+00, v21;
	(erf) = vrcp.f32 v33;
	v36 =	vpop (erf)  }
0x1c0: {  	[tilespmem:s20+$0x1A500] =	vst v0;
	v48 =	vsub.f32 $1.000000000e+00, v45;
	(erf) = vrcp.f32 v5;
	v38 =	vadd.f32 $1.000000000e+00, v36  }
0x1c1: {  	[tilespmem:s20+$0x1A520] =	vst v2;
	v41 =	vadd.f32 v62, v62;
	v40 =	vadd.f32 $1.000000000e+00, v34;
	(erf) = vrcp.f32 v37  }
0x1c2: {  	[tilespmem:s20+$0x1A510] =	vst v32;
	v44 =	vadd.f32 v25, v25;
	v42 =	vadd.f32 $1.000000000e+00, v22;
	(erf) = vrcp.f32 v38  }
0x1c3: {  	[tilespmem:s17+$0x12520] =	vst v43;
	v0 =	vsub.f32 $1.000000000e+00, v41;
	v46 =	vadd.f32 v28, v28;
	(erf) = vrcp.f32 v40  }
0x1c4: {  	[tilespmem:s17+$0x12530] =	vst v48;
	v51 =	vadd.f32 v24, v24;
	v47 =	vsub.f32 $1.000000000e+00, v44;
	(erf) = vrcp.f32 v42  }
0x1c5: {  	[tilespmem:s17+$0x16530] =	vst v0;
	v53 =	vadd.f32 v31, v31;
	v1 =	vsub.f32 $1.000000000e+00, v46  }
0x1c6: {  	[tilespmem:s17+$0x16510] =	vst v47;
	v50 =	vadd.f32 v35, v35;
	v5 =	vsub.f32 $1.000000000e+00, v51;
	v49 =	vpop (erf)  }
0x1c7: {  	v6 =	vsub.f32 $1.000000000e+00, v53;
	[tilespmem:s17+$0x16520] =	vst v1;
	v0 =	vadd.f32 v49, v49;
	v52 =	vpop (erf)  }
0x1c8: {  	v4 =	vsub.f32 $1.000000000e+00, v50;
	[tilespmem:s17+$0x12510] =	vst v5;
	v54 =	vpop (erf);
	v2 =	vadd.f32 v52, v52  }
0x1c9: {  	[tilespmem:s17+$0x16500] =	vst v6;
	v0 =	vsub.f32 $1.000000000e+00, v0;
	v55 =	vpop (erf);
	v3 =	vadd.f32 v54, v54  }
0x1ca: {  	[tilespmem:s17+$0x12500] =	vst v4;
	v56 =	vpop (erf);
	v2 =	vsub.f32 $1.000000000e+00, v2;
	v1 =	vadd.f32 v55, v55  }
0x1cb: {  	[tilespmem:s20+$0x12520] =	vst v0;
	v4 =	vadd.f32 v56, v56;
	v3 =	vsub.f32 $1.000000000e+00, v3;
	v57 =	vpop (erf)  }
0x1cc: {  	[tilespmem:s20+$0x12530] =	vst v2;
	v1 =	vsub.f32 $1.000000000e+00, v1;
	v58 =	vpop (erf);
	v59 =	vadd.f32 v57, v57  }
0x1cd: {  	v4 =	vsub.f32 $1.000000000e+00, v4;
	[tilespmem:s20+$0x16530] =	vst v3;
	v60 =	vpop (erf);
	v62 =	vadd.f32 v58, v58  }
0x1ce: {  	[tilespmem:s20+$0x12510] =	vst v1;
	v61 =	vadd.f32 v60, v60;
	v0 =	vsub.f32 $1.000000000e+00, v59  }
0x1cf: {  	s17 =	sadd.s32 s12, s16;
	[tilespmem:s20+$0x16510] =	vst v4;
	v63 =	vsub.f32 $1.000000000e+00, v62  }
0x1d0: {  	s10 =	sshll.u32 s17, $0x3;
	v3 =	vsub.f32 $1.000000000e+00, v61;
	[tilespmem:s20+$0x16520] =	vst v0  }
0x1d1: {  	s1 =	sadd.s32 $0x1, s1;
	s10 =	sand.u32 $0x1FFFFC00, s10;
	[tilespmem:s20+$0x16500] =	vst v63  }
0x1d2: {  	p0 =	sne.s32 s1, $0x19;
	s23 =	sadd.s32 s3, s10;
	[tilespmem:s20+$0x12500] =	vst v3  }
0x1d3: {  	[hbm4b:s23+s7] =	stream.linear.scatter [tilespmem:s28], [sflag:$0x6], $0x2000, $0x38;
	[tilespmem:$0x1C500] =	vst v63  }
.Ltmp4:
0x1d4: {  	_ = 	snop;
	(pc) =	sbr.rel @p0 .LBB2_2-.Ltmp4, $4  }
0x1d5: {  	s24 =	sadd.s32 s5, s10  }
0x1d6: {  	[hbm4b:s24+s7] =	stream.linear.scatter [tilespmem:s19], [sflag:$0x6], $0x2000, $0x38;
	[tilespmem:$0x1C500] =	vst v63  }
0x1d7: {  	s10 =	sadd.s32 s6, s10  }
0x1d8: {  	[hbm4b:s10+s7] =	stream.linear.scatter [tilespmem:s15], [sflag:$0x6], $0x2000, $0x38;
	[tilespmem:$0x1C500] =	vst v63  }
0x1d9: {  	_ =	swait.ge [sflag:s4], $0x2000  }
0x1da: {  	[sflag:s4] =	ssyncset.done $0x0  }
0x1db: {  	[sflag:s4] =	ssyncadd.s32 $0xFFFFE000  }
0x1dc: {  	_ =	swait.ge [sflag:s4], $0x2000  }
0x1dd: {  	[sflag:s4] =	ssyncset.done $0x0  }
0x1de: {  	[sflag:s4] =	ssyncadd.s32 $0xFFFFE000  }
0x1df: {  	_ =	swait.ge [sflag:s4], $0x2000  }
0x1e0: {  	s10 =	rddreg [dreg:$0xb]  }
0x1e1: {  	s1 =	rddreg [dreg:$0xa];
	s10 =	sadd.s32 $0x1, s10  }
0x1e2: {  	p0 =	sne.s32 s10, s1  }
.Ltmp5:
0x1e3: {  	_ = 	snop;
	(pc) =	sbr.rel @p0 .LBB2_1-.Ltmp5, $3  }
0x1e4: {  	_ =	sdelay $0x1  }
0x1e5: {  	[sflag:s4] =	ssyncset.done $0x0  }
0x1e6: {  	[sflag:s4] =	ssyncadd.s32 $0xFFFFE000  }
0x1e7: {  	_ =	sfence.sel $0x180000  }
0x1e8: {  	[bflag:$0x0] =	sbarrier.arrive $0xFFFF  }
0x1e9: {  	_ =	strace $0x90000047  }
0x1ea: {  	s0 =	stileid.u32;
	[bflag:$0x2] =	sbarrier.arrive $0xFFFF  }
0x1eb: {  	p0 =	sne.s32 s0, $0x0;
	s0 =	rddreg [dreg:$0x6]  }
0x1ec: {  	s0 =	sadd.s32 @!p0 $0x100000, s0  }
0x1ed: {  	[sflag:s0] =	ssyncadd.tile.s32 @!p0 $0x1;
	_ =	shalt  }
.Lfunc_end2:
_tile_overlayer_lowered:
.L_overlay_start_2:
0x1ee: {  	(tag) =	ssettag $0x2  }
0x1ef: {  	s0 =	rddreg [dreg:$0x0];
	s2 =	stileid.u32  }
0x1f0: {  	s1 =	rddreg [dreg:$0x1];
	p0 =	sne.s32 s2, $0x0  }
0x1f1: {  	s3 =	rddreg [dreg:$0x2];
	[bflag:$0x3] =	sbarrier.arrive $0xFFFF;
	s2 =	simm.s32 @!p0 $0x1C07  }
0x1f2: {  	[timem:s3], [sflag:s2] =	dma.local @!p0 [hbm:s0], s1  }
0x1f3: {  	s0 =	simm.s32 @!p0 $0x7  }
0x1f4: {  	_ =	swait.ge @!p0 [sflag:s0], s1  }
0x1f5: {  	s1 =	ssub.s32 @!p0 $0x0, s1;
	[sflag:s0] =	ssyncset.done @!p0 $0x0  }
0x1f6: {  	[sflag:s0] =	ssyncadd.s32 @!p0 s1  }
0x1f7: {  	[bflag:$0x3] =	sbarrier.arrive $0xFFFF  }
0x1f8: {  	_ =	shalt  }

// kernel: sparse-core-data-format-call.1.cloned.1.call-start
scs
called_computation.1_lowered:
.L_overlay_start_0:
0x0: {  	s2 =	sld [smem:$0x3FD9]  }
0x1: {  	s3 =	sld [smem:$0x3FFE];
	_ =	sdelay $0x1  }
0x2: {  	s1 =	srdreg.scid  }
0x3: {  	s0 =	sand.u32 $0x1, s1  }
0x4: {  	s15 =	sshll.u32 s0, $0xA;
	s2 =	sadd.s32 s3, s2  }
0x5: {  	s2 =	sadd.s32 s2, s15  }
0x6: {  	[smem:$0x3FC0] =	sst s2  }
0x7: {  	_ = 	snop  }
0x8: {  	s2 =	sld [smem:$0x3FD0];
	_ =	sdelay $0x2  }
0x9: {  	s16 =	simm.s32 $0xC;
	s4 =	simm.s32 $0x10  }
0xa: {  	[smem:s4], [sflag:s16] =	dma.local [hbm:s2], $0x1  }
0xb: {  	_ =	swait.eq [sflag:s16], $0x1  }
0xc: {  	[sflag:s16] =	ssyncset.done $0x0  }
0xd: {  	[sflag:s16] =	ssyncadd.s32 $0xFFFFFFFF  }
0xe: {  	s17 =	sld [smem:$0x11];
	(tm) =	ssettm $0x1  }
0xf: {  	s18 =	sld [smem:$0x3FFB];
	_ =	sdelay $0x3  }
0x10: {  	_ =	strace s18  }
0x11: {  	s3 =	sld [smem:$0x3FFC];
	_ =	sdelay $0x3  }
0x12: {  	_ =	strace s3  }
0x13: {  	s3 =	sld [smem:$0x3FFD];
	_ =	sdelay $0x3  }
0x14: {  	_ =	strace s3  }
0x15: {  	_ =	strace $0x8FFFFFFF  }
0x16: {  	s19 =	sld [smem:$0x3FDB];
	_ =	sdelay $0x1  }
0x17: {  	s20 =	simm.s32 $_scs_section_size  }
0x18: {  	s5 =	simm.s32 $_size__tile_overlayer_lowered;
	s6 =	simm.s32 $_tile_overlayer_lowered  }
0x19: {  	s23 =	simm.s32 $0x1BFF;
	s22 =	sshll.u32 s6, $0x1;
	s3 =	sadd.s32 s20, s19  }
0x1a: {  	s7 =	simm.s32 $0x0;
	s21 =	sshll.u32 s5, $0x1;
	s5 =	sadd.s32 s22, s3  }
0x1b: {  	[timem:s7], [sflag:s23] =	dma.local [hbm:s5], s21  }
0x1c: {  	_ =	swait.ge [sflag:s23], s21  }
0x1d: {  	s4 =	ssub.s32 $0x0, s21;
	[sflag:s23] =	ssyncset.done $0x0  }
0x1e: {  	[sflag:s23] =	ssyncadd.s32 s4;
	_ =	sdelay $0x1  }
0x1f: {  	s24 =	simm.s32 $0x1B8B  }
0x20: {  	_ =	swait.ge [sflag:s24], $0x1  }
0x21: {  	[sflag:s24] =	ssyncset.done $0x0  }
0x22: {  	s26 =	simm.s32 $0x1B8E;
	s25 =	sld [smem:$0x3FFE];
	[sflag:s24] =	ssyncadd.s32 $0xFFFFFFFF  }
0x23: {  	s27 =	simm.s32 $execute0_lowered;
	[smem:$0x3FD2] =	sst s26  }
0x24: {  	s5 =	sshll.u32 s27, $0x1;
	_ =	strace $0x80000049;
	[dreg:$0x1] =	wrdreg $0xFFFFFFFF  }
0x25: {  	s28 =	simm.s32 $_size_execute0_lowered;
	s3 =	sadd.s32 s3, s5;
	[dreg:$0x0] =	wrdreg $0x0  }
0x26: {  	s5 =	sshll.u32 s28, $0x1;
	[dreg:$0x2] =	wrdreg s3  }
0x27: {  	[dreg:$0x3] =	wrdreg s5  }
0x28: {  	[dreg:$0x4] =	wrdreg $0xC0  }
0x29: {  	_ =	task [dreg:s7], $0x5FFFF  }
0x2a: {  	[dreg:$0x1] =	wrdreg $0xFFFFFFFF  }
0x2b: {  	[dreg:$0x0] =	wrdreg $0x60  }
0x2c: {  	[dreg:$0x2] =	wrdreg s25  }
0x2d: {  	[dreg:$0x3] =	wrdreg s17  }
0x2e: {  	[dreg:$0x4] =	wrdreg $0xA  }
0x2f: {  	_ =	task.clear_ibuf [dreg:s7], $0x5FFFF;
	_ =	strace $0x90000049  }
0x30: {  	s29 =	simm.s32 $0xA;
	_ =	strace $0x8000004B  }
0x31: {  	_ =	swait.ge [sflag:s29], $0x1  }
0x32: {  	[sflag:s29] =	ssyncadd.s32 $0xFFFFFFFF  }
0x33: {  	_ =	strace $0x9000004B  }
0x34: {  	_ =	sfence  }
0x35: {  	s30 =	sld [smem:$0x0];
	_ =	sdelay $0x2  }
0x36: {  	s31 =	sshll.u32 s1, $0xD;
	s1 =	sshrl.u32 s1, $0x2  }
0x37: {  	s3 =	sand.u32 $0x4000, s31;
	s1 =	sadd.s32 s1, s30  }
0x38: {  	s0 =	sor.u32 s3, s0;
	s1 =	sshll.u32 s1, $0x11  }
0x39: {  	s0 =	sor.u32 s1, s0  }
0x3a: {  	s0 =	sadd.s32 $0x8F2B, s0  }
0x3b: {  	[sflag:s0] =	ssyncadd.remote.s32 $0x1  }
0x3c: {  	_ =	sfence.sel $0xFFFF  }
0x3d: {  	[dreg:$0x0] =	wrdreg $0xFFFFFFFF;
	(pc) =	sbr.abs _section_cstart, $3  }
0x3e: {  	[dreg:$0x1] =	wrdreg $0xFFFFFFFF  }
0x3f: {  	_ =	task.clear_ibuf [dreg:s7], $0x2FFFF;
	_ =	strace $0x9FFFFFFF  }
0x40: {  	(tm) =	ssettm $0x7FFFFFFF  }
0x41: {  	_ =	shalt  }
tec
execute0_lowered:
.L_overlay_start_1:
0x0: {  	(tag) =	ssettag $0x1  }
0x1: {  	s0 =	srdreg.scid  }
0x2: {  	s1 =	sshll.u32 s0, $0x4  }
0x3: {  	s0 =	stileid.u32;
	s1 =	sand.u32 $0x10, s1  }
0x4: {  	s1 =	sor.u32 s0, s1  }
0x5: {  	s6 =	rddreg [dreg:$0x0];
	s4 =	simm.s32 $0x1;
	s2 =	sshll.u32 s1, $0x7  }
0x6: {  	s7 =	simm.s32 $0x2;
	s12 =	simm.s32 $0x0;
	s1 =	ssub.s32 $0x1000, s2  }
0x7: {  	s8 =	simm.s32 $0x8000;
	s13 =	simm.s32 $0x0;
	s3 =	sand.u32 $0xF80, s1  }
0x8: {  	s9 =	simm.s32 $0x0;
	s5 =	sshrl.u32 s1, $0xC;
	p0 =	sne.s32 s3, $0x0  }
.Ltmp0:
0x9: {  	s1 =	rddreg [dreg:$0x2];
	s4 =	simm.s32 @!p0 $0x0;
	(pc) =	sbr.rel .LBB1_1-.Ltmp0, $4  }
0xa: {  	s11 =	simm.s32 $0x0;
	s3 =	rddreg [dreg:$0x1];
	s5 =	sadd.s32 s4, s5  }
0xb: {  	_ =	strace $0x8000004A;
	s4 =	simm.s32 $0x1;
	s5 =	smul.u32 $0x32, s5  }
0xc: {  	s6 =	sadd.s32 $0x3E00, s6;
	s10 =	smov.u32 s2;
	[sflag:s4] =	ssyncpa.u1 $0x0  }
0xd: {  	p0 =	por $0x0, $0x0;
	[sflag:s7] =	ssyncpa.u1 $0x0;
	s7 =	sor.u32 $0x1, s5  }
.LBB1_4:
0xe: {  	s16 =	sshll.u32 s13, $0x3;
	s17 =	sand.u32 $0x78, s13  }
0xf: {  	s30 =	sand.u32 $0x7E00, s13;
	s12 =	sshll.u32 s12, $0xF;
	s16 =	sand.u32 $0xC00, s16  }
0x10: {  	[tilespmem:s15+$0x810 ss:$0x81] =	vst.msk $0xffff, v2;
	s31 =	sand.u32 $0x7, s13;
	s16 =	sor.u32 s17, s16;
	s17 =	sadd.s32 s3, s30  }
0x11: {  	[tilespmem:s15+$0x1020 ss:$0x81] =	vst.msk $0xffff, v0;
	s13 =	sshll.u32 s31, $0x12;
	s12 =	sadd.s32 s12, s17;
	s16 =	sshrl.u32 s16, $0x3  }
0x12: {  	[tilespmem:s15+$0x0 ss:$0x81] =	vst.msk $0xffff, v1;
	s13 =	sor.u32 $0x400, s13;
	s12 =	sadd.s32 s16, s12  }
0x13: {  	[hbm4b:s12+s13] =	stream.strided.scatter [tilespmem:s14], [sflag:$0x2], $0x2000, s8, s13, $0x20;
	[tilespmem:$0x8080] =	vst v63  }
.LBB1_5:
0x14: {  	s14 =	sadd.s32 $0x1, s9  }
0x15: {  	s12 =	sadd.s32 $0x1000, s10;
	s16 =	smov.u32 s10;
	p2 =	sgt.s32 s14, $0x31  }
0x16: {  	s16 =	smov.u32 @p2 s12  }
0x17: {  	s14 =	simm.s32 @p2 $0x0;
	p2 =	sgt.s32 s16, $0xFFF  }
0x18: {  	s16 =	smov.u32 @p2 s2;
	p2 =	sne.s32 s11, s7  }
.Ltmp1:
0x19: {  	p1 =	slt.u32 s11, $0x2;
	(pc) =	sbr.rel @!p2 .LBB1_6-.Ltmp1, $4  }
0x1a: {  	s15 =	simm.s32 @!p1 $0x2  }
0x1b: {  	s13 =	smov.u32 s10;
	p0 =	por !p0, !p0;
	_ =	swait.ge @!p1 [sflag:s15], $0x2000  }
0x1c: {  	s12 =	smov.u32 s9;
	[sflag:s15] =	ssyncset.done @!p1 $0x0;
	s9 =	smov.u32 s14  }
0x1d: {  	s11 =	sadd.s32 $0x1, s11;
	[sflag:s15] =	ssyncadd.s32 @!p1 $0xFFFFE000;
	s10 =	smov.u32 s16  }
.LBB1_1:
0x1e: {  	p1 =	sge.u32 s11, s5  }
0x1f: {  	s14 =	sand.u32 @!p1 $0x1FFFFFF, s9  }
0x20: {  	s15 =	smulhi.u32 @!p1 $0x4924925, s14;
	_ =	sdelay $0x1  }
0x21: {  	s15 =	smul.u32 @!p1 $0x38, s15  }
0x22: {  	s16 =	sxor.u32 @!p1 $0xFFFFFFFF, s11;
	s17 =	smul.u32 @!p1 $0x380, s10  }
0x23: {  	s31 =	sadd.s32 $0xFFFFFFFF, s11;
	s16 =	sshll.u32 @!p1 s16, $0xD;
	s14 =	ssub.s32 @!p1 s14, s15  }
0x24: {  	s15 =	sand.u32 @!p1 $0x2000, s16;
	s16 =	sadd.s32 @!p1 s6, s17;
	s14 =	sshll.u32 @!p1 s14, $0x4  }
0x25: {  	s17 =	simm.s32 @!p1 $0x1C00;
	s14 =	sadd.s32 @!p1 s14, s16;
	s16 =	simm.s32 @!p1 $0x40  }
0x26: {  	[tilespmem:s15], [sflag:$0x1] =	stream.strided.gather @!p1 [hbm4b:s14+s16], $0x2000, s17, s16, $0x38;
	[tilespmem:$0x8080] =	vst v63  }
0x27: {  	p1 =	sge.u32 s31, s5  }
.Ltmp2:
0x28: {  	_ = 	snop;
	(pc) =	sbr.rel @p1 .LBB1_5-.Ltmp2, $1  }
0x29: {  	_ =	sdelay $0x3  }
0x2a: {  	s14 =	simm.s32 $0x1  }
0x2b: {  	_ =	swait.ge [sflag:s4], $0x2000;
	s14 =	simm.s32 @!p0 $0x0  }
0x2c: {  	[sflag:s4] =	ssyncset.done $0x0;
	s15 =	sshll.u32 s14, $0xD  }
0x2d: {  	[sflag:s4] =	ssyncadd.s32 $0xFFFFE000;
	s18 =	sor.u32 $0x20, s15  }
0x2e: {  	s14 =	smul.u32 $0x8100, s14;
	v3 =	vld [tilespmem:s18+$0x10]  }
0x2f: {  	s30 =	sand.u32 $0x1, s11;
	v2 =	vld [tilespmem:s18+$0xFFFFFFF0]  }
0x30: {  	s15 =	smul.u32 $0x8100, s30;
	s14 =	sshrl.u32 s14, $0x2;
	v0 =	vld [tilespmem:s18+$0x0]  }
0x31: {  	v1 =	vld [tilespmem:s18+$0xFFFFFFE0];
	s16 =	sor.u32 $0x4000, s14  }
0x32: {  	s31 =	sshrl.u32 s15, $0x2;
	s15 =	sadd.s32 $0x0, s16  }
0x33: {  	s17 =	simm.s32 $0x4;
	s18 =	sadd.s32 $0x40, s18;
	s14 =	sor.u32 $0x4000, s31;
	[tilespmem:s15+$0x1830 ss:$0x81] =	vst.msk $0xffff, v3  }
.LBB1_3:
0x34: {  	v3 =	vld [tilespmem:s18+$0x10];
	p1 =	sne.s32 s17, $0x1FC;
	[tilespmem:s15+$0x810 ss:$0x81] =	vst.msk $0xffff, v2;
	s19 =	smov.u32 s17;
	s17 =	sadd.s32 $0x4, s17  }
.Ltmp3:
0x35: {  	v2 =	vld [tilespmem:s18+$0xFFFFFFF0];
	[tilespmem:s15+$0x1020 ss:$0x81] =	vst.msk $0xffff, v0;
	(pc) =	sbr.rel @p1 .LBB1_3-.Ltmp3, $4  }
0x36: {  	v0 =	vld [tilespmem:s18+$0x0];
	[tilespmem:s15+$0x0 ss:$0x81] =	vst.msk $0xffff, v1  }
0x37: {  	s15 =	sshra.s32 s19, $0x2;
	v1 =	vld [tilespmem:s18+$0xFFFFFFE0]  }
0x38: {  	s15 =	sadd.s32 s15, s16  }
0x39: {  	s18 =	sadd.s32 $0x40, s18;
	[tilespmem:s15+$0x1830 ss:$0x81] =	vst.msk $0xffff, v3  }
.Ltmp4:
0x3a: {  	_ = 	snop;
	(pc) =	sbr.rel .LBB1_4-.Ltmp4, $1  }
0x3b: {  	_ =	sdelay $0x3  }
.LBB1_6:
0x3c: {  	_ =	sfence.sel $0x180000  }
0x3d: {  	s2 =	simm.s32 $0x1;
	[bflag:$0x0] =	sbarrier.arrive $0xFFFF  }
0x3e: {  	s31 =	simm.s32 $0x2;
	[sflag:s2] =	ssyncpa.u1 $0x1  }
0x3f: {  	[sflag:s31] =	ssyncpa.u1 $0x1  }
0x40: {  	p0 =	sne.s32 s0, $0x0;
	_ =	strace $0x9000004A  }
0x41: {  	s0 =	sadd.s32 @!p0 $0x100000, s1;
	[bflag:$0x2] =	sbarrier.arrive $0xFFFF  }
0x42: {  	[sflag:s0] =	ssyncadd.tile.s32 @!p0 $0x1;
	_ =	shalt  }
.Lfunc_end1:
_tile_overlayer_lowered:
.L_overlay_start_2:
0x43: {  	(tag) =	ssettag $0x2  }
0x44: {  	s0 =	rddreg [dreg:$0x0];
	s2 =	stileid.u32  }
0x45: {  	s1 =	rddreg [dreg:$0x1];
	p0 =	sne.s32 s2, $0x0  }
0x46: {  	s3 =	rddreg [dreg:$0x2];
	[bflag:$0x3] =	sbarrier.arrive $0xFFFF;
	s2 =	simm.s32 @!p0 $0x1C01  }
0x47: {  	[timem:s3], [sflag:s2] =	dma.local @!p0 [hbm:s0], s1  }
0x48: {  	s0 =	simm.s32 @!p0 $0x1  }
0x49: {  	_ =	swait.ge @!p0 [sflag:s0], s1  }
0x4a: {  	s1 =	ssub.s32 @!p0 $0x0, s1;
	[sflag:s0] =	ssyncset.done @!p0 $0x0  }
0x4b: {  	[sflag:s0] =	ssyncadd.s32 @!p0 s1  }
0x4c: {  	[bflag:$0x3] =	sbarrier.arrive $0xFFFF  }
0x4d: {  	_ =	shalt  }

// kernel: sparse-core-data-format-call.2.cloned.1.call-start
scs
called_computation.2_lowered:
.L_overlay_start_0:
0x0: {  	s2 =	sld [smem:$0x3FD9]  }
0x1: {  	s3 =	sld [smem:$0x3FFE];
	_ =	sdelay $0x1  }
0x2: {  	s1 =	srdreg.scid  }
0x3: {  	s0 =	sand.u32 $0x1, s1  }
0x4: {  	s16 =	sshll.u32 s0, $0xA;
	s2 =	sadd.s32 s3, s2  }
0x5: {  	s2 =	sadd.s32 s2, s16  }
0x6: {  	[smem:$0x3FC0] =	sst s2  }
0x7: {  	_ = 	snop  }
0x8: {  	s2 =	sld [smem:$0x3FD0];
	_ =	sdelay $0x2  }
0x9: {  	s17 =	simm.s32 $0xC;
	s4 =	simm.s32 $0x10  }
0xa: {  	[smem:s4], [sflag:s17] =	dma.local [hbm:s2], $0x1  }
0xb: {  	_ =	swait.eq [sflag:s17], $0x1  }
0xc: {  	[sflag:s17] =	ssyncset.done $0x0  }
0xd: {  	[sflag:s17] =	ssyncadd.s32 $0xFFFFFFFF  }
0xe: {  	s18 =	sld [smem:$0x10];
	(tm) =	ssettm $0x1  }
0xf: {  	s19 =	sld [smem:$0x3FFB];
	_ =	sdelay $0x3  }
0x10: {  	_ =	strace s19  }
0x11: {  	s2 =	sld [smem:$0x3FFC];
	_ =	sdelay $0x3  }
0x12: {  	_ =	strace s2  }
0x13: {  	s2 =	sld [smem:$0x3FFD];
	_ =	sdelay $0x3  }
0x14: {  	_ =	strace s2  }
0x15: {  	_ =	strace $0x8FFFFFFF  }
0x16: {  	s20 =	sld [smem:$0x3FDB];
	_ =	sdelay $0x1  }
0x17: {  	s21 =	simm.s32 $_scs_section_size  }
0x18: {  	s5 =	simm.s32 $_size__tile_overlayer_lowered;
	s6 =	simm.s32 $_tile_overlayer_lowered  }
0x19: {  	s7 =	simm.s32 $0x1BFF;
	s22 =	sshll.u32 s6, $0x1;
	s4 =	sadd.s32 s21, s20  }
0x1a: {  	s23 =	simm.s32 $0x0;
	s5 =	sshll.u32 s5, $0x1;
	s6 =	sadd.s32 s22, s4  }
0x1b: {  	[timem:s23], [sflag:s7] =	dma.local [hbm:s6], s5  }
0x1c: {  	_ =	swait.ge [sflag:s7], s5  }
0x1d: {  	s5 =	ssub.s32 $0x0, s5;
	[sflag:s7] =	ssyncset.done $0x0  }
0x1e: {  	[sflag:s7] =	ssyncadd.s32 s5;
	_ =	sdelay $0x1  }
0x1f: {  	s24 =	simm.s32 $0x1B8B  }
0x20: {  	_ =	swait.ge [sflag:s24], $0x1  }
0x21: {  	[sflag:s24] =	ssyncset.done $0x0  }
0x22: {  	[sflag:s24] =	ssyncadd.s32 $0xFFFFFFFF  }
0x23: {  	s5 =	sld [smem:$0x0]  }
0x24: {  	s6 =	sand.u32 $0xFFFFFFFE, s1  }
0x25: {  	p0 =	sne.s32 s1, s6  }
0x26: {  	s6 =	sshll.u32 @p0 s6, $0xE  }
0x27: {  	s6 =	sadd.s32 @p0 $0x11B8D, s6;
	s7 =	sshll.u32 @p0 s5, $0x11  }
0x28: {  	s6 =	sor.u32 @p0 s7, s6  }
0x29: {  	[sflag:s6] =	ssyncadd.remote.s32 @p0 $0x1;
	_ =	sdelay $0x1  }
0x2a: {  	s6 =	simm.s32 @p0 $0x1B8D  }
0x2b: {  	_ =	swait.eq @p0 [sflag:s6], $0x1  }
0x2c: {  	[sflag:s6] =	ssyncadd.s32 @p0 $0xFFFFFFFF  }
0x2d: {  	s7 =	sshll.u32 @!p0 s1, $0xE  }
0x2e: {  	s7 =	sor.u32 @!p0 $0x4000, s7;
	s6 =	simm.s32 @!p0 $0x1B8D  }
0x2f: {  	s5 =	sshll.u32 @!p0 s5, $0x11;
	s7 =	sadd.s32 @!p0 $0x11B8D, s7;
	_ =	swait.eq @!p0 [sflag:s6], $0x1  }
0x30: {  	s5 =	sor.u32 @!p0 s5, s7;
	[sflag:s6] =	ssyncadd.s32 @!p0 $0xFFFFFFFF  }
0x31: {  	s26 =	simm.s32 $0x1B8E;
	s25 =	sld [smem:$0x3FFE];
	[sflag:s5] =	ssyncadd.remote.s32 @!p0 $0x1  }
0x32: {  	s27 =	simm.s32 $execute0_lowered;
	[smem:$0x3FD2] =	sst s26  }
0x33: {  	s6 =	sshll.u32 s27, $0x1;
	_ =	strace $0x8000004C;
	[dreg:$0x1] =	wrdreg $0xFFFFFFFF  }
0x34: {  	s28 =	simm.s32 $_size_execute0_lowered;
	s4 =	sadd.s32 s4, s6;
	[dreg:$0x0] =	wrdreg $0x0  }
0x35: {  	s6 =	sshll.u32 s28, $0x1;
	[dreg:$0x2] =	wrdreg s4  }
0x36: {  	[dreg:$0x3] =	wrdreg s6  }
0x37: {  	[dreg:$0x4] =	wrdreg $0xC0  }
0x38: {  	_ =	task [dreg:s23], $0x5FFFF  }
0x39: {  	[dreg:$0x1] =	wrdreg $0xFFFFFFFF  }
0x3a: {  	[dreg:$0x0] =	wrdreg $0x60  }
0x3b: {  	[dreg:$0x2] =	wrdreg s25  }
0x3c: {  	[dreg:$0x3] =	wrdreg s18  }
0x3d: {  	[dreg:$0x4] =	wrdreg $0xB  }
0x3e: {  	_ =	task.clear_ibuf [dreg:s23], $0x5FFFF;
	_ =	strace $0x9000004C  }
0x3f: {  	s29 =	simm.s32 $0xB;
	_ =	strace $0x8000004E  }
0x40: {  	_ =	swait.ge [sflag:s29], $0x1  }
0x41: {  	[sflag:s29] =	ssyncadd.s32 $0xFFFFFFFF  }
0x42: {  	_ =	strace $0x9000004E  }
0x43: {  	_ =	sfence  }
0x44: {  	s30 =	sld [smem:$0x0];
	_ =	sdelay $0x2  }
0x45: {  	s31 =	sshll.u32 s1, $0xD;
	s1 =	sshrl.u32 s1, $0x2  }
0x46: {  	s4 =	sand.u32 $0x4000, s31;
	s1 =	sadd.s32 s1, s30  }
0x47: {  	s0 =	sor.u32 s4, s0;
	s1 =	sshll.u32 s1, $0x11  }
0x48: {  	s0 =	sor.u32 s1, s0  }
0x49: {  	s0 =	sadd.s32 $0x8F2B, s0  }
0x4a: {  	[sflag:s0] =	ssyncadd.remote.s32 $0x1  }
0x4b: {  	_ =	sfence.sel $0xFFFF  }
0x4c: {  	[dreg:$0x0] =	wrdreg $0xFFFFFFFF;
	(pc) =	sbr.abs _section_cstart, $3  }
0x4d: {  	[dreg:$0x1] =	wrdreg $0xFFFFFFFF  }
0x4e: {  	_ =	task.clear_ibuf [dreg:s23], $0x2FFFF;
	_ =	strace $0x9FFFFFFF  }
0x4f: {  	(tm) =	ssettm $0x7FFFFFFF  }
tec
execute0_lowered:
.L_overlay_start_1:
0x0: {  	(tag) =	ssettag $0x1  }
0x1: {  	s0 =	srdreg.scid  }
0x2: {  	s1 =	sshll.u32 s0, $0x4  }
0x3: {  	s0 =	stileid.u32;
	s1 =	sand.u32 $0x10, s1  }
0x4: {  	s1 =	sor.u32 s0, s1  }
0x5: {  	s6 =	rddreg [dreg:$0x0];
	s4 =	simm.s32 $0x1;
	s2 =	sshll.u32 s1, $0x7  }
0x6: {  	s7 =	simm.s32 $0x2;
	s12 =	simm.s32 $0x0;
	s1 =	ssub.s32 $0x1000, s2  }
0x7: {  	s8 =	simm.s32 $0x8000;
	s13 =	simm.s32 $0x0;
	s3 =	sand.u32 $0xF80, s1  }
0x8: {  	s9 =	simm.s32 $0x0;
	s5 =	sshrl.u32 s1, $0xC;
	p0 =	sne.s32 s3, $0x0  }
.Ltmp0:
0x9: {  	s1 =	rddreg [dreg:$0x2];
	s4 =	simm.s32 @!p0 $0x0;
	(pc) =	sbr.rel .LBB1_1-.Ltmp0, $4  }
0xa: {  	s11 =	simm.s32 $0x0;
	s3 =	rddreg [dreg:$0x1];
	s5 =	sadd.s32 s4, s5  }
0xb: {  	_ =	strace $0x8000004D;
	s4 =	simm.s32 $0x1;
	s5 =	smul.u32 $0x32, s5  }
0xc: {  	s6 =	sadd.s32 $0x383E00, s6;
	s10 =	smov.u32 s2;
	[sflag:s4] =	ssyncpa.u1 $0x0  }
0xd: {  	p0 =	por $0x0, $0x0;
	[sflag:s7] =	ssyncpa.u1 $0x0;
	s7 =	sor.u32 $0x1, s5  }
.LBB1_4:
0xe: {  	s16 =	sshll.u32 s13, $0x3;
	s17 =	sand.u32 $0x78, s13  }
0xf: {  	s30 =	sand.u32 $0x7E00, s13;
	s12 =	sshll.u32 s12, $0xF;
	s16 =	sand.u32 $0xC00, s16  }
0x10: {  	[tilespmem:s15+$0x810 ss:$0x81] =	vst.msk $0xffff, v2;
	s31 =	sand.u32 $0x7, s13;
	s16 =	sor.u32 s17, s16;
	s17 =	sadd.s32 s3, s30  }
0x11: {  	[tilespmem:s15+$0x1020 ss:$0x81] =	vst.msk $0xffff, v0;
	s13 =	sshll.u32 s31, $0x12;
	s12 =	sadd.s32 s12, s17;
	s16 =	sshrl.u32 s16, $0x3  }
0x12: {  	[tilespmem:s15+$0x0 ss:$0x81] =	vst.msk $0xffff, v1;
	s13 =	sor.u32 $0x400, s13;
	s12 =	sadd.s32 s16, s12  }
0x13: {  	[hbm4b:s12+s13] =	stream.strided.scatter [tilespmem:s14], [sflag:$0x2], $0x2000, s8, s13, $0x20;
	[tilespmem:$0x8080] =	vst v63  }
.LBB1_5:
0x14: {  	s14 =	sadd.s32 $0x1, s9  }
0x15: {  	s12 =	sadd.s32 $0x1000, s10;
	s16 =	smov.u32 s10;
	p2 =	sgt.s32 s14, $0x31  }
0x16: {  	s16 =	smov.u32 @p2 s12  }
0x17: {  	s14 =	simm.s32 @p2 $0x0;
	p2 =	sgt.s32 s16, $0xFFF  }
0x18: {  	s16 =	smov.u32 @p2 s2;
	p2 =	sne.s32 s11, s7  }
.Ltmp1:
0x19: {  	p1 =	slt.u32 s11, $0x2;
	(pc) =	sbr.rel @!p2 .LBB1_6-.Ltmp1, $4  }
0x1a: {  	s15 =	simm.s32 @!p1 $0x2  }
0x1b: {  	s13 =	smov.u32 s10;
	p0 =	por !p0, !p0;
	_ =	swait.ge @!p1 [sflag:s15], $0x2000  }
0x1c: {  	s12 =	smov.u32 s9;
	[sflag:s15] =	ssyncset.done @!p1 $0x0;
	s9 =	smov.u32 s14  }
0x1d: {  	s11 =	sadd.s32 $0x1, s11;
	[sflag:s15] =	ssyncadd.s32 @!p1 $0xFFFFE000;
	s10 =	smov.u32 s16  }
.LBB1_1:
0x1e: {  	p1 =	sge.u32 s11, s5  }
0x1f: {  	s14 =	sand.u32 @!p1 $0x1FFFFFF, s9  }
0x20: {  	s15 =	smulhi.u32 @!p1 $0x4924925, s14;
	_ =	sdelay $0x1  }
0x21: {  	s15 =	smul.u32 @!p1 $0x38, s15  }
0x22: {  	s16 =	sxor.u32 @!p1 $0xFFFFFFFF, s11;
	s17 =	smul.u32 @!p1 $0x380, s10  }
0x23: {  	s31 =	sadd.s32 $0xFFFFFFFF, s11;
	s16 =	sshll.u32 @!p1 s16, $0xD;
	s14 =	ssub.s32 @!p1 s14, s15  }
0x24: {  	s15 =	sand.u32 @!p1 $0x2000, s16;
	s16 =	sadd.s32 @!p1 s6, s17;
	s14 =	sshll.u32 @!p1 s14, $0x4  }
0x25: {  	s17 =	simm.s32 @!p1 $0x1C00;
	s14 =	sadd.s32 @!p1 s14, s16;
	s16 =	simm.s32 @!p1 $0x40  }
0x26: {  	[tilespmem:s15], [sflag:$0x1] =	stream.strided.gather @!p1 [hbm4b:s14+s16], $0x2000, s17, s16, $0x38;
	[tilespmem:$0x8080] =	vst v63  }
0x27: {  	p1 =	sge.u32 s31, s5  }
.Ltmp2:
0x28: {  	_ = 	snop;
	(pc) =	sbr.rel @p1 .LBB1_5-.Ltmp2, $1  }
0x29: {  	_ =	sdelay $0x3  }
0x2a: {  	s14 =	simm.s32 $0x1  }
0x2b: {  	_ =	swait.ge [sflag:s4], $0x2000;
	s14 =	simm.s32 @!p0 $0x0  }
0x2c: {  	[sflag:s4] =	ssyncset.done $0x0;
	s15 =	sshll.u32 s14, $0xD  }
0x2d: {  	[sflag:s4] =	ssyncadd.s32 $0xFFFFE000;
	s18 =	sor.u32 $0x20, s15  }
0x2e: {  	s14 =	smul.u32 $0x8100, s14;
	v3 =	vld [tilespmem:s18+$0x10]  }
0x2f: {  	s30 =	sand.u32 $0x1, s11;
	v2 =	vld [tilespmem:s18+$0xFFFFFFF0]  }
0x30: {  	s15 =	smul.u32 $0x8100, s30;
	s14 =	sshrl.u32 s14, $0x2;
	v0 =	vld [tilespmem:s18+$0x0]  }
0x31: {  	v1 =	vld [tilespmem:s18+$0xFFFFFFE0];
	s16 =	sor.u32 $0x4000, s14  }
0x32: {  	s31 =	sshrl.u32 s15, $0x2;
	s15 =	sadd.s32 $0x0, s16  }
0x33: {  	s17 =	simm.s32 $0x4;
	s18 =	sadd.s32 $0x40, s18;
	s14 =	sor.u32 $0x4000, s31;
	[tilespmem:s15+$0x1830 ss:$0x81] =	vst.msk $0xffff, v3  }
.LBB1_3:
0x34: {  	v3 =	vld [tilespmem:s18+$0x10];
	p1 =	sne.s32 s17, $0x1FC;
	[tilespmem:s15+$0x810 ss:$0x81] =	vst.msk $0xffff, v2;
	s19 =	smov.u32 s17;
	s17 =	sadd.s32 $0x4, s17  }
.Ltmp3:
0x35: {  	v2 =	vld [tilespmem:s18+$0xFFFFFFF0];
	[tilespmem:s15+$0x1020 ss:$0x81] =	vst.msk $0xffff, v0;
	(pc) =	sbr.rel @p1 .LBB1_3-.Ltmp3, $4  }
0x36: {  	v0 =	vld [tilespmem:s18+$0x0];
	[tilespmem:s15+$0x0 ss:$0x81] =	vst.msk $0xffff, v1  }
0x37: {  	s15 =	sshra.s32 s19, $0x2;
	v1 =	vld [tilespmem:s18+$0xFFFFFFE0]  }
0x38: {  	s15 =	sadd.s32 s15, s16  }
0x39: {  	s18 =	sadd.s32 $0x40, s18;
	[tilespmem:s15+$0x1830 ss:$0x81] =	vst.msk $0xffff, v3  }
.Ltmp4:
0x3a: {  	_ = 	snop;
	(pc) =	sbr.rel .LBB1_4-.Ltmp4, $1  }
0x3b: {  	_ =	sdelay $0x3  }
.LBB1_6:
0x3c: {  	_ =	sfence.sel $0x180000  }
0x3d: {  	s2 =	simm.s32 $0x1;
	[bflag:$0x0] =	sbarrier.arrive $0xFFFF  }
0x3e: {  	s31 =	simm.s32 $0x2;
	[sflag:s2] =	ssyncpa.u1 $0x1  }
0x3f: {  	[sflag:s31] =	ssyncpa.u1 $0x1  }
0x40: {  	p0 =	sne.s32 s0, $0x0;
	_ =	strace $0x9000004D  }
0x41: {  	s0 =	sadd.s32 @!p0 $0x100000, s1;
	[bflag:$0x2] =	sbarrier.arrive $0xFFFF  }
0x42: {  	[sflag:s0] =	ssyncadd.tile.s32 @!p0 $0x1;
	_ =	shalt  }
.Lfunc_end1:
_tile_overlayer_lowered:
.L_overlay_start_2:
0x43: {  	(tag) =	ssettag $0x2  }
0x44: {  	s0 =	rddreg [dreg:$0x0];
	s2 =	stileid.u32  }
0x45: {  	s1 =	rddreg [dreg:$0x1];
	p0 =	sne.s32 s2, $0x0  }
0x46: {  	s3 =	rddreg [dreg:$0x2];
	[bflag:$0x3] =	sbarrier.arrive $0xFFFF;
	s2 =	simm.s32 @!p0 $0x1C01  }
0x47: {  	[timem:s3], [sflag:s2] =	dma.local @!p0 [hbm:s0], s1  }
0x48: {  	s0 =	simm.s32 @!p0 $0x1  }
0x49: {  	_ =	swait.ge @!p0 [sflag:s0], s1  }
0x4a: {  	s1 =	ssub.s32 @!p0 $0x0, s1;
	[sflag:s0] =	ssyncset.done @!p0 $0x0  }
0x4b: {  	[sflag:s0] =	ssyncadd.s32 @!p0 s1  }
0x4c: {  	[bflag:$0x3] =	sbarrier.arrive $0xFFFF  }
0x4d: {  	_ =	shalt  }

// kernel: sparse-core-data-format-call.cloned.1.call-start
scs
called_computation_lowered:
.L_overlay_start_0:
0x0: {  	s2 =	sld [smem:$0x3FD9]  }
0x1: {  	s3 =	sld [smem:$0x3FFE];
	_ =	sdelay $0x1  }
0x2: {  	s1 =	srdreg.scid  }
0x3: {  	s0 =	sand.u32 $0x1, s1  }
0x4: {  	s16 =	sshll.u32 s0, $0xA;
	s2 =	sadd.s32 s3, s2  }
0x5: {  	s2 =	sadd.s32 s2, s16  }
0x6: {  	[smem:$0x3FC0] =	sst s2  }
0x7: {  	_ = 	snop  }
0x8: {  	s2 =	sld [smem:$0x3FD0];
	_ =	sdelay $0x2  }
0x9: {  	s17 =	simm.s32 $0xC;
	s4 =	simm.s32 $0x10  }
0xa: {  	[smem:s4], [sflag:s17] =	dma.local [hbm:s2], $0x1  }
0xb: {  	_ =	swait.eq [sflag:s17], $0x1  }
0xc: {  	[sflag:s17] =	ssyncset.done $0x0  }
0xd: {  	[sflag:s17] =	ssyncadd.s32 $0xFFFFFFFF  }
0xe: {  	s18 =	sld [smem:$0x12];
	(tm) =	ssettm $0x1  }
0xf: {  	s19 =	sld [smem:$0x3FFB];
	_ =	sdelay $0x3  }
0x10: {  	_ =	strace s19  }
0x11: {  	s2 =	sld [smem:$0x3FFC];
	_ =	sdelay $0x3  }
0x12: {  	_ =	strace s2  }
0x13: {  	s2 =	sld [smem:$0x3FFD];
	_ =	sdelay $0x3  }
0x14: {  	_ =	strace s2  }
0x15: {  	_ =	strace $0x8FFFFFFF  }
0x16: {  	s20 =	sld [smem:$0x3FDB];
	_ =	sdelay $0x1  }
0x17: {  	s21 =	simm.s32 $_scs_section_size  }
0x18: {  	s5 =	simm.s32 $_size__tile_overlayer_lowered;
	s6 =	simm.s32 $_tile_overlayer_lowered  }
0x19: {  	s7 =	simm.s32 $0x1BFF;
	s22 =	sshll.u32 s6, $0x1;
	s4 =	sadd.s32 s21, s20  }
0x1a: {  	s23 =	simm.s32 $0x0;
	s5 =	sshll.u32 s5, $0x1;
	s6 =	sadd.s32 s22, s4  }
0x1b: {  	[timem:s23], [sflag:s7] =	dma.local [hbm:s6], s5  }
0x1c: {  	_ =	swait.ge [sflag:s7], s5  }
0x1d: {  	s5 =	ssub.s32 $0x0, s5;
	[sflag:s7] =	ssyncset.done $0x0  }
0x1e: {  	[sflag:s7] =	ssyncadd.s32 s5;
	_ =	sdelay $0x1  }
0x1f: {  	s24 =	simm.s32 $0x1B8B  }
0x20: {  	_ =	swait.ge [sflag:s24], $0x1  }
0x21: {  	[sflag:s24] =	ssyncset.done $0x0  }
0x22: {  	[sflag:s24] =	ssyncadd.s32 $0xFFFFFFFF  }
0x23: {  	s5 =	sld [smem:$0x0]  }
0x24: {  	s6 =	sand.u32 $0xFFFFFFFE, s1  }
0x25: {  	p0 =	sne.s32 s1, s6  }
0x26: {  	s6 =	sshll.u32 @p0 s6, $0xE  }
0x27: {  	s6 =	sadd.s32 @p0 $0x11B8D, s6;
	s7 =	sshll.u32 @p0 s5, $0x11  }
0x28: {  	s6 =	sor.u32 @p0 s7, s6  }
0x29: {  	[sflag:s6] =	ssyncadd.remote.s32 @p0 $0x1;
	_ =	sdelay $0x1  }
0x2a: {  	s6 =	simm.s32 @p0 $0x1B8D  }
0x2b: {  	_ =	swait.eq @p0 [sflag:s6], $0x1  }
0x2c: {  	[sflag:s6] =	ssyncadd.s32 @p0 $0xFFFFFFFF  }
0x2d: {  	s7 =	sshll.u32 @!p0 s1, $0xE  }
0x2e: {  	s7 =	sor.u32 @!p0 $0x4000, s7;
	s6 =	simm.s32 @!p0 $0x1B8D  }
0x2f: {  	s5 =	sshll.u32 @!p0 s5, $0x11;
	s7 =	sadd.s32 @!p0 $0x11B8D, s7;
	_ =	swait.eq @!p0 [sflag:s6], $0x1  }
0x30: {  	s5 =	sor.u32 @!p0 s5, s7;
	[sflag:s6] =	ssyncadd.s32 @!p0 $0xFFFFFFFF  }
0x31: {  	s26 =	simm.s32 $0x1B8E;
	s25 =	sld [smem:$0x3FFE];
	[sflag:s5] =	ssyncadd.remote.s32 @!p0 $0x1  }
0x32: {  	s27 =	simm.s32 $execute0_lowered;
	[smem:$0x3FD2] =	sst s26  }
0x33: {  	s6 =	sshll.u32 s27, $0x1;
	_ =	strace $0x8000004F;
	[dreg:$0x1] =	wrdreg $0xFFFFFFFF  }
0x34: {  	s28 =	simm.s32 $_size_execute0_lowered;
	s4 =	sadd.s32 s4, s6;
	[dreg:$0x0] =	wrdreg $0x0  }
0x35: {  	s6 =	sshll.u32 s28, $0x1;
	[dreg:$0x2] =	wrdreg s4  }
0x36: {  	[dreg:$0x3] =	wrdreg s6  }
0x37: {  	[dreg:$0x4] =	wrdreg $0xC0  }
0x38: {  	_ =	task [dreg:s23], $0x5FFFF  }
0x39: {  	[dreg:$0x1] =	wrdreg $0xFFFFFFFF  }
0x3a: {  	[dreg:$0x0] =	wrdreg $0x60  }
0x3b: {  	[dreg:$0x2] =	wrdreg s25  }
0x3c: {  	[dreg:$0x3] =	wrdreg s18  }
0x3d: {  	[dreg:$0x4] =	wrdreg $0x9  }
0x3e: {  	_ =	task.clear_ibuf [dreg:s23], $0x5FFFF;
	_ =	strace $0x9000004F  }
0x3f: {  	s29 =	simm.s32 $0x9;
	_ =	strace $0x80000051  }
0x40: {  	_ =	swait.ge [sflag:s29], $0x1  }
0x41: {  	[sflag:s29] =	ssyncadd.s32 $0xFFFFFFFF  }
0x42: {  	_ =	strace $0x90000051  }
0x43: {  	_ =	sfence  }
0x44: {  	s30 =	sld [smem:$0x0];
	_ =	sdelay $0x2  }
0x45: {  	s31 =	sshll.u32 s1, $0xD;
	s1 =	sshrl.u32 s1, $0x2  }
0x46: {  	s4 =	sand.u32 $0x4000, s31;
	s1 =	sadd.s32 s1, s30  }
0x47: {  	s0 =	sor.u32 s4, s0;
	s1 =	sshll.u32 s1, $0x11  }
0x48: {  	s0 =	sor.u32 s1, s0  }
0x49: {  	s0 =	sadd.s32 $0x8F2B, s0  }
0x4a: {  	[sflag:s0] =	ssyncadd.remote.s32 $0x1  }
0x4b: {  	_ =	sfence.sel $0xFFFF  }
0x4c: {  	[dreg:$0x0] =	wrdreg $0xFFFFFFFF;
	(pc) =	sbr.abs _section_cstart, $3  }
0x4d: {  	[dreg:$0x1] =	wrdreg $0xFFFFFFFF  }
0x4e: {  	_ =	task.clear_ibuf [dreg:s23], $0x2FFFF;
	_ =	strace $0x9FFFFFFF  }
0x4f: {  	(tm) =	ssettm $0x7FFFFFFF  }
tec
execute0_lowered:
.L_overlay_start_1:
0x0: {  	(tag) =	ssettag $0x1  }
0x1: {  	s0 =	srdreg.scid  }
0x2: {  	s1 =	sshll.u32 s0, $0x4  }
0x3: {  	s0 =	stileid.u32;
	s1 =	sand.u32 $0x10, s1  }
0x4: {  	s1 =	sor.u32 s0, s1  }
0x5: {  	s6 =	rddreg [dreg:$0x0];
	s4 =	simm.s32 $0x1;
	s2 =	sshll.u32 s1, $0x7  }
0x6: {  	s7 =	simm.s32 $0x2;
	s12 =	simm.s32 $0x0;
	s1 =	ssub.s32 $0x1000, s2  }
0x7: {  	s8 =	simm.s32 $0x8000;
	s13 =	simm.s32 $0x0;
	s3 =	sand.u32 $0xF80, s1  }
0x8: {  	s9 =	simm.s32 $0x0;
	s5 =	sshrl.u32 s1, $0xC;
	p0 =	sne.s32 s3, $0x0  }
.Ltmp0:
0x9: {  	s1 =	rddreg [dreg:$0x2];
	s4 =	simm.s32 @!p0 $0x0;
	(pc) =	sbr.rel .LBB1_1-.Ltmp0, $4  }
0xa: {  	s11 =	simm.s32 $0x0;
	s3 =	rddreg [dreg:$0x1];
	s5 =	sadd.s32 s4, s5  }
0xb: {  	_ =	strace $0x80000050;
	s4 =	simm.s32 $0x1;
	s5 =	smul.u32 $0x32, s5  }
0xc: {  	s6 =	sadd.s32 $0x861E00, s6;
	s10 =	smov.u32 s2;
	[sflag:s4] =	ssyncpa.u1 $0x0  }
0xd: {  	p0 =	por $0x0, $0x0;
	[sflag:s7] =	ssyncpa.u1 $0x0;
	s7 =	sor.u32 $0x1, s5  }
.LBB1_4:
0xe: {  	s16 =	sshll.u32 s13, $0x3;
	s17 =	sand.u32 $0x78, s13  }
0xf: {  	s30 =	sand.u32 $0x7E00, s13;
	s12 =	sshll.u32 s12, $0xF;
	s16 =	sand.u32 $0xC00, s16  }
0x10: {  	[tilespmem:s15+$0x810 ss:$0x81] =	vst.msk $0xffff, v2;
	s31 =	sand.u32 $0x7, s13;
	s16 =	sor.u32 s17, s16;
	s17 =	sadd.s32 s3, s30  }
0x11: {  	[tilespmem:s15+$0x1020 ss:$0x81] =	vst.msk $0xffff, v0;
	s13 =	sshll.u32 s31, $0x12;
	s12 =	sadd.s32 s12, s17;
	s16 =	sshrl.u32 s16, $0x3  }
0x12: {  	[tilespmem:s15+$0x0 ss:$0x81] =	vst.msk $0xffff, v1;
	s13 =	sor.u32 $0x400, s13;
	s12 =	sadd.s32 s16, s12  }
0x13: {  	[hbm4b:s12+s13] =	stream.strided.scatter [tilespmem:s14], [sflag:$0x2], $0x2000, s8, s13, $0x20;
	[tilespmem:$0x8080] =	vst v63  }
.LBB1_5:
0x14: {  	s14 =	sadd.s32 $0x1, s9  }
0x15: {  	s12 =	sadd.s32 $0x1000, s10;
	s16 =	smov.u32 s10;
	p2 =	sgt.s32 s14, $0x31  }
0x16: {  	s16 =	smov.u32 @p2 s12  }
0x17: {  	s14 =	simm.s32 @p2 $0x0;
	p2 =	sgt.s32 s16, $0xFFF  }
0x18: {  	s16 =	smov.u32 @p2 s2;
	p2 =	sne.s32 s11, s7  }
.Ltmp1:
0x19: {  	p1 =	slt.u32 s11, $0x2;
	(pc) =	sbr.rel @!p2 .LBB1_6-.Ltmp1, $4  }
0x1a: {  	s15 =	simm.s32 @!p1 $0x2  }
0x1b: {  	s13 =	smov.u32 s10;
	p0 =	por !p0, !p0;
	_ =	swait.ge @!p1 [sflag:s15], $0x2000  }
0x1c: {  	s12 =	smov.u32 s9;
	[sflag:s15] =	ssyncset.done @!p1 $0x0;
	s9 =	smov.u32 s14  }
0x1d: {  	s11 =	sadd.s32 $0x1, s11;
	[sflag:s15] =	ssyncadd.s32 @!p1 $0xFFFFE000;
	s10 =	smov.u32 s16  }
.LBB1_1:
0x1e: {  	p1 =	sge.u32 s11, s5  }
0x1f: {  	s14 =	sand.u32 @!p1 $0x1FFFFFF, s9  }
0x20: {  	s15 =	smulhi.u32 @!p1 $0x4924925, s14;
	_ =	sdelay $0x1  }
0x21: {  	s15 =	smul.u32 @!p1 $0x38, s15  }
0x22: {  	s16 =	sxor.u32 @!p1 $0xFFFFFFFF, s11;
	s17 =	smul.u32 @!p1 $0x380, s10  }
0x23: {  	s31 =	sadd.s32 $0xFFFFFFFF, s11;
	s16 =	sshll.u32 @!p1 s16, $0xD;
	s14 =	ssub.s32 @!p1 s14, s15  }
0x24: {  	s15 =	sand.u32 @!p1 $0x2000, s16;
	s16 =	sadd.s32 @!p1 s6, s17;
	s14 =	sshll.u32 @!p1 s14, $0x4  }
0x25: {  	s17 =	simm.s32 @!p1 $0x1C00;
	s14 =	sadd.s32 @!p1 s14, s16;
	s16 =	simm.s32 @!p1 $0x40  }
0x26: {  	[tilespmem:s15], [sflag:$0x1] =	stream.strided.gather @!p1 [hbm4b:s14+s16], $0x2000, s17, s16, $0x38;
	[tilespmem:$0x8080] =	vst v63  }
0x27: {  	p1 =	sge.u32 s31, s5  }
.Ltmp2:
0x28: {  	_ = 	snop;
	(pc) =	sbr.rel @p1 .LBB1_5-.Ltmp2, $1  }
0x29: {  	_ =	sdelay $0x3  }
0x2a: {  	s14 =	simm.s32 $0x1  }
0x2b: {  	_ =	swait.ge [sflag:s4], $0x2000;
	s14 =	simm.s32 @!p0 $0x0  }
0x2c: {  	[sflag:s4] =	ssyncset.done $0x0;
	s15 =	sshll.u32 s14, $0xD  }
0x2d: {  	[sflag:s4] =	ssyncadd.s32 $0xFFFFE000;
	s18 =	sor.u32 $0x20, s15  }
0x2e: {  	s14 =	smul.u32 $0x8100, s14;
	v3 =	vld [tilespmem:s18+$0x10]  }
0x2f: {  	s30 =	sand.u32 $0x1, s11;
	v2 =	vld [tilespmem:s18+$0xFFFFFFF0]  }
0x30: {  	s15 =	smul.u32 $0x8100, s30;
	s14 =	sshrl.u32 s14, $0x2;
	v0 =	vld [tilespmem:s18+$0x0]  }
0x31: {  	v1 =	vld [tilespmem:s18+$0xFFFFFFE0];
	s16 =	sor.u32 $0x4000, s14  }
0x32: {  	s31 =	sshrl.u32 s15, $0x2;
	s15 =	sadd.s32 $0x0, s16  }
0x33: {  	s17 =	simm.s32 $0x4;
	s18 =	sadd.s32 $0x40, s18;
	s14 =	sor.u32 $0x4000, s31;
	[tilespmem:s15+$0x1830 ss:$0x81] =	vst.msk $0xffff, v3  }
.LBB1_3:
0x34: {  	v3 =	vld [tilespmem:s18+$0x10];
	p1 =	sne.s32 s17, $0x1FC;
	[tilespmem:s15+$0x810 ss:$0x81] =	vst.msk $0xffff, v2;
	s19 =	smov.u32 s17;
	s17 =	sadd.s32 $0x4, s17  }
.Ltmp3:
0x35: {  	v2 =	vld [tilespmem:s18+$0xFFFFFFF0];
	[tilespmem:s15+$0x1020 ss:$0x81] =	vst.msk $0xffff, v0;
	(pc) =	sbr.rel @p1 .LBB1_3-.Ltmp3, $4  }
0x36: {  	v0 =	vld [tilespmem:s18+$0x0];
	[tilespmem:s15+$0x0 ss:$0x81] =	vst.msk $0xffff, v1  }
0x37: {  	s15 =	sshra.s32 s19, $0x2;
	v1 =	vld [tilespmem:s18+$0xFFFFFFE0]  }
0x38: {  	s15 =	sadd.s32 s15, s16  }
0x39: {  	s18 =	sadd.s32 $0x40, s18;
	[tilespmem:s15+$0x1830 ss:$0x81] =	vst.msk $0xffff, v3  }
.Ltmp4:
0x3a: {  	_ = 	snop;
	(pc) =	sbr.rel .LBB1_4-.Ltmp4, $1  }
0x3b: {  	_ =	sdelay $0x3  }
.LBB1_6:
0x3c: {  	_ =	sfence.sel $0x180000  }
0x3d: {  	s2 =	simm.s32 $0x1;
	[bflag:$0x0] =	sbarrier.arrive $0xFFFF  }
0x3e: {  	s31 =	simm.s32 $0x2;
	[sflag:s2] =	ssyncpa.u1 $0x1  }
0x3f: {  	[sflag:s31] =	ssyncpa.u1 $0x1  }
0x40: {  	p0 =	sne.s32 s0, $0x0;
	_ =	strace $0x90000050  }
0x41: {  	s0 =	sadd.s32 @!p0 $0x100000, s1;
	[bflag:$0x2] =	sbarrier.arrive $0xFFFF  }
0x42: {  	[sflag:s0] =	ssyncadd.tile.s32 @!p0 $0x1;
	_ =	shalt  }
.Lfunc_end1:
_tile_overlayer_lowered:
.L_overlay_start_2:
0x43: {  	(tag) =	ssettag $0x2  }
0x44: {  	s0 =	rddreg [dreg:$0x0];
	s2 =	stileid.u32  }
0x45: {  	s1 =	rddreg [dreg:$0x1];
	p0 =	sne.s32 s2, $0x0  }
0x46: {  	s3 =	rddreg [dreg:$0x2];
	[bflag:$0x3] =	sbarrier.arrive $0xFFFF;
	s2 =	simm.s32 @!p0 $0x1C01  }
0x47: {  	[timem:s3], [sflag:s2] =	dma.local @!p0 [hbm:s0], s1  }
0x48: {  	s0 =	simm.s32 @!p0 $0x1  }
0x49: {  	_ =	swait.ge @!p0 [sflag:s0], s1  }
0x4a: {  	s1 =	ssub.s32 @!p0 $0x0, s1;
	[sflag:s0] =	ssyncset.done @!p0 $0x0  }
0x4b: {  	[sflag:s0] =	ssyncadd.s32 @!p0 s1  }
0x4c: {  	[bflag:$0x3] =	sbarrier.arrive $0xFFFF  }
0x4d: {  	_ =	shalt  }

</sc_bundles>
